<compile_context>
chip_gen: v7x
topology: tpu7x:2x2x1
jax: 0.10.2.dev20260603
libtpu: 0.0.44.dev20260713+nightly
codegen_flags: <defaults>
</compile_context>

<pallas_src>
import functools

import jax
import jax.numpy as jnp
from jax.experimental import pallas as pl
from jax.experimental.pallas import tpu as pltpu
from jax.experimental.pallas import tpu_sc as plsc

_F32 = jnp.float32
_HI = jax.lax.Precision.HIGHEST


def _knn_kernel(ctr_ref, asq_ref, bsq_ref, pT_ref, knn_ref, m_ref, *, n, bm, kk):
    iota = jax.lax.broadcasted_iota(jnp.int32, (bm, n), 1)
    inner = jax.lax.dot_general(ctr_ref[0], pT_ref[0], (((1,), (0,)), ((), ())))
    dist2 = jnp.clip((asq_ref[0] + bsq_ref[0]) - 2.0 * inner, 0.0, None)
    dist = jnp.sqrt(dist2 + 1e-8)
    m0 = jnp.where(dist <= 0.3, dist, 1e9)
    m_ref[...] = m0
    val = jnp.min(m0, axis=1, keepdims=True)
    cols = []
    big_i = jnp.int32(n)
    inf = jnp.float32(float("inf"))
    for _ in range(kk):
        m = m_ref[...]
        idx = jnp.min(jnp.where(m == val, iota, big_i), axis=1, keepdims=True)
        idx = jnp.minimum(idx, jnp.int32(n - 1))
        cols.append(idx)
        newm = jnp.where(iota == idx, inf, m)
        m_ref[...] = newm
        val = jnp.min(newm, axis=1, keepdims=True)
    knn_ref[0] = jnp.concatenate(cols, axis=1)


def _make_sc_gather(tot_rows, c):
    nw = 32
    per_w = tot_rows // nw
    nchunk = per_w // 128
    mesh = plsc.VectorSubcoreMesh(core_axis_name="c", subcore_axis_name="s")

    @functools.partial(
        pl.kernel, mesh=mesh,
        out_type=jax.ShapeDtypeStruct((tot_rows, c), _F32),
        scratch_types=[
            pltpu.VMEM((128,), jnp.int32),
            pltpu.VMEM((128, c), _F32),
            pltpu.SemaphoreType.DMA,
        ],
    )
    def gather(table_hbm, idx_hbm, out_hbm, idx_v, rows_v, sem):
        wid = jax.lax.axis_index("s") * 2 + jax.lax.axis_index("c")
        base = wid * per_w
        for t in range(nchunk):
            off = base + t * 128
            pltpu.sync_copy(idx_hbm.at[pl.ds(off, 128)], idx_v)
            pltpu.async_copy(table_hbm.at[idx_v], rows_v, sem).wait()
            pltpu.sync_copy(rows_v, out_hbm.at[pl.ds(off, 128)])

    return gather


def _mlp_kernel(nf_ref, cf_ref, s_ref, b_ref, w1_ref, b1_ref,
                w2_ref, b2_ref, w3_ref, b3_ref, o_ref, *, bm, c, kk):
    cf = cf_ref[0]
    sc_c = s_ref[0:1, 0:c]
    sc_n = s_ref[0:1, c:2 * c]
    sb_c = b_ref[0:1, 0:c]
    sb_n = b_ref[0:1, c:2 * c]
    w1a = w1_ref[0:c, :]
    w1b = w1_ref[c:2 * c, :]
    b1r = b1_ref[0:1, :]
    b2r = b2_ref[0:1, :]
    b3r = b3_ref[0:1, :]
    scf = jnp.sum(cf, axis=1, keepdims=True)
    scf2 = jnp.sum(cf * cf, axis=1, keepdims=True)
    acc = jnp.zeros((bm, c), dtype=_F32)
    denom = jnp.float32(2 * c)
    for k in range(kk):
        nf = nf_ref[0][:, k * c:(k + 1) * c]
        sn = jnp.sum(nf, axis=1, keepdims=True)
        sn2 = jnp.sum(nf * nf, axis=1, keepdims=True)
        mu = (scf + sn) / denom
        var = (scf2 + sn2) / denom - mu * mu
        inv = jax.lax.rsqrt(var + 1e-5)
        ncf = (cf - mu) * inv * sc_c + sb_c
        nnf = (nf - mu) * inv * sc_n + sb_n
        h = jnp.maximum(
            jnp.dot(ncf, w1a, preferred_element_type=_F32)
            + jnp.dot(nnf, w1b, preferred_element_type=_F32)
            + b1r, 0.0)
        cw = jax.nn.sigmoid(
            jnp.dot(h, w2_ref[...], preferred_element_type=_F32)
            + b2r)
        acc = acc + nf * cw
    weighted = acc * jnp.float32(1.0 / kk)
    fused = weighted + cf
    o_ref[0] = jnp.maximum(
        jnp.dot(fused, w3_ref[...], preferred_element_type=_F32)
        + b3r, 0.0)


def kernel(points, feats, center_idx, ln_scale, ln_bias, W1, b1, W2, b2, W3, b3):
    B, N, _ = points.shape
    _, M = center_idx.shape
    C = feats.shape[-1]
    OUT = W3.shape[0]
    K = 16
    BM = 128 if M % 128 == 0 else M
    NB = M // BM

    cidx = center_idx.astype(jnp.int32)
    points_T = jnp.swapaxes(points, 1, 2)
    centers = jnp.take_along_axis(points, center_idx[:, :, None], axis=1)
    a_sq = jnp.sum(centers ** 2, axis=-1, keepdims=True)
    b_sq = jnp.swapaxes(jnp.sum(points ** 2, axis=-1, keepdims=True), 1, 2)

    BMA = BM
    NBA = M // BMA
    knn = pl.pallas_call(
        functools.partial(_knn_kernel, n=N, bm=BMA, kk=K),
        grid=(B, NBA),
        in_specs=[
            pl.BlockSpec((1, BMA, 3), lambda b, m: (b * NBA + m, 0, 0)),
            pl.BlockSpec((1, BMA, 1), lambda b, m: (b * NBA + m, 0, 0)),
            pl.BlockSpec((1, 1, N), lambda b, m: (b, 0, 0)),
            pl.BlockSpec((1, 3, N), lambda b, m: (b, 0, 0)),
        ],
        out_specs=pl.BlockSpec((1, BMA, K), lambda b, m: (b, m, 0)),
        out_shape=jax.ShapeDtypeStruct((B, M, K), jnp.int32),
        scratch_shapes=[pltpu.VMEM((BMA, N), _F32)],
    )(centers.reshape(B * NBA, BMA, 3),
      a_sq.reshape(B * NBA, BMA, 1), b_sq, points_T)

    boff = (jnp.arange(B, dtype=jnp.int32) * N)
    gidx = jnp.concatenate([
        (knn + boff[:, None, None]).reshape(-1),
        (cidx + boff[:, None]).reshape(-1),
    ])
    tot = B * M * K + B * M
    gathered = _make_sc_gather(tot, C)(feats.reshape(B * N, C), gidx)
    nf_in = gathered[:B * M * K].reshape(B * NB, BM, K * C)
    cf_in = gathered[B * M * K:].reshape(B * NB, BM, C)

    out = pl.pallas_call(
        functools.partial(_mlp_kernel, bm=BM, c=C, kk=K),
        grid=(B, NB),
        in_specs=[
            pl.BlockSpec((1, BM, K * C), lambda b, m: (b * NB + m, 0, 0)),
            pl.BlockSpec((1, BM, C), lambda b, m: (b * NB + m, 0, 0)),
            pl.BlockSpec((1, 2 * C), lambda b, m: (0, 0)),
            pl.BlockSpec((1, 2 * C), lambda b, m: (0, 0)),
            pl.BlockSpec((2 * C, C), lambda b, m: (0, 0)),
            pl.BlockSpec((1, C), lambda b, m: (0, 0)),
            pl.BlockSpec((C, C), lambda b, m: (0, 0)),
            pl.BlockSpec((1, C), lambda b, m: (0, 0)),
            pl.BlockSpec((C, OUT), lambda b, m: (0, 0)),
            pl.BlockSpec((1, OUT), lambda b, m: (0, 0)),
        ],
        out_specs=pl.BlockSpec((1, BM, OUT), lambda b, m: (b, m, 0)),
        out_shape=jax.ShapeDtypeStruct((B, M, OUT), _F32),
    )(nf_in, cf_in,
      ln_scale.reshape(1, 2 * C), ln_bias.reshape(1, 2 * C),
      W1.T, b1.reshape(1, C), W2.T, b2.reshape(1, C),
      W3.T, b3.reshape(1, OUT))

    return (out, knn)

# --- scband reference (transcript-rebuilt; emitter-appended) ---
"""Pipeline reference for scband-dynamic-radius-channel-fusion-33208687133304 (READ-ONLY COPY).

The authoritative reference and input builder live on the scoring server;
editing this copy changes nothing except your own understanding.
"""

import jax, jax.numpy as jnp
import numpy as np

B, N, M, C, OUT, K = 2, 8192, 2048, 128, 128, 16
MAX_RADIUS = 0.3

def setup_inputs(seed: int = 0) -> dict:
    key = jax.random.key(seed)
    ks = jax.random.split(key, 10)
    points = jax.random.uniform(ks[0], (B, N, 3), dtype=jnp.float32)
    feats = jax.random.normal(ks[1], (B, N, C), dtype=jnp.float32)
    center_idx = jax.random.randint(ks[2], (B, M), 0, N, dtype=jnp.int64)
    ln_scale = jnp.ones((2 * C,), dtype=jnp.float32)
    ln_bias = jnp.zeros((2 * C,), dtype=jnp.float32)
    W1 = jax.random.normal(ks[3], (C, 2 * C), dtype=jnp.float32) * 0.02
    b1 = jnp.zeros((C,), dtype=jnp.float32)
    W2 = jax.random.normal(ks[4], (C, C), dtype=jnp.float32) * 0.02
    b2 = jnp.zeros((C,), dtype=jnp.float32)
    W3 = jax.random.normal(ks[5], (OUT, C), dtype=jnp.float32) * 0.02
    b3 = jnp.zeros((OUT,), dtype=jnp.float32)
    return {"points": points, "feats": feats, "center_idx": center_idx,
            "ln_scale": ln_scale, "ln_bias": ln_bias,
            "W1": W1, "b1": b1, "W2": W2, "b2": b2, "W3": W3, "b3": b3}

def _pairwise_distance(a, b):
    a_sq = jnp.sum(a ** 2, axis=-1, keepdims=True)
    b_sq = jnp.swapaxes(jnp.sum(b ** 2, axis=-1, keepdims=True), 1, 2)
    inner = jnp.einsum('bmd,bnd->bmn', a, b)
    return a_sq + b_sq - 2.0 * inner

def _layer_norm(x, scale, bias, eps=1e-5):
    mu = jnp.mean(x, axis=-1, keepdims=True)
    var = jnp.var(x, axis=-1, keepdims=True)
    return (x - mu) / jnp.sqrt(var + eps) * scale + bias

def reference(points, feats, center_idx, ln_scale, ln_bias, W1, b1, W2, b2, W3, b3):
    # gather center coordinates
    centers = jnp.take_along_axis(points, center_idx[:, :, None], axis=1)  # (B,M,3)
    dist2 = jnp.clip(_pairwise_distance(centers, points), 0.0, None)
    dist = jnp.sqrt(dist2 + 1e-8)
    # radius mask + top-k smallest
    mask = dist <= MAX_RADIUS
    masked = jnp.where(mask, dist, 1e9)
    masked = jnp.clip(masked, 0.0, None)
    k = min(K, N)
    neg_vals, knn_idx = jax.lax.top_k(-masked, k)
    knn_idx = jnp.clip(knn_idx, 0, N - 1)
    # gather neighbor feats
    batch_inds = jnp.arange(B)[:, None, None]
    neigh_feats = feats[batch_inds, knn_idx]  # (B,M,K,C)
    centers_feats = jnp.take_along_axis(feats, center_idx[:, :, None], axis=1)  # (B,M,C)
    centers_feats_exp = jnp.broadcast_to(centers_feats[:, :, None, :], (B, M, k, C))
    combo = jnp.concatenate([centers_feats_exp, neigh_feats], axis=-1)  # (B,M,K,2C)
    combo_flat = combo.reshape(-1, 2 * C)
    combo_norm = _layer_norm(combo_flat, ln_scale, ln_bias)
    h = jax.nn.relu(combo_norm @ W1.T + b1)
    channel_w = jax.nn.sigmoid(h @ W2.T + b2).reshape(B, M, k, C)
    weighted = jnp.mean(neigh_feats * channel_w, axis=2)
    fused = weighted + centers_feats
    out = jax.nn.relu(fused @ W3.T + b3)
    return (out, knn_idx)

if __name__ == "__main__":
    import jax
    _d = setup_inputs()
    print(jax.jit(kernel)(*tuple(_d.values())))

</pallas_src>

<mosaic_0001>
#map = affine_map<(d0, d1) -> (0, 0)>
#map1 = affine_map<(d0, d1) -> (0)>
module attributes {stable_mosaic.version = 14 : i64} {
  func.func @gather(%arg0: i32, %arg1: i32, %arg2: memref<16384x128xf32, #tpu.memory_space<hbm>>, %arg3: memref<69632xi32, #tpu.memory_space<hbm>>, %arg4: memref<69632x128xf32, #tpu.memory_space<hbm>>, %arg5: memref<128xi32, #tpu.memory_space<vmem>>, %arg6: memref<128x128xf32, #tpu.memory_space<vmem>>, %arg7: memref<!tpu.dma_semaphore, #tpu.memory_space<semaphore_mem>>) attributes {dimension_semantics = [#tpu.dimension_semantics<core_parallel>, #tpu.dimension_semantics<subcore_parallel>], iteration_bounds = array<i64: 2, 16>, scalar_prefetch = 0 : i64, scratch_operands = 3 : i64, tpu.core_type = #tpu.core_type<sc_vector_subcore>, window_params = [{transform_indices = #map}, {transform_indices = #map1}, {transform_indices = #map}]} {
    %mul3A = arith.constant 2 : i32
    %mul3A_0 = arith.muli %arg1, %mul3A : i32
    %add3A = arith.addi %mul3A_0, %arg0 : i32
    %mul3A_1 = arith.constant 2176 : i32
    %mul3A_2 = arith.muli %add3A, %mul3A_1 : i32
    %add3A_3 = arith.constant 0 : i32
    %add3A_4 = arith.addi %mul3A_2, %add3A_3 : i32
    "tpu.region"() ({
      %run_scoped3A = tpu.sem_alloc : memref<!tpu.dma_semaphore, #tpu.memory_space<semaphore_mem>>
      %dma_start3A_137 = tpu.memref_slice %arg3[%add3A_4] : memref<69632xi32, #tpu.memory_space<hbm>> -> memref<128xi32, #tpu.memory_space<hbm>>
      %dma_start3A_138 = tpu.memref_slice %arg3[%add3A_4] : memref<69632xi32, #tpu.memory_space<hbm>> -> memref<128xi32, #tpu.memory_space<hbm>>
      tpu.enqueue_dma source(%dma_start3A_138 : memref<128xi32, #tpu.memory_space<hbm>>) target(%arg5 : memref<128xi32, #tpu.memory_space<vmem>>) target_semaphore(%run_scoped3A : memref<!tpu.dma_semaphore, #tpu.memory_space<semaphore_mem>>)
      %dma_wait3A_139 = tpu.memref_slice %arg3[%add3A_4] : memref<69632xi32, #tpu.memory_space<hbm>> -> memref<128xi32, #tpu.memory_space<hbm>>
      %dma_wait3A_140 = tpu.memref_slice %arg3[%add3A_4] : memref<69632xi32, #tpu.memory_space<hbm>> -> memref<128xi32, #tpu.memory_space<hbm>>
      tpu.wait_dma2 semaphore(%run_scoped3A : memref<!tpu.dma_semaphore, #tpu.memory_space<semaphore_mem>>) src(%dma_wait3A_140 : memref<128xi32, #tpu.memory_space<hbm>>) dst(%arg5 : memref<128xi32, #tpu.memory_space<vmem>>)
      tpu.yield
    }) : () -> ()
    %dma_start3A = arith.constant 0 : i32
    %dma_start3A_5 = arith.constant 0 : i32
    %dma_start3A_6 = tpu.memref_slice %arg2[%dma_start3A, %dma_start3A_5] : memref<16384x128xf32, #tpu.memory_space<hbm>> -> memref<16384x128xf32, #tpu.memory_space<hbm>>
    tpu.enqueue_indirect_dma source(%dma_start3A_6 : memref<16384x128xf32, #tpu.memory_space<hbm>>) target(%arg6 : memref<128x128xf32, #tpu.memory_space<vmem>>) offsets(%arg5 : memref<128xi32, #tpu.memory_space<vmem>>) semaphore(%arg7 : memref<!tpu.dma_semaphore, #tpu.memory_space<semaphore_mem>>)
    %dma_wait3A = arith.constant 0 : i32
    %dma_wait3A_7 = arith.constant 0 : i32
    %dma_wait3A_8 = tpu.memref_slice %arg2[%dma_wait3A, %dma_wait3A_7] : memref<16384x128xf32, #tpu.memory_space<hbm>> -> memref<16384x128xf32, #tpu.memory_space<hbm>>
    tpu.wait_indirect_dma semaphore(%arg7 : memref<!tpu.dma_semaphore, #tpu.memory_space<semaphore_mem>>) src(%dma_wait3A_8 : memref<16384x128xf32, #tpu.memory_space<hbm>>) dst(%arg6 : memref<128x128xf32, #tpu.memory_space<vmem>>)
    "tpu.region"() ({
      %run_scoped3A = tpu.sem_alloc : memref<!tpu.dma_semaphore, #tpu.memory_space<semaphore_mem>>
      %dma_start3A_137 = arith.constant 0 : i32
      %dma_start3A_138 = tpu.memref_slice %arg4[%add3A_4, %dma_start3A_137] : memref<69632x128xf32, #tpu.memory_space<hbm>> -> memref<128x128xf32, #tpu.memory_space<hbm>>
      %dma_start3A_139 = arith.constant 0 : i32
      %dma_start3A_140 = tpu.memref_slice %arg4[%add3A_4, %dma_start3A_139] : memref<69632x128xf32, #tpu.memory_space<hbm>> -> memref<128x128xf32, #tpu.memory_space<hbm>>
      tpu.enqueue_dma source(%arg6 : memref<128x128xf32, #tpu.memory_space<vmem>>) target(%dma_start3A_140 : memref<128x128xf32, #tpu.memory_space<hbm>>) target_semaphore(%run_scoped3A : memref<!tpu.dma_semaphore, #tpu.memory_space<semaphore_mem>>)
      %dma_wait3A_141 = arith.constant 0 : i32
      %dma_wait3A_142 = tpu.memref_slice %arg4[%add3A_4, %dma_wait3A_141] : memref<69632x128xf32, #tpu.memory_space<hbm>> -> memref<128x128xf32, #tpu.memory_space<hbm>>
      %dma_wait3A_143 = arith.constant 0 : i32
      %dma_wait3A_144 = tpu.memref_slice %arg4[%add3A_4, %dma_wait3A_143] : memref<69632x128xf32, #tpu.memory_space<hbm>> -> memref<128x128xf32, #tpu.memory_space<hbm>>
      tpu.wait_dma2 semaphore(%run_scoped3A : memref<!tpu.dma_semaphore, #tpu.memory_space<semaphore_mem>>) src(%arg6 : memref<128x128xf32, #tpu.memory_space<vmem>>) dst(%dma_wait3A_144 : memref<128x128xf32, #tpu.memory_space<hbm>>)
      tpu.yield
    }) : () -> ()
    %add3A_9 = arith.constant 128 : i32
    %add3A_10 = arith.addi %mul3A_2, %add3A_9 : i32
    "tpu.region"() ({
      %run_scoped3A = tpu.sem_alloc : memref<!tpu.dma_semaphore, #tpu.memory_space<semaphore_mem>>
      %dma_start3A_137 = tpu.memref_slice %arg3[%add3A_10] : memref<69632xi32, #tpu.memory_space<hbm>> -> memref<128xi32, #tpu.memory_space<hbm>>
      %dma_start3A_138 = tpu.memref_slice %arg3[%add3A_10] : memref<69632xi32, #tpu.memory_space<hbm>> -> memref<128xi32, #tpu.memory_space<hbm>>
      tpu.enqueue_dma source(%dma_start3A_138 : memref<128xi32, #tpu.memory_space<hbm>>) target(%arg5 : memref<128xi32, #tpu.memory_space<vmem>>) target_semaphore(%run_scoped3A : memref<!tpu.dma_semaphore, #tpu.memory_space<semaphore_mem>>)
      %dma_wait3A_139 = tpu.memref_slice %arg3[%add3A_10] : memref<69632xi32, #tpu.memory_space<hbm>> -> memref<128xi32, #tpu.memory_space<hbm>>
      %dma_wait3A_140 = tpu.memref_slice %arg3[%add3A_10] : memref<69632xi32, #tpu.memory_space<hbm>> -> memref<128xi32, #tpu.memory_space<hbm>>
      tpu.wait_dma2 semaphore(%run_scoped3A : memref<!tpu.dma_semaphore, #tpu.memory_space<semaphore_mem>>) src(%dma_wait3A_140 : memref<128xi32, #tpu.memory_space<hbm>>) dst(%arg5 : memref<128xi32, #tpu.memory_space<vmem>>)
      tpu.yield
    }) : () -> ()
    %dma_start3A_11 = arith.constant 0 : i32
    %dma_start3A_12 = arith.constant 0 : i32
    %dma_start3A_13 = tpu.memref_slice %arg2[%dma_start3A_11, %dma_start3A_12] : memref<16384x128xf32, #tpu.memory_space<hbm>> -> memref<16384x128xf32, #tpu.memory_space<hbm>>
    tpu.enqueue_indirect_dma source(%dma_start3A_13 : memref<16384x128xf32, #tpu.memory_space<hbm>>) target(%arg6 : memref<128x128xf32, #tpu.memory_space<vmem>>) offsets(%arg5 : memref<128xi32, #tpu.memory_space<vmem>>) semaphore(%arg7 : memref<!tpu.dma_semaphore, #tpu.memory_space<semaphore_mem>>)
    %dma_wait3A_14 = arith.constant 0 : i32
    %dma_wait3A_15 = arith.constant 0 : i32
    %dma_wait3A_16 = tpu.memref_slice %arg2[%dma_wait3A_14, %dma_wait3A_15] : memref<16384x128xf32, #tpu.memory_space<hbm>> -> memref<16384x128xf32, #tpu.memory_space<hbm>>
    tpu.wait_indirect_dma semaphore(%arg7 : memref<!tpu.dma_semaphore, #tpu.memory_space<semaphore_mem>>) src(%dma_wait3A_16 : memref<16384x128xf32, #tpu.memory_space<hbm>>) dst(%arg6 : memref<128x128xf32, #tpu.memory_space<vmem>>)
    "tpu.region"() ({
      %run_scoped3A = tpu.sem_alloc : memref<!tpu.dma_semaphore, #tpu.memory_space<semaphore_mem>>
      %dma_start3A_137 = arith.constant 0 : i32
      %dma_start3A_138 = tpu.memref_slice %arg4[%add3A_10, %dma_start3A_137] : memref<69632x128xf32, #tpu.memory_space<hbm>> -> memref<128x128xf32, #tpu.memory_space<hbm>>
      %dma_start3A_139 = arith.constant 0 : i32
      %dma_start3A_140 = tpu.memref_slice %arg4[%add3A_10, %dma_start3A_139] : memref<69632x128xf32, #tpu.memory_space<hbm>> -> memref<128x128xf32, #tpu.memory_space<hbm>>
      tpu.enqueue_dma source(%arg6 : memref<128x128xf32, #tpu.memory_space<vmem>>) target(%dma_start3A_140 : memref<128x128xf32, #tpu.memory_space<hbm>>) target_semaphore(%run_scoped3A : memref<!tpu.dma_semaphore, #tpu.memory_space<semaphore_mem>>)
      %dma_wait3A_141 = arith.constant 0 : i32
      %dma_wait3A_142 = tpu.memref_slice %arg4[%add3A_10, %dma_wait3A_141] : memref<69632x128xf32, #tpu.memory_space<hbm>> -> memref<128x128xf32, #tpu.memory_space<hbm>>
      %dma_wait3A_143 = arith.constant 0 : i32
      %dma_wait3A_144 = tpu.memref_slice %arg4[%add3A_10, %dma_wait3A_143] : memref<69632x128xf32, #tpu.memory_space<hbm>> -> memref<128x128xf32, #tpu.memory_space<hbm>>
      tpu.wait_dma2 semaphore(%run_scoped3A : memref<!tpu.dma_semaphore, #tpu.memory_space<semaphore_mem>>) src(%arg6 : memref<128x128xf32, #tpu.memory_space<vmem>>) dst(%dma_wait3A_144 : memref<128x128xf32, #tpu.memory_space<hbm>>)
      tpu.yield
    }) : () -> ()
    %add3A_17 = arith.constant 256 : i32
    %add3A_18 = arith.addi %mul3A_2, %add3A_17 : i32
    "tpu.region"() ({
      %run_scoped3A = tpu.sem_alloc : memref<!tpu.dma_semaphore, #tpu.memory_space<semaphore_mem>>
      %dma_start3A_137 = tpu.memref_slice %arg3[%add3A_18] : memref<69632xi32, #tpu.memory_space<hbm>> -> memref<128xi32, #tpu.memory_space<hbm>>
      %dma_start3A_138 = tpu.memref_slice %arg3[%add3A_18] : memref<69632xi32, #tpu.memory_space<hbm>> -> memref<128xi32, #tpu.memory_space<hbm>>
      tpu.enqueue_dma source(%dma_start3A_138 : memref<128xi32, #tpu.memory_space<hbm>>) target(%arg5 : memref<128xi32, #tpu.memory_space<vmem>>) target_semaphore(%run_scoped3A : memref<!tpu.dma_semaphore, #tpu.memory_space<semaphore_mem>>)
      %dma_wait3A_139 = tpu.memref_slice %arg3[%add3A_18] : memref<69632xi32, #tpu.memory_space<hbm>> -> memref<128xi32, #tpu.memory_space<hbm>>
      %dma_wait3A_140 = tpu.memref_slice %arg3[%add3A_18] : memref<69632xi32, #tpu.memory_space<hbm>> -> memref<128xi32, #tpu.memory_space<hbm>>
      tpu.wait_dma2 semaphore(%run_scoped3A : memref<!tpu.dma_semaphore, #tpu.memory_space<semaphore_mem>>) src(%dma_wait3A_140 : memref<128xi32, #tpu.memory_space<hbm>>) dst(%arg5 : memref<128xi32, #tpu.memory_space<vmem>>)
      tpu.yield
    }) : () -> ()
    %dma_start3A_19 = arith.constant 0 : i32
    %dma_start3A_20 = arith.constant 0 : i32
    %dma_start3A_21 = tpu.memref_slice %arg2[%dma_start3A_19, %dma_start3A_20] : memref<16384x128xf32, #tpu.memory_space<hbm>> -> memref<16384x128xf32, #tpu.memory_space<hbm>>
    tpu.enqueue_indirect_dma source(%dma_start3A_21 : memref<16384x128xf32, #tpu.memory_space<hbm>>) target(%arg6 : memref<128x128xf32, #tpu.memory_space<vmem>>) offsets(%arg5 : memref<128xi32, #tpu.memory_space<vmem>>) semaphore(%arg7 : memref<!tpu.dma_semaphore, #tpu.memory_space<semaphore_mem>>)
    %dma_wait3A_22 = arith.constant 0 : i32
    %dma_wait3A_23 = arith.constant 0 : i32
    %dma_wait3A_24 = tpu.memref_slice %arg2[%dma_wait3A_22, %dma_wait3A_23] : memref<16384x128xf32, #tpu.memory_space<hbm>> -> memref<16384x128xf32, #tpu.memory_space<hbm>>
    tpu.wait_indirect_dma semaphore(%arg7 : memref<!tpu.dma_semaphore, #tpu.memory_space<semaphore_mem>>) src(%dma_wait3A_24 : memref<16384x128xf32, #tpu.memory_space<hbm>>) dst(%arg6 : memref<128x128xf32, #tpu.memory_space<vmem>>)
    "tpu.region"() ({
      %run_scoped3A = tpu.sem_alloc : memref<!tpu.dma_semaphore, #tpu.memory_space<semaphore_mem>>
      %dma_start3A_137 = arith.constant 0 : i32
      %dma_start3A_138 = tpu.memref_slice %arg4[%add3A_18, %dma_start3A_137] : memref<69632x128xf32, #tpu.memory_space<hbm>> -> memref<128x128xf32, #tpu.memory_space<hbm>>
      %dma_start3A_139 = arith.constant 0 : i32
      %dma_start3A_140 = tpu.memref_slice %arg4[%add3A_18, %dma_start3A_139] : memref<69632x128xf32, #tpu.memory_space<hbm>> -> memref<128x128xf32, #tpu.memory_space<hbm>>
      tpu.enqueue_dma source(%arg6 : memref<128x128xf32, #tpu.memory_space<vmem>>) target(%dma_start3A_140 : memref<128x128xf32, #tpu.memory_space<hbm>>) target_semaphore(%run_scoped3A : memref<!tpu.dma_semaphore, #tpu.memory_space<semaphore_mem>>)
      %dma_wait3A_141 = arith.constant 0 : i32
      %dma_wait3A_142 = tpu.memref_slice %arg4[%add3A_18, %dma_wait3A_141] : memref<69632x128xf32, #tpu.memory_space<hbm>> -> memref<128x128xf32, #tpu.memory_space<hbm>>
      %dma_wait3A_143 = arith.constant 0 : i32
      %dma_wait3A_144 = tpu.memref_slice %arg4[%add3A_18, %dma_wait3A_143] : memref<69632x128xf32, #tpu.memory_space<hbm>> -> memref<128x128xf32, #tpu.memory_space<hbm>>
      tpu.wait_dma2 semaphore(%run_scoped3A : memref<!tpu.dma_semaphore, #tpu.memory_space<semaphore_mem>>) src(%arg6 : memref<128x128xf32, #tpu.memory_space<vmem>>) dst(%dma_wait3A_144 : memref<128x128xf32, #tpu.memory_space<hbm>>)
      tpu.yield
    }) : () -> ()
    %add3A_25 = arith.constant 384 : i32
    %add3A_26 = arith.addi %mul3A_2, %add3A_25 : i32
    "tpu.region"() ({
      %run_scoped3A = tpu.sem_alloc : memref<!tpu.dma_semaphore, #tpu.memory_space<semaphore_mem>>
      %dma_start3A_137 = tpu.memref_slice %arg3[%add3A_26] : memref<69632xi32, #tpu.memory_space<hbm>> -> memref<128xi32, #tpu.memory_space<hbm>>
      %dma_start3A_138 = tpu.memref_slice %arg3[%add3A_26] : memref<69632xi32, #tpu.memory_space<hbm>> -> memref<128xi32, #tpu.memory_space<hbm>>
      tpu.enqueue_dma source(%dma_start3A_138 : memref<128xi32, #tpu.memory_space<hbm>>) target(%arg5 : memref<128xi32, #tpu.memory_space<vmem>>) target_semaphore(%run_scoped3A : memref<!tpu.dma_semaphore, #tpu.memory_space<semaphore_mem>>)
      %dma_wait3A_139 = tpu.memref_slice %arg3[%add3A_26] : memref<69632xi32, #tpu.memory_space<hbm>> -> memref<128xi32, #tpu.memory_space<hbm>>
      %dma_wait3A_140 = tpu.memref_slice %arg3[%add3A_26] : memref<69632xi32, #tpu.memory_space<hbm>> -> memref<128xi32, #tpu.memory_space<hbm>>
      tpu.wait_dma2 semaphore(%run_scoped3A : memref<!tpu.dma_semaphore, #tpu.memory_space<semaphore_mem>>) src(%dma_wait3A_140 : memref<128xi32, #tpu.memory_space<hbm>>) dst(%arg5 : memref<128xi32, #tpu.memory_space<vmem>>)
      tpu.yield
    }) : () -> ()
    %dma_start3A_27 = arith.constant 0 : i32
    %dma_start3A_28 = arith.constant 0 : i32
    %dma_start3A_29 = tpu.memref_slice %arg2[%dma_start3A_27, %dma_start3A_28] : memref<16384x128xf32, #tpu.memory_space<hbm>> -> memref<16384x128xf32, #tpu.memory_space<hbm>>
    tpu.enqueue_indirect_dma source(%dma_start3A_29 : memref<16384x128xf32, #tpu.memory_space<hbm>>) target(%arg6 : memref<128x128xf32, #tpu.memory_space<vmem>>) offsets(%arg5 : memref<128xi32, #tpu.memory_space<vmem>>) semaphore(%arg7 : memref<!tpu.dma_semaphore, #tpu.memory_space<semaphore_mem>>)
    %dma_wait3A_30 = arith.constant 0 : i32
    %dma_wait3A_31 = arith.constant 0 : i32
    %dma_wait3A_32 = tpu.memref_slice %arg2[%dma_wait3A_30, %dma_wait3A_31] : memref<16384x128xf32, #tpu.memory_space<hbm>> -> memref<16384x128xf32, #tpu.memory_space<hbm>>
    tpu.wait_indirect_dma semaphore(%arg7 : memref<!tpu.dma_semaphore, #tpu.memory_space<semaphore_mem>>) src(%dma_wait3A_32 : memref<16384x128xf32, #tpu.memory_space<hbm>>) dst(%arg6 : memref<128x128xf32, #tpu.memory_space<vmem>>)
    "tpu.region"() ({
      %run_scoped3A = tpu.sem_alloc : memref<!tpu.dma_semaphore, #tpu.memory_space<semaphore_mem>>
      %dma_start3A_137 = arith.constant 0 : i32
      %dma_start3A_138 = tpu.memref_slice %arg4[%add3A_26, %dma_start3A_137] : memref<69632x128xf32, #tpu.memory_space<hbm>> -> memref<128x128xf32, #tpu.memory_space<hbm>>
      %dma_start3A_139 = arith.constant 0 : i32
      %dma_start3A_140 = tpu.memref_slice %arg4[%add3A_26, %dma_start3A_139] : memref<69632x128xf32, #tpu.memory_space<hbm>> -> memref<128x128xf32, #tpu.memory_space<hbm>>
      tpu.enqueue_dma source(%arg6 : memref<128x128xf32, #tpu.memory_space<vmem>>) target(%dma_start3A_140 : memref<128x128xf32, #tpu.memory_space<hbm>>) target_semaphore(%run_scoped3A : memref<!tpu.dma_semaphore, #tpu.memory_space<semaphore_mem>>)
      %dma_wait3A_141 = arith.constant 0 : i32
      %dma_wait3A_142 = tpu.memref_slice %arg4[%add3A_26, %dma_wait3A_141] : memref<69632x128xf32, #tpu.memory_space<hbm>> -> memref<128x128xf32, #tpu.memory_space<hbm>>
      %dma_wait3A_143 = arith.constant 0 : i32
      %dma_wait3A_144 = tpu.memref_slice %arg4[%add3A_26, %dma_wait3A_143] : memref<69632x128xf32, #tpu.memory_space<hbm>> -> memref<128x128xf32, #tpu.memory_space<hbm>>
      tpu.wait_dma2 semaphore(%run_scoped3A : memref<!tpu.dma_semaphore, #tpu.memory_space<semaphore_mem>>) src(%arg6 : memref<128x128xf32, #tpu.memory_space<vmem>>) dst(%dma_wait3A_144 : memref<128x128xf32, #tpu.memory_space<hbm>>)
      tpu.yield
    }) : () -> ()
    %add3A_33 = arith.constant 512 : i32
    %add3A_34 = arith.addi %mul3A_2, %add3A_33 : i32
    "tpu.region"() ({
      %run_scoped3A = tpu.sem_alloc : memref<!tpu.dma_semaphore, #tpu.memory_space<semaphore_mem>>
      %dma_start3A_137 = tpu.memref_slice %arg3[%add3A_34] : memref<69632xi32, #tpu.memory_space<hbm>> -> memref<128xi32, #tpu.memory_space<hbm>>
      %dma_start3A_138 = tpu.memref_slice %arg3[%add3A_34] : memref<69632xi32, #tpu.memory_space<hbm>> -> memref<128xi32, #tpu.memory_space<hbm>>
      tpu.enqueue_dma source(%dma_start3A_138 : memref<128xi32, #tpu.memory_space<hbm>>) target(%arg5 : memref<128xi32, #tpu.memory_space<vmem>>) target_semaphore(%run_scoped3A : memref<!tpu.dma_semaphore, #tpu.memory_space<semaphore_mem>>)
      %dma_wait3A_139 = tpu.memref_slice %arg3[%add3A_34] : memref<69632xi32, #tpu.memory_space<hbm>> -> memref<128xi32, #tpu.memory_space<hbm>>
      %dma_wait3A_140 = tpu.memref_slice %arg3[%add3A_34] : memref<69632xi32, #tpu.memory_space<hbm>> -> memref<128xi32, #tpu.memory_space<hbm>>
      tpu.wait_dma2 semaphore(%run_scoped3A : memref<!tpu.dma_semaphore, #tpu.memory_space<semaphore_mem>>) src(%dma_wait3A_140 : memref<128xi32, #tpu.memory_space<hbm>>) dst(%arg5 : memref<128xi32, #tpu.memory_space<vmem>>)
      tpu.yield
    }) : () -> ()
    %dma_start3A_35 = arith.constant 0 : i32
    %dma_start3A_36 = arith.constant 0 : i32
    %dma_start3A_37 = tpu.memref_slice %arg2[%dma_start3A_35, %dma_start3A_36] : memref<16384x128xf32, #tpu.memory_space<hbm>> -> memref<16384x128xf32, #tpu.memory_space<hbm>>
    tpu.enqueue_indirect_dma source(%dma_start3A_37 : memref<16384x128xf32, #tpu.memory_space<hbm>>) target(%arg6 : memref<128x128xf32, #tpu.memory_space<vmem>>) offsets(%arg5 : memref<128xi32, #tpu.memory_space<vmem>>) semaphore(%arg7 : memref<!tpu.dma_semaphore, #tpu.memory_space<semaphore_mem>>)
    %dma_wait3A_38 = arith.constant 0 : i32
    %dma_wait3A_39 = arith.constant 0 : i32
    %dma_wait3A_40 = tpu.memref_slice %arg2[%dma_wait3A_38, %dma_wait3A_39] : memref<16384x128xf32, #tpu.memory_space<hbm>> -> memref<16384x128xf32, #tpu.memory_space<hbm>>
    tpu.wait_indirect_dma semaphore(%arg7 : memref<!tpu.dma_semaphore, #tpu.memory_space<semaphore_mem>>) src(%dma_wait3A_40 : memref<16384x128xf32, #tpu.memory_space<hbm>>) dst(%arg6 : memref<128x128xf32, #tpu.memory_space<vmem>>)
    "tpu.region"() ({
      %run_scoped3A = tpu.sem_alloc : memref<!tpu.dma_semaphore, #tpu.memory_space<semaphore_mem>>
      %dma_start3A_137 = arith.constant 0 : i32
      %dma_start3A_138 = tpu.memref_slice %arg4[%add3A_34, %dma_start3A_137] : memref<69632x128xf32, #tpu.memory_space<hbm>> -> memref<128x128xf32, #tpu.memory_space<hbm>>
      %dma_start3A_139 = arith.constant 0 : i32
      %dma_start3A_140 = tpu.memref_slice %arg4[%add3A_34, %dma_start3A_139] : memref<69632x128xf32, #tpu.memory_space<hbm>> -> memref<128x128xf32, #tpu.memory_space<hbm>>
      tpu.enqueue_dma source(%arg6 : memref<128x128xf32, #tpu.memory_space<vmem>>) target(%dma_start3A_140 : memref<128x128xf32, #tpu.memory_space<hbm>>) target_semaphore(%run_scoped3A : memref<!tpu.dma_semaphore, #tpu.memory_space<semaphore_mem>>)
      %dma_wait3A_141 = arith.constant 0 : i32
      %dma_wait3A_142 = tpu.memref_slice %arg4[%add3A_34, %dma_wait3A_141] : memref<69632x128xf32, #tpu.memory_space<hbm>> -> memref<128x128xf32, #tpu.memory_space<hbm>>
      %dma_wait3A_143 = arith.constant 0 : i32
      %dma_wait3A_144 = tpu.memref_slice %arg4[%add3A_34, %dma_wait3A_143] : memref<69632x128xf32, #tpu.memory_space<hbm>> -> memref<128x128xf32, #tpu.memory_space<hbm>>
      tpu.wait_dma2 semaphore(%run_scoped3A : memref<!tpu.dma_semaphore, #tpu.memory_space<semaphore_mem>>) src(%arg6 : memref<128x128xf32, #tpu.memory_space<vmem>>) dst(%dma_wait3A_144 : memref<128x128xf32, #tpu.memory_space<hbm>>)
      tpu.yield
    }) : () -> ()
    %add3A_41 = arith.constant 640 : i32
    %add3A_42 = arith.addi %mul3A_2, %add3A_41 : i32
    "tpu.region"() ({
      %run_scoped3A = tpu.sem_alloc : memref<!tpu.dma_semaphore, #tpu.memory_space<semaphore_mem>>
      %dma_start3A_137 = tpu.memref_slice %arg3[%add3A_42] : memref<69632xi32, #tpu.memory_space<hbm>> -> memref<128xi32, #tpu.memory_space<hbm>>
      %dma_start3A_138 = tpu.memref_slice %arg3[%add3A_42] : memref<69632xi32, #tpu.memory_space<hbm>> -> memref<128xi32, #tpu.memory_space<hbm>>
      tpu.enqueue_dma source(%dma_start3A_138 : memref<128xi32, #tpu.memory_space<hbm>>) target(%arg5 : memref<128xi32, #tpu.memory_space<vmem>>) target_semaphore(%run_scoped3A : memref<!tpu.dma_semaphore, #tpu.memory_space<semaphore_mem>>)
      %dma_wait3A_139 = tpu.memref_slice %arg3[%add3A_42] : memref<69632xi32, #tpu.memory_space<hbm>> -> memref<128xi32, #tpu.memory_space<hbm>>
      %dma_wait3A_140 = tpu.memref_slice %arg3[%add3A_42] : memref<69632xi32, #tpu.memory_space<hbm>> -> memref<128xi32, #tpu.memory_space<hbm>>
      tpu.wait_dma2 semaphore(%run_scoped3A : memref<!tpu.dma_semaphore, #tpu.memory_space<semaphore_mem>>) src(%dma_wait3A_140 : memref<128xi32, #tpu.memory_space<hbm>>) dst(%arg5 : memref<128xi32, #tpu.memory_space<vmem>>)
      tpu.yield
    }) : () -> ()
    %dma_start3A_43 = arith.constant 0 : i32
    %dma_start3A_44 = arith.constant 0 : i32
    %dma_start3A_45 = tpu.memref_slice %arg2[%dma_start3A_43, %dma_start3A_44] : memref<16384x128xf32, #tpu.memory_space<hbm>> -> memref<16384x128xf32, #tpu.memory_space<hbm>>
    tpu.enqueue_indirect_dma source(%dma_start3A_45 : memref<16384x128xf32, #tpu.memory_space<hbm>>) target(%arg6 : memref<128x128xf32, #tpu.memory_space<vmem>>) offsets(%arg5 : memref<128xi32, #tpu.memory_space<vmem>>) semaphore(%arg7 : memref<!tpu.dma_semaphore, #tpu.memory_space<semaphore_mem>>)
    %dma_wait3A_46 = arith.constant 0 : i32
    %dma_wait3A_47 = arith.constant 0 : i32
    %dma_wait3A_48 = tpu.memref_slice %arg2[%dma_wait3A_46, %dma_wait3A_47] : memref<16384x128xf32, #tpu.memory_space<hbm>> -> memref<16384x128xf32, #tpu.memory_space<hbm>>
    tpu.wait_indirect_dma semaphore(%arg7 : memref<!tpu.dma_semaphore, #tpu.memory_space<semaphore_mem>>) src(%dma_wait3A_48 : memref<16384x128xf32, #tpu.memory_space<hbm>>) dst(%arg6 : memref<128x128xf32, #tpu.memory_space<vmem>>)
    "tpu.region"() ({
      %run_scoped3A = tpu.sem_alloc : memref<!tpu.dma_semaphore, #tpu.memory_space<semaphore_mem>>
      %dma_start3A_137 = arith.constant 0 : i32
      %dma_start3A_138 = tpu.memref_slice %arg4[%add3A_42, %dma_start3A_137] : memref<69632x128xf32, #tpu.memory_space<hbm>> -> memref<128x128xf32, #tpu.memory_space<hbm>>
      %dma_start3A_139 = arith.constant 0 : i32
      %dma_start3A_140 = tpu.memref_slice %arg4[%add3A_42, %dma_start3A_139] : memref<69632x128xf32, #tpu.memory_space<hbm>> -> memref<128x128xf32, #tpu.memory_space<hbm>>
      tpu.enqueue_dma source(%arg6 : memref<128x128xf32, #tpu.memory_space<vmem>>) target(%dma_start3A_140 : memref<128x128xf32, #tpu.memory_space<hbm>>) target_semaphore(%run_scoped3A : memref<!tpu.dma_semaphore, #tpu.memory_space<semaphore_mem>>)
      %dma_wait3A_141 = arith.constant 0 : i32
      %dma_wait3A_142 = tpu.memref_slice %arg4[%add3A_42, %dma_wait3A_141] : memref<69632x128xf32, #tpu.memory_space<hbm>> -> memref<128x128xf32, #tpu.memory_space<hbm>>
      %dma_wait3A_143 = arith.constant 0 : i32
      %dma_wait3A_144 = tpu.memref_slice %arg4[%add3A_42, %dma_wait3A_143] : memref<69632x128xf32, #tpu.memory_space<hbm>> -> memref<128x128xf32, #tpu.memory_space<hbm>>
      tpu.wait_dma2 semaphore(%run_scoped3A : memref<!tpu.dma_semaphore, #tpu.memory_space<semaphore_mem>>) src(%arg6 : memref<128x128xf32, #tpu.memory_space<vmem>>) dst(%dma_wait3A_144 : memref<128x128xf32, #tpu.memory_space<hbm>>)
      tpu.yield
    }) : () -> ()
    %add3A_49 = arith.constant 768 : i32
    %add3A_50 = arith.addi %mul3A_2, %add3A_49 : i32
    "tpu.region"() ({
      %run_scoped3A = tpu.sem_alloc : memref<!tpu.dma_semaphore, #tpu.memory_space<semaphore_mem>>
      %dma_start3A_137 = tpu.memref_slice %arg3[%add3A_50] : memref<69632xi32, #tpu.memory_space<hbm>> -> memref<128xi32, #tpu.memory_space<hbm>>
      %dma_start3A_138 = tpu.memref_slice %arg3[%add3A_50] : memref<69632xi32, #tpu.memory_space<hbm>> -> memref<128xi32, #tpu.memory_space<hbm>>
      tpu.enqueue_dma source(%dma_start3A_138 : memref<128xi32, #tpu.memory_space<hbm>>) target(%arg5 : memref<128xi32, #tpu.memory_space<vmem>>) target_semaphore(%run_scoped3A : memref<!tpu.dma_semaphore, #tpu.memory_space<semaphore_mem>>)
      %dma_wait3A_139 = tpu.memref_slice %arg3[%add3A_50] : memref<69632xi32, #tpu.memory_space<hbm>> -> memref<128xi32, #tpu.memory_space<hbm>>
      %dma_wait3A_140 = tpu.memref_slice %arg3[%add3A_50] : memref<69632xi32, #tpu.memory_space<hbm>> -> memref<128xi32, #tpu.memory_space<hbm>>
      tpu.wait_dma2 semaphore(%run_scoped3A : memref<!tpu.dma_semaphore, #tpu.memory_space<semaphore_mem>>) src(%dma_wait3A_140 : memref<128xi32, #tpu.memory_space<hbm>>) dst(%arg5 : memref<128xi32, #tpu.memory_space<vmem>>)
      tpu.yield
    }) : () -> ()
    %dma_start3A_51 = arith.constant 0 : i32
    %dma_start3A_52 = arith.constant 0 : i32
    %dma_start3A_53 = tpu.memref_slice %arg2[%dma_start3A_51, %dma_start3A_52] : memref<16384x128xf32, #tpu.memory_space<hbm>> -> memref<16384x128xf32, #tpu.memory_space<hbm>>
    tpu.enqueue_indirect_dma source(%dma_start3A_53 : memref<16384x128xf32, #tpu.memory_space<hbm>>) target(%arg6 : memref<128x128xf32, #tpu.memory_space<vmem>>) offsets(%arg5 : memref<128xi32, #tpu.memory_space<vmem>>) semaphore(%arg7 : memref<!tpu.dma_semaphore, #tpu.memory_space<semaphore_mem>>)
    %dma_wait3A_54 = arith.constant 0 : i32
    %dma_wait3A_55 = arith.constant 0 : i32
    %dma_wait3A_56 = tpu.memref_slice %arg2[%dma_wait3A_54, %dma_wait3A_55] : memref<16384x128xf32, #tpu.memory_space<hbm>> -> memref<16384x128xf32, #tpu.memory_space<hbm>>
    tpu.wait_indirect_dma semaphore(%arg7 : memref<!tpu.dma_semaphore, #tpu.memory_space<semaphore_mem>>) src(%dma_wait3A_56 : memref<16384x128xf32, #tpu.memory_space<hbm>>) dst(%arg6 : memref<128x128xf32, #tpu.memory_space<vmem>>)
    "tpu.region"() ({
      %run_scoped3A = tpu.sem_alloc : memref<!tpu.dma_semaphore, #tpu.memory_space<semaphore_mem>>
      %dma_start3A_137 = arith.constant 0 : i32
      %dma_start3A_138 = tpu.memref_slice %arg4[%add3A_50, %dma_start3A_137] : memref<69632x128xf32, #tpu.memory_space<hbm>> -> memref<128x128xf32, #tpu.memory_space<hbm>>
      %dma_start3A_139 = arith.constant 0 : i32
      %dma_start3A_140 = tpu.memref_slice %arg4[%add3A_50, %dma_start3A_139] : memref<69632x128xf32, #tpu.memory_space<hbm>> -> memref<128x128xf32, #tpu.memory_space<hbm>>
      tpu.enqueue_dma source(%arg6 : memref<128x128xf32, #tpu.memory_space<vmem>>) target(%dma_start3A_140 : memref<128x128xf32, #tpu.memory_space<hbm>>) target_semaphore(%run_scoped3A : memref<!tpu.dma_semaphore, #tpu.memory_space<semaphore_mem>>)
      %dma_wait3A_141 = arith.constant 0 : i32
      %dma_wait3A_142 = tpu.memref_slice %arg4[%add3A_50, %dma_wait3A_141] : memref<69632x128xf32, #tpu.memory_space<hbm>> -> memref<128x128xf32, #tpu.memory_space<hbm>>
      %dma_wait3A_143 = arith.constant 0 : i32
      %dma_wait3A_144 = tpu.memref_slice %arg4[%add3A_50, %dma_wait3A_143] : memref<69632x128xf32, #tpu.memory_space<hbm>> -> memref<128x128xf32, #tpu.memory_space<hbm>>
      tpu.wait_dma2 semaphore(%run_scoped3A : memref<!tpu.dma_semaphore, #tpu.memory_space<semaphore_mem>>) src(%arg6 : memref<128x128xf32, #tpu.memory_space<vmem>>) dst(%dma_wait3A_144 : memref<128x128xf32, #tpu.memory_space<hbm>>)
      tpu.yield
    }) : () -> ()
    %add3A_57 = arith.constant 896 : i32
    %add3A_58 = arith.addi %mul3A_2, %add3A_57 : i32
    "tpu.region"() ({
      %run_scoped3A = tpu.sem_alloc : memref<!tpu.dma_semaphore, #tpu.memory_space<semaphore_mem>>
      %dma_start3A_137 = tpu.memref_slice %arg3[%add3A_58] : memref<69632xi32, #tpu.memory_space<hbm>> -> memref<128xi32, #tpu.memory_space<hbm>>
      %dma_start3A_138 = tpu.memref_slice %arg3[%add3A_58] : memref<69632xi32, #tpu.memory_space<hbm>> -> memref<128xi32, #tpu.memory_space<hbm>>
      tpu.enqueue_dma source(%dma_start3A_138 : memref<128xi32, #tpu.memory_space<hbm>>) target(%arg5 : memref<128xi32, #tpu.memory_space<vmem>>) target_semaphore(%run_scoped3A : memref<!tpu.dma_semaphore, #tpu.memory_space<semaphore_mem>>)
      %dma_wait3A_139 = tpu.memref_slice %arg3[%add3A_58] : memref<69632xi32, #tpu.memory_space<hbm>> -> memref<128xi32, #tpu.memory_space<hbm>>
      %dma_wait3A_140 = tpu.memref_slice %arg3[%add3A_58] : memref<69632xi32, #tpu.memory_space<hbm>> -> memref<128xi32, #tpu.memory_space<hbm>>
      tpu.wait_dma2 semaphore(%run_scoped3A : memref<!tpu.dma_semaphore, #tpu.memory_space<semaphore_mem>>) src(%dma_wait3A_140 : memref<128xi32, #tpu.memory_space<hbm>>) dst(%arg5 : memref<128xi32, #tpu.memory_space<vmem>>)
      tpu.yield
    }) : () -> ()
    %dma_start3A_59 = arith.constant 0 : i32
    %dma_start3A_60 = arith.constant 0 : i32
    %dma_start3A_61 = tpu.memref_slice %arg2[%dma_start3A_59, %dma_start3A_60] : memref<16384x128xf32, #tpu.memory_space<hbm>> -> memref<16384x128xf32, #tpu.memory_space<hbm>>
    tpu.enqueue_indirect_dma source(%dma_start3A_61 : memref<16384x128xf32, #tpu.memory_space<hbm>>) target(%arg6 : memref<128x128xf32, #tpu.memory_space<vmem>>) offsets(%arg5 : memref<128xi32, #tpu.memory_space<vmem>>) semaphore(%arg7 : memref<!tpu.dma_semaphore, #tpu.memory_space<semaphore_mem>>)
    %dma_wait3A_62 = arith.constant 0 : i32
    %dma_wait3A_63 = arith.constant 0 : i32
    %dma_wait3A_64 = tpu.memref_slice %arg2[%dma_wait3A_62, %dma_wait3A_63] : memref<16384x128xf32, #tpu.memory_space<hbm>> -> memref<16384x128xf32, #tpu.memory_space<hbm>>
    tpu.wait_indirect_dma semaphore(%arg7 : memref<!tpu.dma_semaphore, #tpu.memory_space<semaphore_mem>>) src(%dma_wait3A_64 : memref<16384x128xf32, #tpu.memory_space<hbm>>) dst(%arg6 : memref<128x128xf32, #tpu.memory_space<vmem>>)
    "tpu.region"() ({
      %run_scoped3A = tpu.sem_alloc : memref<!tpu.dma_semaphore, #tpu.memory_space<semaphore_mem>>
      %dma_start3A_137 = arith.constant 0 : i32
      %dma_start3A_138 = tpu.memref_slice %arg4[%add3A_58, %dma_start3A_137] : memref<69632x128xf32, #tpu.memory_space<hbm>> -> memref<128x128xf32, #tpu.memory_space<hbm>>
      %dma_start3A_139 = arith.constant 0 : i32
      %dma_start3A_140 = tpu.memref_slice %arg4[%add3A_58, %dma_start3A_139] : memref<69632x128xf32, #tpu.memory_space<hbm>> -> memref<128x128xf32, #tpu.memory_space<hbm>>
      tpu.enqueue_dma source(%arg6 : memref<128x128xf32, #tpu.memory_space<vmem>>) target(%dma_start3A_140 : memref<128x128xf32, #tpu.memory_space<hbm>>) target_semaphore(%run_scoped3A : memref<!tpu.dma_semaphore, #tpu.memory_space<semaphore_mem>>)
      %dma_wait3A_141 = arith.constant 0 : i32
      %dma_wait3A_142 = tpu.memref_slice %arg4[%add3A_58, %dma_wait3A_141] : memref<69632x128xf32, #tpu.memory_space<hbm>> -> memref<128x128xf32, #tpu.memory_space<hbm>>
      %dma_wait3A_143 = arith.constant 0 : i32
      %dma_wait3A_144 = tpu.memref_slice %arg4[%add3A_58, %dma_wait3A_143] : memref<69632x128xf32, #tpu.memory_space<hbm>> -> memref<128x128xf32, #tpu.memory_space<hbm>>
      tpu.wait_dma2 semaphore(%run_scoped3A : memref<!tpu.dma_semaphore, #tpu.memory_space<semaphore_mem>>) src(%arg6 : memref<128x128xf32, #tpu.memory_space<vmem>>) dst(%dma_wait3A_144 : memref<128x128xf32, #tpu.memory_space<hbm>>)
      tpu.yield
    }) : () -> ()
    %add3A_65 = arith.constant 1024 : i32
    %add3A_66 = arith.addi %mul3A_2, %add3A_65 : i32
    "tpu.region"() ({
      %run_scoped3A = tpu.sem_alloc : memref<!tpu.dma_semaphore, #tpu.memory_space<semaphore_mem>>
      %dma_start3A_137 = tpu.memref_slice %arg3[%add3A_66] : memref<69632xi32, #tpu.memory_space<hbm>> -> memref<128xi32, #tpu.memory_space<hbm>>
      %dma_start3A_138 = tpu.memref_slice %arg3[%add3A_66] : memref<69632xi32, #tpu.memory_space<hbm>> -> memref<128xi32, #tpu.memory_space<hbm>>
      tpu.enqueue_dma source(%dma_start3A_138 : memref<128xi32, #tpu.memory_space<hbm>>) target(%arg5 : memref<128xi32, #tpu.memory_space<vmem>>) target_semaphore(%run_scoped3A : memref<!tpu.dma_semaphore, #tpu.memory_space<semaphore_mem>>)
      %dma_wait3A_139 = tpu.memref_slice %arg3[%add3A_66] : memref<69632xi32, #tpu.memory_space<hbm>> -> memref<128xi32, #tpu.memory_space<hbm>>
      %dma_wait3A_140 = tpu.memref_slice %arg3[%add3A_66] : memref<69632xi32, #tpu.memory_space<hbm>> -> memref<128xi32, #tpu.memory_space<hbm>>
      tpu.wait_dma2 semaphore(%run_scoped3A : memref<!tpu.dma_semaphore, #tpu.memory_space<semaphore_mem>>) src(%dma_wait3A_140 : memref<128xi32, #tpu.memory_space<hbm>>) dst(%arg5 : memref<128xi32, #tpu.memory_space<vmem>>)
      tpu.yield
    }) : () -> ()
    %dma_start3A_67 = arith.constant 0 : i32
    %dma_start3A_68 = arith.constant 0 : i32
    %dma_start3A_69 = tpu.memref_slice %arg2[%dma_start3A_67, %dma_start3A_68] : memref<16384x128xf32, #tpu.memory_space<hbm>> -> memref<16384x128xf32, #tpu.memory_space<hbm>>
    tpu.enqueue_indirect_dma source(%dma_start3A_69 : memref<16384x128xf32, #tpu.memory_space<hbm>>) target(%arg6 : memref<128x128xf32, #tpu.memory_space<vmem>>) offsets(%arg5 : memref<128xi32, #tpu.memory_space<vmem>>) semaphore(%arg7 : memref<!tpu.dma_semaphore, #tpu.memory_space<semaphore_mem>>)
    %dma_wait3A_70 = arith.constant 0 : i32
    %dma_wait3A_71 = arith.constant 0 : i32
    %dma_wait3A_72 = tpu.memref_slice %arg2[%dma_wait3A_70, %dma_wait3A_71] : memref<16384x128xf32, #tpu.memory_space<hbm>> -> memref<16384x128xf32, #tpu.memory_space<hbm>>
    tpu.wait_indirect_dma semaphore(%arg7 : memref<!tpu.dma_semaphore, #tpu.memory_space<semaphore_mem>>) src(%dma_wait3A_72 : memref<16384x128xf32, #tpu.memory_space<hbm>>) dst(%arg6 : memref<128x128xf32, #tpu.memory_space<vmem>>)
    "tpu.region"() ({
      %run_scoped3A = tpu.sem_alloc : memref<!tpu.dma_semaphore, #tpu.memory_space<semaphore_mem>>
      %dma_start3A_137 = arith.constant 0 : i32
      %dma_start3A_138 = tpu.memref_slice %arg4[%add3A_66, %dma_start3A_137] : memref<69632x128xf32, #tpu.memory_space<hbm>> -> memref<128x128xf32, #tpu.memory_space<hbm>>
      %dma_start3A_139 = arith.constant 0 : i32
      %dma_start3A_140 = tpu.memref_slice %arg4[%add3A_66, %dma_start3A_139] : memref<69632x128xf32, #tpu.memory_space<hbm>> -> memref<128x128xf32, #tpu.memory_space<hbm>>
      tpu.enqueue_dma source(%arg6 : memref<128x128xf32, #tpu.memory_space<vmem>>) target(%dma_start3A_140 : memref<128x128xf32, #tpu.memory_space<hbm>>) target_semaphore(%run_scoped3A : memref<!tpu.dma_semaphore, #tpu.memory_space<semaphore_mem>>)
      %dma_wait3A_141 = arith.constant 0 : i32
      %dma_wait3A_142 = tpu.memref_slice %arg4[%add3A_66, %dma_wait3A_141] : memref<69632x128xf32, #tpu.memory_space<hbm>> -> memref<128x128xf32, #tpu.memory_space<hbm>>
      %dma_wait3A_143 = arith.constant 0 : i32
      %dma_wait3A_144 = tpu.memref_slice %arg4[%add3A_66, %dma_wait3A_143] : memref<69632x128xf32, #tpu.memory_space<hbm>> -> memref<128x128xf32, #tpu.memory_space<hbm>>
      tpu.wait_dma2 semaphore(%run_scoped3A : memref<!tpu.dma_semaphore, #tpu.memory_space<semaphore_mem>>) src(%arg6 : memref<128x128xf32, #tpu.memory_space<vmem>>) dst(%dma_wait3A_144 : memref<128x128xf32, #tpu.memory_space<hbm>>)
      tpu.yield
    }) : () -> ()
    %add3A_73 = arith.constant 1152 : i32
    %add3A_74 = arith.addi %mul3A_2, %add3A_73 : i32
    "tpu.region"() ({
      %run_scoped3A = tpu.sem_alloc : memref<!tpu.dma_semaphore, #tpu.memory_space<semaphore_mem>>
      %dma_start3A_137 = tpu.memref_slice %arg3[%add3A_74] : memref<69632xi32, #tpu.memory_space<hbm>> -> memref<128xi32, #tpu.memory_space<hbm>>
      %dma_start3A_138 = tpu.memref_slice %arg3[%add3A_74] : memref<69632xi32, #tpu.memory_space<hbm>> -> memref<128xi32, #tpu.memory_space<hbm>>
      tpu.enqueue_dma source(%dma_start3A_138 : memref<128xi32, #tpu.memory_space<hbm>>) target(%arg5 : memref<128xi32, #tpu.memory_space<vmem>>) target_semaphore(%run_scoped3A : memref<!tpu.dma_semaphore, #tpu.memory_space<semaphore_mem>>)
      %dma_wait3A_139 = tpu.memref_slice %arg3[%add3A_74] : memref<69632xi32, #tpu.memory_space<hbm>> -> memref<128xi32, #tpu.memory_space<hbm>>
      %dma_wait3A_140 = tpu.memref_slice %arg3[%add3A_74] : memref<69632xi32, #tpu.memory_space<hbm>> -> memref<128xi32, #tpu.memory_space<hbm>>
      tpu.wait_dma2 semaphore(%run_scoped3A : memref<!tpu.dma_semaphore, #tpu.memory_space<semaphore_mem>>) src(%dma_wait3A_140 : memref<128xi32, #tpu.memory_space<hbm>>) dst(%arg5 : memref<128xi32, #tpu.memory_space<vmem>>)
      tpu.yield
    }) : () -> ()
    %dma_start3A_75 = arith.constant 0 : i32
    %dma_start3A_76 = arith.constant 0 : i32
    %dma_start3A_77 = tpu.memref_slice %arg2[%dma_start3A_75, %dma_start3A_76] : memref<16384x128xf32, #tpu.memory_space<hbm>> -> memref<16384x128xf32, #tpu.memory_space<hbm>>
    tpu.enqueue_indirect_dma source(%dma_start3A_77 : memref<16384x128xf32, #tpu.memory_space<hbm>>) target(%arg6 : memref<128x128xf32, #tpu.memory_space<vmem>>) offsets(%arg5 : memref<128xi32, #tpu.memory_space<vmem>>) semaphore(%arg7 : memref<!tpu.dma_semaphore, #tpu.memory_space<semaphore_mem>>)
    %dma_wait3A_78 = arith.constant 0 : i32
    %dma_wait3A_79 = arith.constant 0 : i32
    %dma_wait3A_80 = tpu.memref_slice %arg2[%dma_wait3A_78, %dma_wait3A_79] : memref<16384x128xf32, #tpu.memory_space<hbm>> -> memref<16384x128xf32, #tpu.memory_space<hbm>>
    tpu.wait_indirect_dma semaphore(%arg7 : memref<!tpu.dma_semaphore, #tpu.memory_space<semaphore_mem>>) src(%dma_wait3A_80 : memref<16384x128xf32, #tpu.memory_space<hbm>>) dst(%arg6 : memref<128x128xf32, #tpu.memory_space<vmem>>)
    "tpu.region"() ({
      %run_scoped3A = tpu.sem_alloc : memref<!tpu.dma_semaphore, #tpu.memory_space<semaphore_mem>>
      %dma_start3A_137 = arith.constant 0 : i32
      %dma_start3A_138 = tpu.memref_slice %arg4[%add3A_74, %dma_start3A_137] : memref<69632x128xf32, #tpu.memory_space<hbm>> -> memref<128x128xf32, #tpu.memory_space<hbm>>
      %dma_start3A_139 = arith.constant 0 : i32
      %dma_start3A_140 = tpu.memref_slice %arg4[%add3A_74, %dma_start3A_139] : memref<69632x128xf32, #tpu.memory_space<hbm>> -> memref<128x128xf32, #tpu.memory_space<hbm>>
      tpu.enqueue_dma source(%arg6 : memref<128x128xf32, #tpu.memory_space<vmem>>) target(%dma_start3A_140 : memref<128x128xf32, #tpu.memory_space<hbm>>) target_semaphore(%run_scoped3A : memref<!tpu.dma_semaphore, #tpu.memory_space<semaphore_mem>>)
      %dma_wait3A_141 = arith.constant 0 : i32
      %dma_wait3A_142 = tpu.memref_slice %arg4[%add3A_74, %dma_wait3A_141] : memref<69632x128xf32, #tpu.memory_space<hbm>> -> memref<128x128xf32, #tpu.memory_space<hbm>>
      %dma_wait3A_143 = arith.constant 0 : i32
      %dma_wait3A_144 = tpu.memref_slice %arg4[%add3A_74, %dma_wait3A_143] : memref<69632x128xf32, #tpu.memory_space<hbm>> -> memref<128x128xf32, #tpu.memory_space<hbm>>
      tpu.wait_dma2 semaphore(%run_scoped3A : memref<!tpu.dma_semaphore, #tpu.memory_space<semaphore_mem>>) src(%arg6 : memref<128x128xf32, #tpu.memory_space<vmem>>) dst(%dma_wait3A_144 : memref<128x128xf32, #tpu.memory_space<hbm>>)
      tpu.yield
    }) : () -> ()
    %add3A_81 = arith.constant 1280 : i32
    %add3A_82 = arith.addi %mul3A_2, %add3A_81 : i32
    "tpu.region"() ({
      %run_scoped3A = tpu.sem_alloc : memref<!tpu.dma_semaphore, #tpu.memory_space<semaphore_mem>>
      %dma_start3A_137 = tpu.memref_slice %arg3[%add3A_82] : memref<69632xi32, #tpu.memory_space<hbm>> -> memref<128xi32, #tpu.memory_space<hbm>>
      %dma_start3A_138 = tpu.memref_slice %arg3[%add3A_82] : memref<69632xi32, #tpu.memory_space<hbm>> -> memref<128xi32, #tpu.memory_space<hbm>>
      tpu.enqueue_dma source(%dma_start3A_138 : memref<128xi32, #tpu.memory_space<hbm>>) target(%arg5 : memref<128xi32, #tpu.memory_space<vmem>>) target_semaphore(%run_scoped3A : memref<!tpu.dma_semaphore, #tpu.memory_space<semaphore_mem>>)
      %dma_wait3A_139 = tpu.memref_slice %arg3[%add3A_82] : memref<69632xi32, #tpu.memory_space<hbm>> -> memref<128xi32, #tpu.memory_space<hbm>>
      %dma_wait3A_140 = tpu.memref_slice %arg3[%add3A_82] : memref<69632xi32, #tpu.memory_space<hbm>> -> memref<128xi32, #tpu.memory_space<hbm>>
      tpu.wait_dma2 semaphore(%run_scoped3A : memref<!tpu.dma_semaphore, #tpu.memory_space<semaphore_mem>>) src(%dma_wait3A_140 : memref<128xi32, #tpu.memory_space<hbm>>) dst(%arg5 : memref<128xi32, #tpu.memory_space<vmem>>)
      tpu.yield
    }) : () -> ()
    %dma_start3A_83 = arith.constant 0 : i32
    %dma_start3A_84 = arith.constant 0 : i32
    %dma_start3A_85 = tpu.memref_slice %arg2[%dma_start3A_83, %dma_start3A_84] : memref<16384x128xf32, #tpu.memory_space<hbm>> -> memref<16384x128xf32, #tpu.memory_space<hbm>>
    tpu.enqueue_indirect_dma source(%dma_start3A_85 : memref<16384x128xf32, #tpu.memory_space<hbm>>) target(%arg6 : memref<128x128xf32, #tpu.memory_space<vmem>>) offsets(%arg5 : memref<128xi32, #tpu.memory_space<vmem>>) semaphore(%arg7 : memref<!tpu.dma_semaphore, #tpu.memory_space<semaphore_mem>>)
    %dma_wait3A_86 = arith.constant 0 : i32
    %dma_wait3A_87 = arith.constant 0 : i32
    %dma_wait3A_88 = tpu.memref_slice %arg2[%dma_wait3A_86, %dma_wait3A_87] : memref<16384x128xf32, #tpu.memory_space<hbm>> -> memref<16384x128xf32, #tpu.memory_space<hbm>>
    tpu.wait_indirect_dma semaphore(%arg7 : memref<!tpu.dma_semaphore, #tpu.memory_space<semaphore_mem>>) src(%dma_wait3A_88 : memref<16384x128xf32, #tpu.memory_space<hbm>>) dst(%arg6 : memref<128x128xf32, #tpu.memory_space<vmem>>)
    "tpu.region"() ({
      %run_scoped3A = tpu.sem_alloc : memref<!tpu.dma_semaphore, #tpu.memory_space<semaphore_mem>>
      %dma_start3A_137 = arith.constant 0 : i32
      %dma_start3A_138 = tpu.memref_slice %arg4[%add3A_82, %dma_start3A_137] : memref<69632x128xf32, #tpu.memory_space<hbm>> -> memref<128x128xf32, #tpu.memory_space<hbm>>
      %dma_start3A_139 = arith.constant 0 : i32
      %dma_start3A_140 = tpu.memref_slice %arg4[%add3A_82, %dma_start3A_139] : memref<69632x128xf32, #tpu.memory_space<hbm>> -> memref<128x128xf32, #tpu.memory_space<hbm>>
      tpu.enqueue_dma source(%arg6 : memref<128x128xf32, #tpu.memory_space<vmem>>) target(%dma_start3A_140 : memref<128x128xf32, #tpu.memory_space<hbm>>) target_semaphore(%run_scoped3A : memref<!tpu.dma_semaphore, #tpu.memory_space<semaphore_mem>>)
      %dma_wait3A_141 = arith.constant 0 : i32
      %dma_wait3A_142 = tpu.memref_slice %arg4[%add3A_82, %dma_wait3A_141] : memref<69632x128xf32, #tpu.memory_space<hbm>> -> memref<128x128xf32, #tpu.memory_space<hbm>>
      %dma_wait3A_143 = arith.constant 0 : i32
      %dma_wait3A_144 = tpu.memref_slice %arg4[%add3A_82, %dma_wait3A_143] : memref<69632x128xf32, #tpu.memory_space<hbm>> -> memref<128x128xf32, #tpu.memory_space<hbm>>
      tpu.wait_dma2 semaphore(%run_scoped3A : memref<!tpu.dma_semaphore, #tpu.memory_space<semaphore_mem>>) src(%arg6 : memref<128x128xf32, #tpu.memory_space<vmem>>) dst(%dma_wait3A_144 : memref<128x128xf32, #tpu.memory_space<hbm>>)
      tpu.yield
    }) : () -> ()
    %add3A_89 = arith.constant 1408 : i32
    %add3A_90 = arith.addi %mul3A_2, %add3A_89 : i32
    "tpu.region"() ({
      %run_scoped3A = tpu.sem_alloc : memref<!tpu.dma_semaphore, #tpu.memory_space<semaphore_mem>>
      %dma_start3A_137 = tpu.memref_slice %arg3[%add3A_90] : memref<69632xi32, #tpu.memory_space<hbm>> -> memref<128xi32, #tpu.memory_space<hbm>>
      %dma_start3A_138 = tpu.memref_slice %arg3[%add3A_90] : memref<69632xi32, #tpu.memory_space<hbm>> -> memref<128xi32, #tpu.memory_space<hbm>>
      tpu.enqueue_dma source(%dma_start3A_138 : memref<128xi32, #tpu.memory_space<hbm>>) target(%arg5 : memref<128xi32, #tpu.memory_space<vmem>>) target_semaphore(%run_scoped3A : memref<!tpu.dma_semaphore, #tpu.memory_space<semaphore_mem>>)
      %dma_wait3A_139 = tpu.memref_slice %arg3[%add3A_90] : memref<69632xi32, #tpu.memory_space<hbm>> -> memref<128xi32, #tpu.memory_space<hbm>>
      %dma_wait3A_140 = tpu.memref_slice %arg3[%add3A_90] : memref<69632xi32, #tpu.memory_space<hbm>> -> memref<128xi32, #tpu.memory_space<hbm>>
      tpu.wait_dma2 semaphore(%run_scoped3A : memref<!tpu.dma_semaphore, #tpu.memory_space<semaphore_mem>>) src(%dma_wait3A_140 : memref<128xi32, #tpu.memory_space<hbm>>) dst(%arg5 : memref<128xi32, #tpu.memory_space<vmem>>)
      tpu.yield
    }) : () -> ()
    %dma_start3A_91 = arith.constant 0 : i32
    %dma_start3A_92 = arith.constant 0 : i32
    %dma_start3A_93 = tpu.memref_slice %arg2[%dma_start3A_91, %dma_start3A_92] : memref<16384x128xf32, #tpu.memory_space<hbm>> -> memref<16384x128xf32, #tpu.memory_space<hbm>>
    tpu.enqueue_indirect_dma source(%dma_start3A_93 : memref<16384x128xf32, #tpu.memory_space<hbm>>) target(%arg6 : memref<128x128xf32, #tpu.memory_space<vmem>>) offsets(%arg5 : memref<128xi32, #tpu.memory_space<vmem>>) semaphore(%arg7 : memref<!tpu.dma_semaphore, #tpu.memory_space<semaphore_mem>>)
    %dma_wait3A_94 = arith.constant 0 : i32
    %dma_wait3A_95 = arith.constant 0 : i32
    %dma_wait3A_96 = tpu.memref_slice %arg2[%dma_wait3A_94, %dma_wait3A_95] : memref<16384x128xf32, #tpu.memory_space<hbm>> -> memref<16384x128xf32, #tpu.memory_space<hbm>>
    tpu.wait_indirect_dma semaphore(%arg7 : memref<!tpu.dma_semaphore, #tpu.memory_space<semaphore_mem>>) src(%dma_wait3A_96 : memref<16384x128xf32, #tpu.memory_space<hbm>>) dst(%arg6 : memref<128x128xf32, #tpu.memory_space<vmem>>)
    "tpu.region"() ({
      %run_scoped3A = tpu.sem_alloc : memref<!tpu.dma_semaphore, #tpu.memory_space<semaphore_mem>>
      %dma_start3A_137 = arith.constant 0 : i32
      %dma_start3A_138 = tpu.memref_slice %arg4[%add3A_90, %dma_start3A_137] : memref<69632x128xf32, #tpu.memory_space<hbm>> -> memref<128x128xf32, #tpu.memory_space<hbm>>
      %dma_start3A_139 = arith.constant 0 : i32
      %dma_start3A_140 = tpu.memref_slice %arg4[%add3A_90, %dma_start3A_139] : memref<69632x128xf32, #tpu.memory_space<hbm>> -> memref<128x128xf32, #tpu.memory_space<hbm>>
      tpu.enqueue_dma source(%arg6 : memref<128x128xf32, #tpu.memory_space<vmem>>) target(%dma_start3A_140 : memref<128x128xf32, #tpu.memory_space<hbm>>) target_semaphore(%run_scoped3A : memref<!tpu.dma_semaphore, #tpu.memory_space<semaphore_mem>>)
      %dma_wait3A_141 = arith.constant 0 : i32
      %dma_wait3A_142 = tpu.memref_slice %arg4[%add3A_90, %dma_wait3A_141] : memref<69632x128xf32, #tpu.memory_space<hbm>> -> memref<128x128xf32, #tpu.memory_space<hbm>>
      %dma_wait3A_143 = arith.constant 0 : i32
      %dma_wait3A_144 = tpu.memref_slice %arg4[%add3A_90, %dma_wait3A_143] : memref<69632x128xf32, #tpu.memory_space<hbm>> -> memref<128x128xf32, #tpu.memory_space<hbm>>
      tpu.wait_dma2 semaphore(%run_scoped3A : memref<!tpu.dma_semaphore, #tpu.memory_space<semaphore_mem>>) src(%arg6 : memref<128x128xf32, #tpu.memory_space<vmem>>) dst(%dma_wait3A_144 : memref<128x128xf32, #tpu.memory_space<hbm>>)
      tpu.yield
    }) : () -> ()
    %add3A_97 = arith.constant 1536 : i32
    %add3A_98 = arith.addi %mul3A_2, %add3A_97 : i32
    "tpu.region"() ({
      %run_scoped3A = tpu.sem_alloc : memref<!tpu.dma_semaphore, #tpu.memory_space<semaphore_mem>>
      %dma_start3A_137 = tpu.memref_slice %arg3[%add3A_98] : memref<69632xi32, #tpu.memory_space<hbm>> -> memref<128xi32, #tpu.memory_space<hbm>>
      %dma_start3A_138 = tpu.memref_slice %arg3[%add3A_98] : memref<69632xi32, #tpu.memory_space<hbm>> -> memref<128xi32, #tpu.memory_space<hbm>>
      tpu.enqueue_dma source(%dma_start3A_138 : memref<128xi32, #tpu.memory_space<hbm>>) target(%arg5 : memref<128xi32, #tpu.memory_space<vmem>>) target_semaphore(%run_scoped3A : memref<!tpu.dma_semaphore, #tpu.memory_space<semaphore_mem>>)
      %dma_wait3A_139 = tpu.memref_slice %arg3[%add3A_98] : memref<69632xi32, #tpu.memory_space<hbm>> -> memref<128xi32, #tpu.memory_space<hbm>>
      %dma_wait3A_140 = tpu.memref_slice %arg3[%add3A_98] : memref<69632xi32, #tpu.memory_space<hbm>> -> memref<128xi32, #tpu.memory_space<hbm>>
      tpu.wait_dma2 semaphore(%run_scoped3A : memref<!tpu.dma_semaphore, #tpu.memory_space<semaphore_mem>>) src(%dma_wait3A_140 : memref<128xi32, #tpu.memory_space<hbm>>) dst(%arg5 : memref<128xi32, #tpu.memory_space<vmem>>)
      tpu.yield
    }) : () -> ()
    %dma_start3A_99 = arith.constant 0 : i32
    %dma_start3A_100 = arith.constant 0 : i32
    %dma_start3A_101 = tpu.memref_slice %arg2[%dma_start3A_99, %dma_start3A_100] : memref<16384x128xf32, #tpu.memory_space<hbm>> -> memref<16384x128xf32, #tpu.memory_space<hbm>>
    tpu.enqueue_indirect_dma source(%dma_start3A_101 : memref<16384x128xf32, #tpu.memory_space<hbm>>) target(%arg6 : memref<128x128xf32, #tpu.memory_space<vmem>>) offsets(%arg5 : memref<128xi32, #tpu.memory_space<vmem>>) semaphore(%arg7 : memref<!tpu.dma_semaphore, #tpu.memory_space<semaphore_mem>>)
    %dma_wait3A_102 = arith.constant 0 : i32
    %dma_wait3A_103 = arith.constant 0 : i32
    %dma_wait3A_104 = tpu.memref_slice %arg2[%dma_wait3A_102, %dma_wait3A_103] : memref<16384x128xf32, #tpu.memory_space<hbm>> -> memref<16384x128xf32, #tpu.memory_space<hbm>>
    tpu.wait_indirect_dma semaphore(%arg7 : memref<!tpu.dma_semaphore, #tpu.memory_space<semaphore_mem>>) src(%dma_wait3A_104 : memref<16384x128xf32, #tpu.memory_space<hbm>>) dst(%arg6 : memref<128x128xf32, #tpu.memory_space<vmem>>)
    "tpu.region"() ({
      %run_scoped3A = tpu.sem_alloc : memref<!tpu.dma_semaphore, #tpu.memory_space<semaphore_mem>>
      %dma_start3A_137 = arith.constant 0 : i32
      %dma_start3A_138 = tpu.memref_slice %arg4[%add3A_98, %dma_start3A_137] : memref<69632x128xf32, #tpu.memory_space<hbm>> -> memref<128x128xf32, #tpu.memory_space<hbm>>
      %dma_start3A_139 = arith.constant 0 : i32
      %dma_start3A_140 = tpu.memref_slice %arg4[%add3A_98, %dma_start3A_139] : memref<69632x128xf32, #tpu.memory_space<hbm>> -> memref<128x128xf32, #tpu.memory_space<hbm>>
      tpu.enqueue_dma source(%arg6 : memref<128x128xf32, #tpu.memory_space<vmem>>) target(%dma_start3A_140 : memref<128x128xf32, #tpu.memory_space<hbm>>) target_semaphore(%run_scoped3A : memref<!tpu.dma_semaphore, #tpu.memory_space<semaphore_mem>>)
      %dma_wait3A_141 = arith.constant 0 : i32
      %dma_wait3A_142 = tpu.memref_slice %arg4[%add3A_98, %dma_wait3A_141] : memref<69632x128xf32, #tpu.memory_space<hbm>> -> memref<128x128xf32, #tpu.memory_space<hbm>>
      %dma_wait3A_143 = arith.constant 0 : i32
      %dma_wait3A_144 = tpu.memref_slice %arg4[%add3A_98, %dma_wait3A_143] : memref<69632x128xf32, #tpu.memory_space<hbm>> -> memref<128x128xf32, #tpu.memory_space<hbm>>
      tpu.wait_dma2 semaphore(%run_scoped3A : memref<!tpu.dma_semaphore, #tpu.memory_space<semaphore_mem>>) src(%arg6 : memref<128x128xf32, #tpu.memory_space<vmem>>) dst(%dma_wait3A_144 : memref<128x128xf32, #tpu.memory_space<hbm>>)
      tpu.yield
    }) : () -> ()
    %add3A_105 = arith.constant 1664 : i32
    %add3A_106 = arith.addi %mul3A_2, %add3A_105 : i32
    "tpu.region"() ({
      %run_scoped3A = tpu.sem_alloc : memref<!tpu.dma_semaphore, #tpu.memory_space<semaphore_mem>>
      %dma_start3A_137 = tpu.memref_slice %arg3[%add3A_106] : memref<69632xi32, #tpu.memory_space<hbm>> -> memref<128xi32, #tpu.memory_space<hbm>>
      %dma_start3A_138 = tpu.memref_slice %arg3[%add3A_106] : memref<69632xi32, #tpu.memory_space<hbm>> -> memref<128xi32, #tpu.memory_space<hbm>>
      tpu.enqueue_dma source(%dma_start3A_138 : memref<128xi32, #tpu.memory_space<hbm>>) target(%arg5 : memref<128xi32, #tpu.memory_space<vmem>>) target_semaphore(%run_scoped3A : memref<!tpu.dma_semaphore, #tpu.memory_space<semaphore_mem>>)
      %dma_wait3A_139 = tpu.memref_slice %arg3[%add3A_106] : memref<69632xi32, #tpu.memory_space<hbm>> -> memref<128xi32, #tpu.memory_space<hbm>>
      %dma_wait3A_140 = tpu.memref_slice %arg3[%add3A_106] : memref<69632xi32, #tpu.memory_space<hbm>> -> memref<128xi32, #tpu.memory_space<hbm>>
      tpu.wait_dma2 semaphore(%run_scoped3A : memref<!tpu.dma_semaphore, #tpu.memory_space<semaphore_mem>>) src(%dma_wait3A_140 : memref<128xi32, #tpu.memory_space<hbm>>) dst(%arg5 : memref<128xi32, #tpu.memory_space<vmem>>)
      tpu.yield
    }) : () -> ()
    %dma_start3A_107 = arith.constant 0 : i32
    %dma_start3A_108 = arith.constant 0 : i32
    %dma_start3A_109 = tpu.memref_slice %arg2[%dma_start3A_107, %dma_start3A_108] : memref<16384x128xf32, #tpu.memory_space<hbm>> -> memref<16384x128xf32, #tpu.memory_space<hbm>>
    tpu.enqueue_indirect_dma source(%dma_start3A_109 : memref<16384x128xf32, #tpu.memory_space<hbm>>) target(%arg6 : memref<128x128xf32, #tpu.memory_space<vmem>>) offsets(%arg5 : memref<128xi32, #tpu.memory_space<vmem>>) semaphore(%arg7 : memref<!tpu.dma_semaphore, #tpu.memory_space<semaphore_mem>>)
    %dma_wait3A_110 = arith.constant 0 : i32
    %dma_wait3A_111 = arith.constant 0 : i32
    %dma_wait3A_112 = tpu.memref_slice %arg2[%dma_wait3A_110, %dma_wait3A_111] : memref<16384x128xf32, #tpu.memory_space<hbm>> -> memref<16384x128xf32, #tpu.memory_space<hbm>>
    tpu.wait_indirect_dma semaphore(%arg7 : memref<!tpu.dma_semaphore, #tpu.memory_space<semaphore_mem>>) src(%dma_wait3A_112 : memref<16384x128xf32, #tpu.memory_space<hbm>>) dst(%arg6 : memref<128x128xf32, #tpu.memory_space<vmem>>)
    "tpu.region"() ({
      %run_scoped3A = tpu.sem_alloc : memref<!tpu.dma_semaphore, #tpu.memory_space<semaphore_mem>>
      %dma_start3A_137 = arith.constant 0 : i32
      %dma_start3A_138 = tpu.memref_slice %arg4[%add3A_106, %dma_start3A_137] : memref<69632x128xf32, #tpu.memory_space<hbm>> -> memref<128x128xf32, #tpu.memory_space<hbm>>
      %dma_start3A_139 = arith.constant 0 : i32
      %dma_start3A_140 = tpu.memref_slice %arg4[%add3A_106, %dma_start3A_139] : memref<69632x128xf32, #tpu.memory_space<hbm>> -> memref<128x128xf32, #tpu.memory_space<hbm>>
      tpu.enqueue_dma source(%arg6 : memref<128x128xf32, #tpu.memory_space<vmem>>) target(%dma_start3A_140 : memref<128x128xf32, #tpu.memory_space<hbm>>) target_semaphore(%run_scoped3A : memref<!tpu.dma_semaphore, #tpu.memory_space<semaphore_mem>>)
      %dma_wait3A_141 = arith.constant 0 : i32
      %dma_wait3A_142 = tpu.memref_slice %arg4[%add3A_106, %dma_wait3A_141] : memref<69632x128xf32, #tpu.memory_space<hbm>> -> memref<128x128xf32, #tpu.memory_space<hbm>>
      %dma_wait3A_143 = arith.constant 0 : i32
      %dma_wait3A_144 = tpu.memref_slice %arg4[%add3A_106, %dma_wait3A_143] : memref<69632x128xf32, #tpu.memory_space<hbm>> -> memref<128x128xf32, #tpu.memory_space<hbm>>
      tpu.wait_dma2 semaphore(%run_scoped3A : memref<!tpu.dma_semaphore, #tpu.memory_space<semaphore_mem>>) src(%arg6 : memref<128x128xf32, #tpu.memory_space<vmem>>) dst(%dma_wait3A_144 : memref<128x128xf32, #tpu.memory_space<hbm>>)
      tpu.yield
    }) : () -> ()
    %add3A_113 = arith.constant 1792 : i32
    %add3A_114 = arith.addi %mul3A_2, %add3A_113 : i32
    "tpu.region"() ({
      %run_scoped3A = tpu.sem_alloc : memref<!tpu.dma_semaphore, #tpu.memory_space<semaphore_mem>>
      %dma_start3A_137 = tpu.memref_slice %arg3[%add3A_114] : memref<69632xi32, #tpu.memory_space<hbm>> -> memref<128xi32, #tpu.memory_space<hbm>>
      %dma_start3A_138 = tpu.memref_slice %arg3[%add3A_114] : memref<69632xi32, #tpu.memory_space<hbm>> -> memref<128xi32, #tpu.memory_space<hbm>>
      tpu.enqueue_dma source(%dma_start3A_138 : memref<128xi32, #tpu.memory_space<hbm>>) target(%arg5 : memref<128xi32, #tpu.memory_space<vmem>>) target_semaphore(%run_scoped3A : memref<!tpu.dma_semaphore, #tpu.memory_space<semaphore_mem>>)
      %dma_wait3A_139 = tpu.memref_slice %arg3[%add3A_114] : memref<69632xi32, #tpu.memory_space<hbm>> -> memref<128xi32, #tpu.memory_space<hbm>>
      %dma_wait3A_140 = tpu.memref_slice %arg3[%add3A_114] : memref<69632xi32, #tpu.memory_space<hbm>> -> memref<128xi32, #tpu.memory_space<hbm>>
      tpu.wait_dma2 semaphore(%run_scoped3A : memref<!tpu.dma_semaphore, #tpu.memory_space<semaphore_mem>>) src(%dma_wait3A_140 : memref<128xi32, #tpu.memory_space<hbm>>) dst(%arg5 : memref<128xi32, #tpu.memory_space<vmem>>)
      tpu.yield
    }) : () -> ()
    %dma_start3A_115 = arith.constant 0 : i32
    %dma_start3A_116 = arith.constant 0 : i32
    %dma_start3A_117 = tpu.memref_slice %arg2[%dma_start3A_115, %dma_start3A_116] : memref<16384x128xf32, #tpu.memory_space<hbm>> -> memref<16384x128xf32, #tpu.memory_space<hbm>>
    tpu.enqueue_indirect_dma source(%dma_start3A_117 : memref<16384x128xf32, #tpu.memory_space<hbm>>) target(%arg6 : memref<128x128xf32, #tpu.memory_space<vmem>>) offsets(%arg5 : memref<128xi32, #tpu.memory_space<vmem>>) semaphore(%arg7 : memref<!tpu.dma_semaphore, #tpu.memory_space<semaphore_mem>>)
    %dma_wait3A_118 = arith.constant 0 : i32
    %dma_wait3A_119 = arith.constant 0 : i32
    %dma_wait3A_120 = tpu.memref_slice %arg2[%dma_wait3A_118, %dma_wait3A_119] : memref<16384x128xf32, #tpu.memory_space<hbm>> -> memref<16384x128xf32, #tpu.memory_space<hbm>>
    tpu.wait_indirect_dma semaphore(%arg7 : memref<!tpu.dma_semaphore, #tpu.memory_space<semaphore_mem>>) src(%dma_wait3A_120 : memref<16384x128xf32, #tpu.memory_space<hbm>>) dst(%arg6 : memref<128x128xf32, #tpu.memory_space<vmem>>)
    "tpu.region"() ({
      %run_scoped3A = tpu.sem_alloc : memref<!tpu.dma_semaphore, #tpu.memory_space<semaphore_mem>>
      %dma_start3A_137 = arith.constant 0 : i32
      %dma_start3A_138 = tpu.memref_slice %arg4[%add3A_114, %dma_start3A_137] : memref<69632x128xf32, #tpu.memory_space<hbm>> -> memref<128x128xf32, #tpu.memory_space<hbm>>
      %dma_start3A_139 = arith.constant 0 : i32
      %dma_start3A_140 = tpu.memref_slice %arg4[%add3A_114, %dma_start3A_139] : memref<69632x128xf32, #tpu.memory_space<hbm>> -> memref<128x128xf32, #tpu.memory_space<hbm>>
      tpu.enqueue_dma source(%arg6 : memref<128x128xf32, #tpu.memory_space<vmem>>) target(%dma_start3A_140 : memref<128x128xf32, #tpu.memory_space<hbm>>) target_semaphore(%run_scoped3A : memref<!tpu.dma_semaphore, #tpu.memory_space<semaphore_mem>>)
      %dma_wait3A_141 = arith.constant 0 : i32
      %dma_wait3A_142 = tpu.memref_slice %arg4[%add3A_114, %dma_wait3A_141] : memref<69632x128xf32, #tpu.memory_space<hbm>> -> memref<128x128xf32, #tpu.memory_space<hbm>>
      %dma_wait3A_143 = arith.constant 0 : i32
      %dma_wait3A_144 = tpu.memref_slice %arg4[%add3A_114, %dma_wait3A_143] : memref<69632x128xf32, #tpu.memory_space<hbm>> -> memref<128x128xf32, #tpu.memory_space<hbm>>
      tpu.wait_dma2 semaphore(%run_scoped3A : memref<!tpu.dma_semaphore, #tpu.memory_space<semaphore_mem>>) src(%arg6 : memref<128x128xf32, #tpu.memory_space<vmem>>) dst(%dma_wait3A_144 : memref<128x128xf32, #tpu.memory_space<hbm>>)
      tpu.yield
    }) : () -> ()
    %add3A_121 = arith.constant 1920 : i32
    %add3A_122 = arith.addi %mul3A_2, %add3A_121 : i32
    "tpu.region"() ({
      %run_scoped3A = tpu.sem_alloc : memref<!tpu.dma_semaphore, #tpu.memory_space<semaphore_mem>>
      %dma_start3A_137 = tpu.memref_slice %arg3[%add3A_122] : memref<69632xi32, #tpu.memory_space<hbm>> -> memref<128xi32, #tpu.memory_space<hbm>>
      %dma_start3A_138 = tpu.memref_slice %arg3[%add3A_122] : memref<69632xi32, #tpu.memory_space<hbm>> -> memref<128xi32, #tpu.memory_space<hbm>>
      tpu.enqueue_dma source(%dma_start3A_138 : memref<128xi32, #tpu.memory_space<hbm>>) target(%arg5 : memref<128xi32, #tpu.memory_space<vmem>>) target_semaphore(%run_scoped3A : memref<!tpu.dma_semaphore, #tpu.memory_space<semaphore_mem>>)
      %dma_wait3A_139 = tpu.memref_slice %arg3[%add3A_122] : memref<69632xi32, #tpu.memory_space<hbm>> -> memref<128xi32, #tpu.memory_space<hbm>>
      %dma_wait3A_140 = tpu.memref_slice %arg3[%add3A_122] : memref<69632xi32, #tpu.memory_space<hbm>> -> memref<128xi32, #tpu.memory_space<hbm>>
      tpu.wait_dma2 semaphore(%run_scoped3A : memref<!tpu.dma_semaphore, #tpu.memory_space<semaphore_mem>>) src(%dma_wait3A_140 : memref<128xi32, #tpu.memory_space<hbm>>) dst(%arg5 : memref<128xi32, #tpu.memory_space<vmem>>)
      tpu.yield
    }) : () -> ()
    %dma_start3A_123 = arith.constant 0 : i32
    %dma_start3A_124 = arith.constant 0 : i32
    %dma_start3A_125 = tpu.memref_slice %arg2[%dma_start3A_123, %dma_start3A_124] : memref<16384x128xf32, #tpu.memory_space<hbm>> -> memref<16384x128xf32, #tpu.memory_space<hbm>>
    tpu.enqueue_indirect_dma source(%dma_start3A_125 : memref<16384x128xf32, #tpu.memory_space<hbm>>) target(%arg6 : memref<128x128xf32, #tpu.memory_space<vmem>>) offsets(%arg5 : memref<128xi32, #tpu.memory_space<vmem>>) semaphore(%arg7 : memref<!tpu.dma_semaphore, #tpu.memory_space<semaphore_mem>>)
    %dma_wait3A_126 = arith.constant 0 : i32
    %dma_wait3A_127 = arith.constant 0 : i32
    %dma_wait3A_128 = tpu.memref_slice %arg2[%dma_wait3A_126, %dma_wait3A_127] : memref<16384x128xf32, #tpu.memory_space<hbm>> -> memref<16384x128xf32, #tpu.memory_space<hbm>>
    tpu.wait_indirect_dma semaphore(%arg7 : memref<!tpu.dma_semaphore, #tpu.memory_space<semaphore_mem>>) src(%dma_wait3A_128 : memref<16384x128xf32, #tpu.memory_space<hbm>>) dst(%arg6 : memref<128x128xf32, #tpu.memory_space<vmem>>)
    "tpu.region"() ({
      %run_scoped3A = tpu.sem_alloc : memref<!tpu.dma_semaphore, #tpu.memory_space<semaphore_mem>>
      %dma_start3A_137 = arith.constant 0 : i32
      %dma_start3A_138 = tpu.memref_slice %arg4[%add3A_122, %dma_start3A_137] : memref<69632x128xf32, #tpu.memory_space<hbm>> -> memref<128x128xf32, #tpu.memory_space<hbm>>
      %dma_start3A_139 = arith.constant 0 : i32
      %dma_start3A_140 = tpu.memref_slice %arg4[%add3A_122, %dma_start3A_139] : memref<69632x128xf32, #tpu.memory_space<hbm>> -> memref<128x128xf32, #tpu.memory_space<hbm>>
      tpu.enqueue_dma source(%arg6 : memref<128x128xf32, #tpu.memory_space<vmem>>) target(%dma_start3A_140 : memref<128x128xf32, #tpu.memory_space<hbm>>) target_semaphore(%run_scoped3A : memref<!tpu.dma_semaphore, #tpu.memory_space<semaphore_mem>>)
      %dma_wait3A_141 = arith.constant 0 : i32
      %dma_wait3A_142 = tpu.memref_slice %arg4[%add3A_122, %dma_wait3A_141] : memref<69632x128xf32, #tpu.memory_space<hbm>> -> memref<128x128xf32, #tpu.memory_space<hbm>>
      %dma_wait3A_143 = arith.constant 0 : i32
      %dma_wait3A_144 = tpu.memref_slice %arg4[%add3A_122, %dma_wait3A_143] : memref<69632x128xf32, #tpu.memory_space<hbm>> -> memref<128x128xf32, #tpu.memory_space<hbm>>
      tpu.wait_dma2 semaphore(%run_scoped3A : memref<!tpu.dma_semaphore, #tpu.memory_space<semaphore_mem>>) src(%arg6 : memref<128x128xf32, #tpu.memory_space<vmem>>) dst(%dma_wait3A_144 : memref<128x128xf32, #tpu.memory_space<hbm>>)
      tpu.yield
    }) : () -> ()
    %add3A_129 = arith.constant 2048 : i32
    %add3A_130 = arith.addi %mul3A_2, %add3A_129 : i32
    "tpu.region"() ({
      %run_scoped3A = tpu.sem_alloc : memref<!tpu.dma_semaphore, #tpu.memory_space<semaphore_mem>>
      %dma_start3A_137 = tpu.memref_slice %arg3[%add3A_130] : memref<69632xi32, #tpu.memory_space<hbm>> -> memref<128xi32, #tpu.memory_space<hbm>>
      %dma_start3A_138 = tpu.memref_slice %arg3[%add3A_130] : memref<69632xi32, #tpu.memory_space<hbm>> -> memref<128xi32, #tpu.memory_space<hbm>>
      tpu.enqueue_dma source(%dma_start3A_138 : memref<128xi32, #tpu.memory_space<hbm>>) target(%arg5 : memref<128xi32, #tpu.memory_space<vmem>>) target_semaphore(%run_scoped3A : memref<!tpu.dma_semaphore, #tpu.memory_space<semaphore_mem>>)
      %dma_wait3A_139 = tpu.memref_slice %arg3[%add3A_130] : memref<69632xi32, #tpu.memory_space<hbm>> -> memref<128xi32, #tpu.memory_space<hbm>>
      %dma_wait3A_140 = tpu.memref_slice %arg3[%add3A_130] : memref<69632xi32, #tpu.memory_space<hbm>> -> memref<128xi32, #tpu.memory_space<hbm>>
      tpu.wait_dma2 semaphore(%run_scoped3A : memref<!tpu.dma_semaphore, #tpu.memory_space<semaphore_mem>>) src(%dma_wait3A_140 : memref<128xi32, #tpu.memory_space<hbm>>) dst(%arg5 : memref<128xi32, #tpu.memory_space<vmem>>)
      tpu.yield
    }) : () -> ()
    %dma_start3A_131 = arith.constant 0 : i32
    %dma_start3A_132 = arith.constant 0 : i32
    %dma_start3A_133 = tpu.memref_slice %arg2[%dma_start3A_131, %dma_start3A_132] : memref<16384x128xf32, #tpu.memory_space<hbm>> -> memref<16384x128xf32, #tpu.memory_space<hbm>>
    tpu.enqueue_indirect_dma source(%dma_start3A_133 : memref<16384x128xf32, #tpu.memory_space<hbm>>) target(%arg6 : memref<128x128xf32, #tpu.memory_space<vmem>>) offsets(%arg5 : memref<128xi32, #tpu.memory_space<vmem>>) semaphore(%arg7 : memref<!tpu.dma_semaphore, #tpu.memory_space<semaphore_mem>>)
    %dma_wait3A_134 = arith.constant 0 : i32
    %dma_wait3A_135 = arith.constant 0 : i32
    %dma_wait3A_136 = tpu.memref_slice %arg2[%dma_wait3A_134, %dma_wait3A_135] : memref<16384x128xf32, #tpu.memory_space<hbm>> -> memref<16384x128xf32, #tpu.memory_space<hbm>>
    tpu.wait_indirect_dma semaphore(%arg7 : memref<!tpu.dma_semaphore, #tpu.memory_space<semaphore_mem>>) src(%dma_wait3A_136 : memref<16384x128xf32, #tpu.memory_space<hbm>>) dst(%arg6 : memref<128x128xf32, #tpu.memory_space<vmem>>)
    "tpu.region"() ({
      %run_scoped3A = tpu.sem_alloc : memref<!tpu.dma_semaphore, #tpu.memory_space<semaphore_mem>>
      %dma_start3A_137 = arith.constant 0 : i32
      %dma_start3A_138 = tpu.memref_slice %arg4[%add3A_130, %dma_start3A_137] : memref<69632x128xf32, #tpu.memory_space<hbm>> -> memref<128x128xf32, #tpu.memory_space<hbm>>
      %dma_start3A_139 = arith.constant 0 : i32
      %dma_start3A_140 = tpu.memref_slice %arg4[%add3A_130, %dma_start3A_139] : memref<69632x128xf32, #tpu.memory_space<hbm>> -> memref<128x128xf32, #tpu.memory_space<hbm>>
      tpu.enqueue_dma source(%arg6 : memref<128x128xf32, #tpu.memory_space<vmem>>) target(%dma_start3A_140 : memref<128x128xf32, #tpu.memory_space<hbm>>) target_semaphore(%run_scoped3A : memref<!tpu.dma_semaphore, #tpu.memory_space<semaphore_mem>>)
      %dma_wait3A_141 = arith.constant 0 : i32
      %dma_wait3A_142 = tpu.memref_slice %arg4[%add3A_130, %dma_wait3A_141] : memref<69632x128xf32, #tpu.memory_space<hbm>> -> memref<128x128xf32, #tpu.memory_space<hbm>>
      %dma_wait3A_143 = arith.constant 0 : i32
      %dma_wait3A_144 = tpu.memref_slice %arg4[%add3A_130, %dma_wait3A_143] : memref<69632x128xf32, #tpu.memory_space<hbm>> -> memref<128x128xf32, #tpu.memory_space<hbm>>
      tpu.wait_dma2 semaphore(%run_scoped3A : memref<!tpu.dma_semaphore, #tpu.memory_space<semaphore_mem>>) src(%arg6 : memref<128x128xf32, #tpu.memory_space<vmem>>) dst(%dma_wait3A_144 : memref<128x128xf32, #tpu.memory_space<hbm>>)
      tpu.yield
    }) : () -> ()
    return
  }
}

module attributes {stable_mosaic.version = 14 : i64} {
  func.func @_knn_kernel(%arg0: i32, %arg1: i32, %arg2: memref<1x128x3xf32, #tpu.memory_space<vmem>>, %arg3: memref<1x128x1xf32, #tpu.memory_space<vmem>>, %arg4: memref<1x1x8192xf32, #tpu.memory_space<vmem>>, %arg5: memref<1x3x8192xf32, #tpu.memory_space<vmem>>, %arg6: memref<1x128x16xi32, #tpu.memory_space<vmem>>, %arg7: memref<128x8192xf32, #tpu.memory_space<vmem>>) attributes {dimension_semantics = [#tpu.dimension_semantics<arbitrary>, #tpu.dimension_semantics<arbitrary>], iteration_bounds = array<i64: 2, 16>, scalar_prefetch = 0 : i64, scratch_operands = 1 : i64, tpu.core_type = #tpu.core_type<tc>, window_params = [{transform_indices = @transform_0, window_bounds = array<i64: 1, 128, 3>}, {transform_indices = @transform_1, window_bounds = array<i64: 1, 128, 1>}, {transform_indices = @transform_2, window_bounds = array<i64: 1, 1, 8192>}, {transform_indices = @transform_3, window_bounds = array<i64: 1, 3, 8192>}, {transform_indices = @transform_4, window_bounds = array<i64: 1, 128, 16>}]} {
    %iota3A = tpu.iota {dimensions = array<i32: 1>} : vector<128x8192xi32>
    %get3A = arith.constant 0 : index
    %get3A_0 = arith.constant 0 : index
    %get3A_1 = arith.constant 0 : index
    %get3A_2 = vector.load %arg2[%get3A, %get3A_0, %get3A_1] : memref<1x128x3xf32, #tpu.memory_space<vmem>>, vector<1x128x3xf32>
    %get3A_3 = vector.shape_cast %get3A_2 : vector<1x128x3xf32> to vector<128x3xf32>
    %get3A_4 = arith.constant 0 : index
    %get3A_5 = arith.constant 0 : index
    %get3A_6 = arith.constant 0 : index
    %get3A_7 = vector.load %arg5[%get3A_4, %get3A_5, %get3A_6] : memref<1x3x8192xf32, #tpu.memory_space<vmem>>, vector<1x3x8192xf32>
    %get3A_8 = vector.shape_cast %get3A_7 : vector<1x3x8192xf32> to vector<3x8192xf32>
    %dot_general3A = arith.constant dense<0.000000e+00> : vector<128x8192xf32>
    %dot_general3A_9 = tpu.matmul %get3A_3, %get3A_8, %dot_general3A {dimension_numbers = #tpu.dot_dimension_numbers<[1], [0], [0], [1], [0, 0, 1, 1], [], []>, transpose_lhs_hint = false} : vector<128x3xf32>, vector<3x8192xf32>, vector<128x8192xf32> -> vector<128x8192xf32>
    %get3A_10 = arith.constant 0 : index
    %get3A_11 = arith.constant 0 : index
    %get3A_12 = arith.constant 0 : index
    %get3A_13 = vector.load %arg3[%get3A_10, %get3A_11, %get3A_12] : memref<1x128x1xf32, #tpu.memory_space<vmem>>, vector<1x128x1xf32>
    %get3A_14 = vector.shape_cast %get3A_13 : vector<1x128x1xf32> to vector<128x1xf32>
    %get3A_15 = arith.constant 0 : index
    %get3A_16 = arith.constant 0 : index
    %get3A_17 = arith.constant 0 : index
    %get3A_18 = vector.load %arg4[%get3A_15, %get3A_16, %get3A_17] : memref<1x1x8192xf32, #tpu.memory_space<vmem>>, vector<1x1x8192xf32>
    %get3A_19 = vector.shape_cast %get3A_18 : vector<1x1x8192xf32> to vector<1x8192xf32>
    %add3A = vector.broadcast %get3A_14 : vector<128x1xf32> to vector<128x8192xf32>
    %add3A_20 = vector.broadcast %get3A_19 : vector<1x8192xf32> to vector<128x8192xf32>
    %add3A_21 = arith.addf %add3A, %add3A_20 : vector<128x8192xf32>
    %mul3A = arith.constant 2.000000e+00 : f32
    %mul3A_22 = vector.broadcast %mul3A : f32 to vector<128x8192xf32>
    %mul3A_23 = arith.mulf %mul3A_22, %dot_general3A_9 : vector<128x8192xf32>
    %sub3A = arith.subf %add3A_21, %mul3A_23 : vector<128x8192xf32>
    %jit3A = arith.constant 0.000000e+00 : f32
    %max3A = vector.broadcast %jit3A : f32 to vector<128x8192xf32>
    %max3A_24 = arith.maximumf %max3A, %sub3A : vector<128x8192xf32>
    %add3A_25 = arith.constant 9.99999993E-9 : f32
    %add3A_26 = vector.broadcast %add3A_25 : f32 to vector<128x8192xf32>
    %add3A_27 = arith.addf %max3A_24, %add3A_26 : vector<128x8192xf32>
    %sqrt3A = math.sqrt %add3A_27 : vector<128x8192xf32>
    %le3A = arith.constant 3.000000e-01 : f32
    %le3A_28 = vector.broadcast %le3A : f32 to vector<128x8192xf32>
    %le3A_29 = arith.cmpf ole, %sqrt3A, %le3A_28 : vector<128x8192xf32>
    %jit3A_30 = arith.constant 1.000000e+09 : f32
    %broadcast_in_dim3A = vector.broadcast %jit3A_30 : f32 to vector<128x8192xf32>
    %select_n3A = arith.select %le3A_29, %sqrt3A, %broadcast_in_dim3A : vector<128x8192xi1>, vector<128x8192xf32>
    %swap3A = arith.constant 0 : index
    %swap3A_31 = arith.constant 0 : index
    %swap3A_32 = vector.load %arg7[%swap3A, %swap3A_31] : memref<128x8192xf32, #tpu.memory_space<vmem>>, vector<128x8192xf32>
    tpu.vector_store %arg7[%swap3A, %swap3A_31], %select_n3A {strides = array<i32>} : memref<128x8192xf32, #tpu.memory_space<vmem>>, vector<128x8192xf32>,
    %reduce_min3A = arith.constant dense<0x7F800000> : vector<128xf32>
    %reduce_min3A_33 = vector.multi_reduction <minimumf>, %select_n3A, %reduce_min3A [1] : vector<128x8192xf32> to vector<128xf32>
    %broadcast_in_dim3A_34 = vector.shape_cast %reduce_min3A_33 : vector<128xf32> to vector<128x1xf32>
    %get3A_35 = arith.constant 0 : index
    %get3A_36 = arith.constant 0 : index
    %get3A_37 = vector.load %arg7[%get3A_35, %get3A_36] : memref<128x8192xf32, #tpu.memory_space<vmem>>, vector<128x8192xf32>
    %eq3A = vector.broadcast %broadcast_in_dim3A_34 : vector<128x1xf32> to vector<128x8192xf32>
    %eq3A_38 = arith.cmpf oeq, %get3A_37, %eq3A : vector<128x8192xf32>
    %jit3A_39 = arith.constant 8192 : i32
    %broadcast_in_dim3A_40 = vector.broadcast %jit3A_39 : i32 to vector<128x8192xi32>
    %select_n3A_41 = arith.select %eq3A_38, %iota3A, %broadcast_in_dim3A_40 : vector<128x8192xi1>, vector<128x8192xi32>
    %reduce_min3A_42 = arith.constant dense<2147483647> : vector<128xi32>
    %reduce_min3A_43 = vector.multi_reduction <minsi>, %select_n3A_41, %reduce_min3A_42 [1] : vector<128x8192xi32> to vector<128xi32>
    %broadcast_in_dim3A_44 = vector.shape_cast %reduce_min3A_43 : vector<128xi32> to vector<128x1xi32>
    %min3A = arith.constant 8191 : i32
    %min3A_45 = vector.broadcast %min3A : i32 to vector<128x1xi32>
    %min3A_46 = arith.minsi %broadcast_in_dim3A_44, %min3A_45 : vector<128x1xi32>
    %eq3A_47 = vector.broadcast %min3A_46 : vector<128x1xi32> to vector<128x8192xi32>
    %eq3A_48 = arith.cmpi eq, %iota3A, %eq3A_47 : vector<128x8192xi32>
    %jit3A_49 = arith.constant 0x7F800000 : f32
    %broadcast_in_dim3A_50 = vector.broadcast %jit3A_49 : f32 to vector<128x8192xf32>
    %select_n3A_51 = arith.select %eq3A_48, %broadcast_in_dim3A_50, %get3A_37 : vector<128x8192xi1>, vector<128x8192xf32>
    %swap3A_52 = arith.constant 0 : index
    %swap3A_53 = arith.constant 0 : index
    %swap3A_54 = vector.load %arg7[%swap3A_52, %swap3A_53] : memref<128x8192xf32, #tpu.memory_space<vmem>>, vector<128x8192xf32>
    tpu.vector_store %arg7[%swap3A_52, %swap3A_53], %select_n3A_51 {strides = array<i32>} : memref<128x8192xf32, #tpu.memory_space<vmem>>, vector<128x8192xf32>,
    %reduce_min3A_55 = arith.constant dense<0x7F800000> : vector<128xf32>
    %reduce_min3A_56 = vector.multi_reduction <minimumf>, %select_n3A_51, %reduce_min3A_55 [1] : vector<128x8192xf32> to vector<128xf32>
    %broadcast_in_dim3A_57 = vector.shape_cast %reduce_min3A_56 : vector<128xf32> to vector<128x1xf32>
    %get3A_58 = arith.constant 0 : index
    %get3A_59 = arith.constant 0 : index
    %get3A_60 = vector.load %arg7[%get3A_58, %get3A_59] : memref<128x8192xf32, #tpu.memory_space<vmem>>, vector<128x8192xf32>
    %eq3A_61 = vector.broadcast %broadcast_in_dim3A_57 : vector<128x1xf32> to vector<128x8192xf32>
    %eq3A_62 = arith.cmpf oeq, %get3A_60, %eq3A_61 : vector<128x8192xf32>
    %jit3A_63 = arith.constant 8192 : i32
    %broadcast_in_dim3A_64 = vector.broadcast %jit3A_63 : i32 to vector<128x8192xi32>
    %select_n3A_65 = arith.select %eq3A_62, %iota3A, %broadcast_in_dim3A_64 : vector<128x8192xi1>, vector<128x8192xi32>
    %reduce_min3A_66 = arith.constant dense<2147483647> : vector<128xi32>
    %reduce_min3A_67 = vector.multi_reduction <minsi>, %select_n3A_65, %reduce_min3A_66 [1] : vector<128x8192xi32> to vector<128xi32>
    %broadcast_in_dim3A_68 = vector.shape_cast %reduce_min3A_67 : vector<128xi32> to vector<128x1xi32>
    %min3A_69 = arith.constant 8191 : i32
    %min3A_70 = vector.broadcast %min3A_69 : i32 to vector<128x1xi32>
    %min3A_71 = arith.minsi %broadcast_in_dim3A_68, %min3A_70 : vector<128x1xi32>
    %eq3A_72 = vector.broadcast %min3A_71 : vector<128x1xi32> to vector<128x8192xi32>
    %eq3A_73 = arith.cmpi eq, %iota3A, %eq3A_72 : vector<128x8192xi32>
    %jit3A_74 = arith.constant 0x7F800000 : f32
    %broadcast_in_dim3A_75 = vector.broadcast %jit3A_74 : f32 to vector<128x8192xf32>
    %select_n3A_76 = arith.select %eq3A_73, %broadcast_in_dim3A_75, %get3A_60 : vector<128x8192xi1>, vector<128x8192xf32>
    %swap3A_77 = arith.constant 0 : index
    %swap3A_78 = arith.constant 0 : index
    %swap3A_79 = vector.load %arg7[%swap3A_77, %swap3A_78] : memref<128x8192xf32, #tpu.memory_space<vmem>>, vector<128x8192xf32>
    tpu.vector_store %arg7[%swap3A_77, %swap3A_78], %select_n3A_76 {strides = array<i32>} : memref<128x8192xf32, #tpu.memory_space<vmem>>, vector<128x8192xf32>,
    %reduce_min3A_80 = arith.constant dense<0x7F800000> : vector<128xf32>
    %reduce_min3A_81 = vector.multi_reduction <minimumf>, %select_n3A_76, %reduce_min3A_80 [1] : vector<128x8192xf32> to vector<128xf32>
    %broadcast_in_dim3A_82 = vector.shape_cast %reduce_min3A_81 : vector<128xf32> to vector<128x1xf32>
    %get3A_83 = arith.constant 0 : index
    %get3A_84 = arith.constant 0 : index
    %get3A_85 = vector.load %arg7[%get3A_83, %get3A_84] : memref<128x8192xf32, #tpu.memory_space<vmem>>, vector<128x8192xf32>
    %eq3A_86 = vector.broadcast %broadcast_in_dim3A_82 : vector<128x1xf32> to vector<128x8192xf32>
    %eq3A_87 = arith.cmpf oeq, %get3A_85, %eq3A_86 : vector<128x8192xf32>
    %jit3A_88 = arith.constant 8192 : i32
    %broadcast_in_dim3A_89 = vector.broadcast %jit3A_88 : i32 to vector<128x8192xi32>
    %select_n3A_90 = arith.select %eq3A_87, %iota3A, %broadcast_in_dim3A_89 : vector<128x8192xi1>, vector<128x8192xi32>
    %reduce_min3A_91 = arith.constant dense<2147483647> : vector<128xi32>
    %reduce_min3A_92 = vector.multi_reduction <minsi>, %select_n3A_90, %reduce_min3A_91 [1] : vector<128x8192xi32> to vector<128xi32>
    %broadcast_in_dim3A_93 = vector.shape_cast %reduce_min3A_92 : vector<128xi32> to vector<128x1xi32>
    %min3A_94 = arith.constant 8191 : i32
    %min3A_95 = vector.broadcast %min3A_94 : i32 to vector<128x1xi32>
    %min3A_96 = arith.minsi %broadcast_in_dim3A_93, %min3A_95 : vector<128x1xi32>
    %eq3A_97 = vector.broadcast %min3A_96 : vector<128x1xi32> to vector<128x8192xi32>
    %eq3A_98 = arith.cmpi eq, %iota3A, %eq3A_97 : vector<128x8192xi32>
    %jit3A_99 = arith.constant 0x7F800000 : f32
    %broadcast_in_dim3A_100 = vector.broadcast %jit3A_99 : f32 to vector<128x8192xf32>
    %select_n3A_101 = arith.select %eq3A_98, %broadcast_in_dim3A_100, %get3A_85 : vector<128x8192xi1>, vector<128x8192xf32>
    %swap3A_102 = arith.constant 0 : index
    %swap3A_103 = arith.constant 0 : index
    %swap3A_104 = vector.load %arg7[%swap3A_102, %swap3A_103] : memref<128x8192xf32, #tpu.memory_space<vmem>>, vector<128x8192xf32>
    tpu.vector_store %arg7[%swap3A_102, %swap3A_103], %select_n3A_101 {strides = array<i32>} : memref<128x8192xf32, #tpu.memory_space<vmem>>, vector<128x8192xf32>,
    %reduce_min3A_105 = arith.constant dense<0x7F800000> : vector<128xf32>
    %reduce_min3A_106 = vector.multi_reduction <minimumf>, %select_n3A_101, %reduce_min3A_105 [1] : vector<128x8192xf32> to vector<128xf32>
    %broadcast_in_dim3A_107 = vector.shape_cast %reduce_min3A_106 : vector<128xf32> to vector<128x1xf32>
    %get3A_108 = arith.constant 0 : index
    %get3A_109 = arith.constant 0 : index
    %get3A_110 = vector.load %arg7[%get3A_108, %get3A_109] : memref<128x8192xf32, #tpu.memory_space<vmem>>, vector<128x8192xf32>
    %eq3A_111 = vector.broadcast %broadcast_in_dim3A_107 : vector<128x1xf32> to vector<128x8192xf32>
    %eq3A_112 = arith.cmpf oeq, %get3A_110, %eq3A_111 : vector<128x8192xf32>
    %jit3A_113 = arith.constant 8192 : i32
    %broadcast_in_dim3A_114 = vector.broadcast %jit3A_113 : i32 to vector<128x8192xi32>
    %select_n3A_115 = arith.select %eq3A_112, %iota3A, %broadcast_in_dim3A_114 : vector<128x8192xi1>, vector<128x8192xi32>
    %reduce_min3A_116 = arith.constant dense<2147483647> : vector<128xi32>
    %reduce_min3A_117 = vector.multi_reduction <minsi>, %select_n3A_115, %reduce_min3A_116 [1] : vector<128x8192xi32> to vector<128xi32>
    %broadcast_in_dim3A_118 = vector.shape_cast %reduce_min3A_117 : vector<128xi32> to vector<128x1xi32>
    %min3A_119 = arith.constant 8191 : i32
    %min3A_120 = vector.broadcast %min3A_119 : i32 to vector<128x1xi32>
    %min3A_121 = arith.minsi %broadcast_in_dim3A_118, %min3A_120 : vector<128x1xi32>
    %eq3A_122 = vector.broadcast %min3A_121 : vector<128x1xi32> to vector<128x8192xi32>
    %eq3A_123 = arith.cmpi eq, %iota3A, %eq3A_122 : vector<128x8192xi32>
    %jit3A_124 = arith.constant 0x7F800000 : f32
    %broadcast_in_dim3A_125 = vector.broadcast %jit3A_124 : f32 to vector<128x8192xf32>
    %select_n3A_126 = arith.select %eq3A_123, %broadcast_in_dim3A_125, %get3A_110 : vector<128x8192xi1>, vector<128x8192xf32>
    %swap3A_127 = arith.constant 0 : index
    %swap3A_128 = arith.constant 0 : index
    %swap3A_129 = vector.load %arg7[%swap3A_127, %swap3A_128] : memref<128x8192xf32, #tpu.memory_space<vmem>>, vector<128x8192xf32>
    tpu.vector_store %arg7[%swap3A_127, %swap3A_128], %select_n3A_126 {strides = array<i32>} : memref<128x8192xf32, #tpu.memory_space<vmem>>, vector<128x8192xf32>,
    %reduce_min3A_130 = arith.constant dense<0x7F800000> : vector<128xf32>
    %reduce_min3A_131 = vector.multi_reduction <minimumf>, %select_n3A_126, %reduce_min3A_130 [1] : vector<128x8192xf32> to vector<128xf32>
    %broadcast_in_dim3A_132 = vector.shape_cast %reduce_min3A_131 : vector<128xf32> to vector<128x1xf32>
    %get3A_133 = arith.constant 0 : index
    %get3A_134 = arith.constant 0 : index
    %get3A_135 = vector.load %arg7[%get3A_133, %get3A_134] : memref<128x8192xf32, #tpu.memory_space<vmem>>, vector<128x8192xf32>
    %eq3A_136 = vector.broadcast %broadcast_in_dim3A_132 : vector<128x1xf32> to vector<128x8192xf32>
    %eq3A_137 = arith.cmpf oeq, %get3A_135, %eq3A_136 : vector<128x8192xf32>
    %jit3A_138 = arith.constant 8192 : i32
    %broadcast_in_dim3A_139 = vector.broadcast %jit3A_138 : i32 to vector<128x8192xi32>
    %select_n3A_140 = arith.select %eq3A_137, %iota3A, %broadcast_in_dim3A_139 : vector<128x8192xi1>, vector<128x8192xi32>
    %reduce_min3A_141 = arith.constant dense<2147483647> : vector<128xi32>
    %reduce_min3A_142 = vector.multi_reduction <minsi>, %select_n3A_140, %reduce_min3A_141 [1] : vector<128x8192xi32> to vector<128xi32>
    %broadcast_in_dim3A_143 = vector.shape_cast %reduce_min3A_142 : vector<128xi32> to vector<128x1xi32>
    %min3A_144 = arith.constant 8191 : i32
    %min3A_145 = vector.broadcast %min3A_144 : i32 to vector<128x1xi32>
    %min3A_146 = arith.minsi %broadcast_in_dim3A_143, %min3A_145 : vector<128x1xi32>
    %eq3A_147 = vector.broadcast %min3A_146 : vector<128x1xi32> to vector<128x8192xi32>
    %eq3A_148 = arith.cmpi eq, %iota3A, %eq3A_147 : vector<128x8192xi32>
    %jit3A_149 = arith.constant 0x7F800000 : f32
    %broadcast_in_dim3A_150 = vector.broadcast %jit3A_149 : f32 to vector<128x8192xf32>
    %select_n3A_151 = arith.select %eq3A_148, %broadcast_in_dim3A_150, %get3A_135 : vector<128x8192xi1>, vector<128x8192xf32>
    %swap3A_152 = arith.constant 0 : index
    %swap3A_153 = arith.constant 0 : index
    %swap3A_154 = vector.load %arg7[%swap3A_152, %swap3A_153] : memref<128x8192xf32, #tpu.memory_space<vmem>>, vector<128x8192xf32>
    tpu.vector_store %arg7[%swap3A_152, %swap3A_153], %select_n3A_151 {strides = array<i32>} : memref<128x8192xf32, #tpu.memory_space<vmem>>, vector<128x8192xf32>,
    %reduce_min3A_155 = arith.constant dense<0x7F800000> : vector<128xf32>
    %reduce_min3A_156 = vector.multi_reduction <minimumf>, %select_n3A_151, %reduce_min3A_155 [1] : vector<128x8192xf32> to vector<128xf32>
    %broadcast_in_dim3A_157 = vector.shape_cast %reduce_min3A_156 : vector<128xf32> to vector<128x1xf32>
    %get3A_158 = arith.constant 0 : index
    %get3A_159 = arith.constant 0 : index
    %get3A_160 = vector.load %arg7[%get3A_158, %get3A_159] : memref<128x8192xf32, #tpu.memory_space<vmem>>, vector<128x8192xf32>
    %eq3A_161 = vector.broadcast %broadcast_in_dim3A_157 : vector<128x1xf32> to vector<128x8192xf32>
    %eq3A_162 = arith.cmpf oeq, %get3A_160, %eq3A_161 : vector<128x8192xf32>
    %jit3A_163 = arith.constant 8192 : i32
    %broadcast_in_dim3A_164 = vector.broadcast %jit3A_163 : i32 to vector<128x8192xi32>
    %select_n3A_165 = arith.select %eq3A_162, %iota3A, %broadcast_in_dim3A_164 : vector<128x8192xi1>, vector<128x8192xi32>
    %reduce_min3A_166 = arith.constant dense<2147483647> : vector<128xi32>
    %reduce_min3A_167 = vector.multi_reduction <minsi>, %select_n3A_165, %reduce_min3A_166 [1] : vector<128x8192xi32> to vector<128xi32>
    %broadcast_in_dim3A_168 = vector.shape_cast %reduce_min3A_167 : vector<128xi32> to vector<128x1xi32>
    %min3A_169 = arith.constant 8191 : i32
    %min3A_170 = vector.broadcast %min3A_169 : i32 to vector<128x1xi32>
    %min3A_171 = arith.minsi %broadcast_in_dim3A_168, %min3A_170 : vector<128x1xi32>
    %eq3A_172 = vector.broadcast %min3A_171 : vector<128x1xi32> to vector<128x8192xi32>
    %eq3A_173 = arith.cmpi eq, %iota3A, %eq3A_172 : vector<128x8192xi32>
    %jit3A_174 = arith.constant 0x7F800000 : f32
    %broadcast_in_dim3A_175 = vector.broadcast %jit3A_174 : f32 to vector<128x8192xf32>
    %select_n3A_176 = arith.select %eq3A_173, %broadcast_in_dim3A_175, %get3A_160 : vector<128x8192xi1>, vector<128x8192xf32>
    %swap3A_177 = arith.constant 0 : index
    %swap3A_178 = arith.constant 0 : index
    %swap3A_179 = vector.load %arg7[%swap3A_177, %swap3A_178] : memref<128x8192xf32, #tpu.memory_space<vmem>>, vector<128x8192xf32>
    tpu.vector_store %arg7[%swap3A_177, %swap3A_178], %select_n3A_176 {strides = array<i32>} : memref<128x8192xf32, #tpu.memory_space<vmem>>, vector<128x8192xf32>,
    %reduce_min3A_180 = arith.constant dense<0x7F800000> : vector<128xf32>
    %reduce_min3A_181 = vector.multi_reduction <minimumf>, %select_n3A_176, %reduce_min3A_180 [1] : vector<128x8192xf32> to vector<128xf32>
    %broadcast_in_dim3A_182 = vector.shape_cast %reduce_min3A_181 : vector<128xf32> to vector<128x1xf32>
    %get3A_183 = arith.constant 0 : index
    %get3A_184 = arith.constant 0 : index
    %get3A_185 = vector.load %arg7[%get3A_183, %get3A_184] : memref<128x8192xf32, #tpu.memory_space<vmem>>, vector<128x8192xf32>
    %eq3A_186 = vector.broadcast %broadcast_in_dim3A_182 : vector<128x1xf32> to vector<128x8192xf32>
    %eq3A_187 = arith.cmpf oeq, %get3A_185, %eq3A_186 : vector<128x8192xf32>
    %jit3A_188 = arith.constant 8192 : i32
    %broadcast_in_dim3A_189 = vector.broadcast %jit3A_188 : i32 to vector<128x8192xi32>
    %select_n3A_190 = arith.select %eq3A_187, %iota3A, %broadcast_in_dim3A_189 : vector<128x8192xi1>, vector<128x8192xi32>
    %reduce_min3A_191 = arith.constant dense<2147483647> : vector<128xi32>
    %reduce_min3A_192 = vector.multi_reduction <minsi>, %select_n3A_190, %reduce_min3A_191 [1] : vector<128x8192xi32> to vector<128xi32>
    %broadcast_in_dim3A_193 = vector.shape_cast %reduce_min3A_192 : vector<128xi32> to vector<128x1xi32>
    %min3A_194 = arith.constant 8191 : i32
    %min3A_195 = vector.broadcast %min3A_194 : i32 to vector<128x1xi32>
    %min3A_196 = arith.minsi %broadcast_in_dim3A_193, %min3A_195 : vector<128x1xi32>
    %eq3A_197 = vector.broadcast %min3A_196 : vector<128x1xi32> to vector<128x8192xi32>
    %eq3A_198 = arith.cmpi eq, %iota3A, %eq3A_197 : vector<128x8192xi32>
    %jit3A_199 = arith.constant 0x7F800000 : f32
    %broadcast_in_dim3A_200 = vector.broadcast %jit3A_199 : f32 to vector<128x8192xf32>
    %select_n3A_201 = arith.select %eq3A_198, %broadcast_in_dim3A_200, %get3A_185 : vector<128x8192xi1>, vector<128x8192xf32>
    %swap3A_202 = arith.constant 0 : index
    %swap3A_203 = arith.constant 0 : index
    %swap3A_204 = vector.load %arg7[%swap3A_202, %swap3A_203] : memref<128x8192xf32, #tpu.memory_space<vmem>>, vector<128x8192xf32>
    tpu.vector_store %arg7[%swap3A_202, %swap3A_203], %select_n3A_201 {strides = array<i32>} : memref<128x8192xf32, #tpu.memory_space<vmem>>, vector<128x8192xf32>,
    %reduce_min3A_205 = arith.constant dense<0x7F800000> : vector<128xf32>
    %reduce_min3A_206 = vector.multi_reduction <minimumf>, %select_n3A_201, %reduce_min3A_205 [1] : vector<128x8192xf32> to vector<128xf32>
    %broadcast_in_dim3A_207 = vector.shape_cast %reduce_min3A_206 : vector<128xf32> to vector<128x1xf32>
    %get3A_208 = arith.constant 0 : index
    %get3A_209 = arith.constant 0 : index
    %get3A_210 = vector.load %arg7[%get3A_208, %get3A_209] : memref<128x8192xf32, #tpu.memory_space<vmem>>, vector<128x8192xf32>
    %eq3A_211 = vector.broadcast %broadcast_in_dim3A_207 : vector<128x1xf32> to vector<128x8192xf32>
    %eq3A_212 = arith.cmpf oeq, %get3A_210, %eq3A_211 : vector<128x8192xf32>
    %jit3A_213 = arith.constant 8192 : i32
    %broadcast_in_dim3A_214 = vector.broadcast %jit3A_213 : i32 to vector<128x8192xi32>
    %select_n3A_215 = arith.select %eq3A_212, %iota3A, %broadcast_in_dim3A_214 : vector<128x8192xi1>, vector<128x8192xi32>
    %reduce_min3A_216 = arith.constant dense<2147483647> : vector<128xi32>
    %reduce_min3A_217 = vector.multi_reduction <minsi>, %select_n3A_215, %reduce_min3A_216 [1] : vector<128x8192xi32> to vector<128xi32>
    %broadcast_in_dim3A_218 = vector.shape_cast %reduce_min3A_217 : vector<128xi32> to vector<128x1xi32>
    %min3A_219 = arith.constant 8191 : i32
    %min3A_220 = vector.broadcast %min3A_219 : i32 to vector<128x1xi32>
    %min3A_221 = arith.minsi %broadcast_in_dim3A_218, %min3A_220 : vector<128x1xi32>
    %eq3A_222 = vector.broadcast %min3A_221 : vector<128x1xi32> to vector<128x8192xi32>
    %eq3A_223 = arith.cmpi eq, %iota3A, %eq3A_222 : vector<128x8192xi32>
    %jit3A_224 = arith.constant 0x7F800000 : f32
    %broadcast_in_dim3A_225 = vector.broadcast %jit3A_224 : f32 to vector<128x8192xf32>
    %select_n3A_226 = arith.select %eq3A_223, %broadcast_in_dim3A_225, %get3A_210 : vector<128x8192xi1>, vector<128x8192xf32>
    %swap3A_227 = arith.constant 0 : index
    %swap3A_228 = arith.constant 0 : index
    %swap3A_229 = vector.load %arg7[%swap3A_227, %swap3A_228] : memref<128x8192xf32, #tpu.memory_space<vmem>>, vector<128x8192xf32>
    tpu.vector_store %arg7[%swap3A_227, %swap3A_228], %select_n3A_226 {strides = array<i32>} : memref<128x8192xf32, #tpu.memory_space<vmem>>, vector<128x8192xf32>,
    %reduce_min3A_230 = arith.constant dense<0x7F800000> : vector<128xf32>
    %reduce_min3A_231 = vector.multi_reduction <minimumf>, %select_n3A_226, %reduce_min3A_230 [1] : vector<128x8192xf32> to vector<128xf32>
    %broadcast_in_dim3A_232 = vector.shape_cast %reduce_min3A_231 : vector<128xf32> to vector<128x1xf32>
    %get3A_233 = arith.constant 0 : index
    %get3A_234 = arith.constant 0 : index
    %get3A_235 = vector.load %arg7[%get3A_233, %get3A_234] : memref<128x8192xf32, #tpu.memory_space<vmem>>, vector<128x8192xf32>
    %eq3A_236 = vector.broadcast %broadcast_in_dim3A_232 : vector<128x1xf32> to vector<128x8192xf32>
    %eq3A_237 = arith.cmpf oeq, %get3A_235, %eq3A_236 : vector<128x8192xf32>
    %jit3A_238 = arith.constant 8192 : i32
    %broadcast_in_dim3A_239 = vector.broadcast %jit3A_238 : i32 to vector<128x8192xi32>
    %select_n3A_240 = arith.select %eq3A_237, %iota3A, %broadcast_in_dim3A_239 : vector<128x8192xi1>, vector<128x8192xi32>
    %reduce_min3A_241 = arith.constant dense<2147483647> : vector<128xi32>
    %reduce_min3A_242 = vector.multi_reduction <minsi>, %select_n3A_240, %reduce_min3A_241 [1] : vector<128x8192xi32> to vector<128xi32>
    %broadcast_in_dim3A_243 = vector.shape_cast %reduce_min3A_242 : vector<128xi32> to vector<128x1xi32>
    %min3A_244 = arith.constant 8191 : i32
    %min3A_245 = vector.broadcast %min3A_244 : i32 to vector<128x1xi32>
    %min3A_246 = arith.minsi %broadcast_in_dim3A_243, %min3A_245 : vector<128x1xi32>
    %eq3A_247 = vector.broadcast %min3A_246 : vector<128x1xi32> to vector<128x8192xi32>
    %eq3A_248 = arith.cmpi eq, %iota3A, %eq3A_247 : vector<128x8192xi32>
    %jit3A_249 = arith.constant 0x7F800000 : f32
    %broadcast_in_dim3A_250 = vector.broadcast %jit3A_249 : f32 to vector<128x8192xf32>
    %select_n3A_251 = arith.select %eq3A_248, %broadcast_in_dim3A_250, %get3A_235 : vector<128x8192xi1>, vector<128x8192xf32>
    %swap3A_252 = arith.constant 0 : index
    %swap3A_253 = arith.constant 0 : index
    %swap3A_254 = vector.load %arg7[%swap3A_252, %swap3A_253] : memref<128x8192xf32, #tpu.memory_space<vmem>>, vector<128x8192xf32>
    tpu.vector_store %arg7[%swap3A_252, %swap3A_253], %select_n3A_251 {strides = array<i32>} : memref<128x8192xf32, #tpu.memory_space<vmem>>, vector<128x8192xf32>,
    %reduce_min3A_255 = arith.constant dense<0x7F800000> : vector<128xf32>
    %reduce_min3A_256 = vector.multi_reduction <minimumf>, %select_n3A_251, %reduce_min3A_255 [1] : vector<128x8192xf32> to vector<128xf32>
    %broadcast_in_dim3A_257 = vector.shape_cast %reduce_min3A_256 : vector<128xf32> to vector<128x1xf32>
    %get3A_258 = arith.constant 0 : index
    %get3A_259 = arith.constant 0 : index
    %get3A_260 = vector.load %arg7[%get3A_258, %get3A_259] : memref<128x8192xf32, #tpu.memory_space<vmem>>, vector<128x8192xf32>
    %eq3A_261 = vector.broadcast %broadcast_in_dim3A_257 : vector<128x1xf32> to vector<128x8192xf32>
    %eq3A_262 = arith.cmpf oeq, %get3A_260, %eq3A_261 : vector<128x8192xf32>
    %jit3A_263 = arith.constant 8192 : i32
    %broadcast_in_dim3A_264 = vector.broadcast %jit3A_263 : i32 to vector<128x8192xi32>
    %select_n3A_265 = arith.select %eq3A_262, %iota3A, %broadcast_in_dim3A_264 : vector<128x8192xi1>, vector<128x8192xi32>
    %reduce_min3A_266 = arith.constant dense<2147483647> : vector<128xi32>
    %reduce_min3A_267 = vector.multi_reduction <minsi>, %select_n3A_265, %reduce_min3A_266 [1] : vector<128x8192xi32> to vector<128xi32>
    %broadcast_in_dim3A_268 = vector.shape_cast %reduce_min3A_267 : vector<128xi32> to vector<128x1xi32>
    %min3A_269 = arith.constant 8191 : i32
    %min3A_270 = vector.broadcast %min3A_269 : i32 to vector<128x1xi32>
    %min3A_271 = arith.minsi %broadcast_in_dim3A_268, %min3A_270 : vector<128x1xi32>
    %eq3A_272 = vector.broadcast %min3A_271 : vector<128x1xi32> to vector<128x8192xi32>
    %eq3A_273 = arith.cmpi eq, %iota3A, %eq3A_272 : vector<128x8192xi32>
    %jit3A_274 = arith.constant 0x7F800000 : f32
    %broadcast_in_dim3A_275 = vector.broadcast %jit3A_274 : f32 to vector<128x8192xf32>
    %select_n3A_276 = arith.select %eq3A_273, %broadcast_in_dim3A_275, %get3A_260 : vector<128x8192xi1>, vector<128x8192xf32>
    %swap3A_277 = arith.constant 0 : index
    %swap3A_278 = arith.constant 0 : index
    %swap3A_279 = vector.load %arg7[%swap3A_277, %swap3A_278] : memref<128x8192xf32, #tpu.memory_space<vmem>>, vector<128x8192xf32>
    tpu.vector_store %arg7[%swap3A_277, %swap3A_278], %select_n3A_276 {strides = array<i32>} : memref<128x8192xf32, #tpu.memory_space<vmem>>, vector<128x8192xf32>,
    %reduce_min3A_280 = arith.constant dense<0x7F800000> : vector<128xf32>
    %reduce_min3A_281 = vector.multi_reduction <minimumf>, %select_n3A_276, %reduce_min3A_280 [1] : vector<128x8192xf32> to vector<128xf32>
    %broadcast_in_dim3A_282 = vector.shape_cast %reduce_min3A_281 : vector<128xf32> to vector<128x1xf32>
    %get3A_283 = arith.constant 0 : index
    %get3A_284 = arith.constant 0 : index
    %get3A_285 = vector.load %arg7[%get3A_283, %get3A_284] : memref<128x8192xf32, #tpu.memory_space<vmem>>, vector<128x8192xf32>
    %eq3A_286 = vector.broadcast %broadcast_in_dim3A_282 : vector<128x1xf32> to vector<128x8192xf32>
    %eq3A_287 = arith.cmpf oeq, %get3A_285, %eq3A_286 : vector<128x8192xf32>
    %jit3A_288 = arith.constant 8192 : i32
    %broadcast_in_dim3A_289 = vector.broadcast %jit3A_288 : i32 to vector<128x8192xi32>
    %select_n3A_290 = arith.select %eq3A_287, %iota3A, %broadcast_in_dim3A_289 : vector<128x8192xi1>, vector<128x8192xi32>
    %reduce_min3A_291 = arith.constant dense<2147483647> : vector<128xi32>
    %reduce_min3A_292 = vector.multi_reduction <minsi>, %select_n3A_290, %reduce_min3A_291 [1] : vector<128x8192xi32> to vector<128xi32>
    %broadcast_in_dim3A_293 = vector.shape_cast %reduce_min3A_292 : vector<128xi32> to vector<128x1xi32>
    %min3A_294 = arith.constant 8191 : i32
    %min3A_295 = vector.broadcast %min3A_294 : i32 to vector<128x1xi32>
    %min3A_296 = arith.minsi %broadcast_in_dim3A_293, %min3A_295 : vector<128x1xi32>
    %eq3A_297 = vector.broadcast %min3A_296 : vector<128x1xi32> to vector<128x8192xi32>
    %eq3A_298 = arith.cmpi eq, %iota3A, %eq3A_297 : vector<128x8192xi32>
    %jit3A_299 = arith.constant 0x7F800000 : f32
    %broadcast_in_dim3A_300 = vector.broadcast %jit3A_299 : f32 to vector<128x8192xf32>
    %select_n3A_301 = arith.select %eq3A_298, %broadcast_in_dim3A_300, %get3A_285 : vector<128x8192xi1>, vector<128x8192xf32>
    %swap3A_302 = arith.constant 0 : index
    %swap3A_303 = arith.constant 0 : index
    %swap3A_304 = vector.load %arg7[%swap3A_302, %swap3A_303] : memref<128x8192xf32, #tpu.memory_space<vmem>>, vector<128x8192xf32>
    tpu.vector_store %arg7[%swap3A_302, %swap3A_303], %select_n3A_301 {strides = array<i32>} : memref<128x8192xf32, #tpu.memory_space<vmem>>, vector<128x8192xf32>,
    %reduce_min3A_305 = arith.constant dense<0x7F800000> : vector<128xf32>
    %reduce_min3A_306 = vector.multi_reduction <minimumf>, %select_n3A_301, %reduce_min3A_305 [1] : vector<128x8192xf32> to vector<128xf32>
    %broadcast_in_dim3A_307 = vector.shape_cast %reduce_min3A_306 : vector<128xf32> to vector<128x1xf32>
    %get3A_308 = arith.constant 0 : index
    %get3A_309 = arith.constant 0 : index
    %get3A_310 = vector.load %arg7[%get3A_308, %get3A_309] : memref<128x8192xf32, #tpu.memory_space<vmem>>, vector<128x8192xf32>
    %eq3A_311 = vector.broadcast %broadcast_in_dim3A_307 : vector<128x1xf32> to vector<128x8192xf32>
    %eq3A_312 = arith.cmpf oeq, %get3A_310, %eq3A_311 : vector<128x8192xf32>
    %jit3A_313 = arith.constant 8192 : i32
    %broadcast_in_dim3A_314 = vector.broadcast %jit3A_313 : i32 to vector<128x8192xi32>
    %select_n3A_315 = arith.select %eq3A_312, %iota3A, %broadcast_in_dim3A_314 : vector<128x8192xi1>, vector<128x8192xi32>
    %reduce_min3A_316 = arith.constant dense<2147483647> : vector<128xi32>
    %reduce_min3A_317 = vector.multi_reduction <minsi>, %select_n3A_315, %reduce_min3A_316 [1] : vector<128x8192xi32> to vector<128xi32>
    %broadcast_in_dim3A_318 = vector.shape_cast %reduce_min3A_317 : vector<128xi32> to vector<128x1xi32>
    %min3A_319 = arith.constant 8191 : i32
    %min3A_320 = vector.broadcast %min3A_319 : i32 to vector<128x1xi32>
    %min3A_321 = arith.minsi %broadcast_in_dim3A_318, %min3A_320 : vector<128x1xi32>
    %eq3A_322 = vector.broadcast %min3A_321 : vector<128x1xi32> to vector<128x8192xi32>
    %eq3A_323 = arith.cmpi eq, %iota3A, %eq3A_322 : vector<128x8192xi32>
    %jit3A_324 = arith.constant 0x7F800000 : f32
    %broadcast_in_dim3A_325 = vector.broadcast %jit3A_324 : f32 to vector<128x8192xf32>
    %select_n3A_326 = arith.select %eq3A_323, %broadcast_in_dim3A_325, %get3A_310 : vector<128x8192xi1>, vector<128x8192xf32>
    %swap3A_327 = arith.constant 0 : index
    %swap3A_328 = arith.constant 0 : index
    %swap3A_329 = vector.load %arg7[%swap3A_327, %swap3A_328] : memref<128x8192xf32, #tpu.memory_space<vmem>>, vector<128x8192xf32>
    tpu.vector_store %arg7[%swap3A_327, %swap3A_328], %select_n3A_326 {strides = array<i32>} : memref<128x8192xf32, #tpu.memory_space<vmem>>, vector<128x8192xf32>,
    %reduce_min3A_330 = arith.constant dense<0x7F800000> : vector<128xf32>
    %reduce_min3A_331 = vector.multi_reduction <minimumf>, %select_n3A_326, %reduce_min3A_330 [1] : vector<128x8192xf32> to vector<128xf32>
    %broadcast_in_dim3A_332 = vector.shape_cast %reduce_min3A_331 : vector<128xf32> to vector<128x1xf32>
    %get3A_333 = arith.constant 0 : index
    %get3A_334 = arith.constant 0 : index
    %get3A_335 = vector.load %arg7[%get3A_333, %get3A_334] : memref<128x8192xf32, #tpu.memory_space<vmem>>, vector<128x8192xf32>
    %eq3A_336 = vector.broadcast %broadcast_in_dim3A_332 : vector<128x1xf32> to vector<128x8192xf32>
    %eq3A_337 = arith.cmpf oeq, %get3A_335, %eq3A_336 : vector<128x8192xf32>
    %jit3A_338 = arith.constant 8192 : i32
    %broadcast_in_dim3A_339 = vector.broadcast %jit3A_338 : i32 to vector<128x8192xi32>
    %select_n3A_340 = arith.select %eq3A_337, %iota3A, %broadcast_in_dim3A_339 : vector<128x8192xi1>, vector<128x8192xi32>
    %reduce_min3A_341 = arith.constant dense<2147483647> : vector<128xi32>
    %reduce_min3A_342 = vector.multi_reduction <minsi>, %select_n3A_340, %reduce_min3A_341 [1] : vector<128x8192xi32> to vector<128xi32>
    %broadcast_in_dim3A_343 = vector.shape_cast %reduce_min3A_342 : vector<128xi32> to vector<128x1xi32>
    %min3A_344 = arith.constant 8191 : i32
    %min3A_345 = vector.broadcast %min3A_344 : i32 to vector<128x1xi32>
    %min3A_346 = arith.minsi %broadcast_in_dim3A_343, %min3A_345 : vector<128x1xi32>
    %eq3A_347 = vector.broadcast %min3A_346 : vector<128x1xi32> to vector<128x8192xi32>
    %eq3A_348 = arith.cmpi eq, %iota3A, %eq3A_347 : vector<128x8192xi32>
    %jit3A_349 = arith.constant 0x7F800000 : f32
    %broadcast_in_dim3A_350 = vector.broadcast %jit3A_349 : f32 to vector<128x8192xf32>
    %select_n3A_351 = arith.select %eq3A_348, %broadcast_in_dim3A_350, %get3A_335 : vector<128x8192xi1>, vector<128x8192xf32>
    %swap3A_352 = arith.constant 0 : index
    %swap3A_353 = arith.constant 0 : index
    %swap3A_354 = vector.load %arg7[%swap3A_352, %swap3A_353] : memref<128x8192xf32, #tpu.memory_space<vmem>>, vector<128x8192xf32>
    tpu.vector_store %arg7[%swap3A_352, %swap3A_353], %select_n3A_351 {strides = array<i32>} : memref<128x8192xf32, #tpu.memory_space<vmem>>, vector<128x8192xf32>,
    %reduce_min3A_355 = arith.constant dense<0x7F800000> : vector<128xf32>
    %reduce_min3A_356 = vector.multi_reduction <minimumf>, %select_n3A_351, %reduce_min3A_355 [1] : vector<128x8192xf32> to vector<128xf32>
    %broadcast_in_dim3A_357 = vector.shape_cast %reduce_min3A_356 : vector<128xf32> to vector<128x1xf32>
    %get3A_358 = arith.constant 0 : index
    %get3A_359 = arith.constant 0 : index
    %get3A_360 = vector.load %arg7[%get3A_358, %get3A_359] : memref<128x8192xf32, #tpu.memory_space<vmem>>, vector<128x8192xf32>
    %eq3A_361 = vector.broadcast %broadcast_in_dim3A_357 : vector<128x1xf32> to vector<128x8192xf32>
    %eq3A_362 = arith.cmpf oeq, %get3A_360, %eq3A_361 : vector<128x8192xf32>
    %jit3A_363 = arith.constant 8192 : i32
    %broadcast_in_dim3A_364 = vector.broadcast %jit3A_363 : i32 to vector<128x8192xi32>
    %select_n3A_365 = arith.select %eq3A_362, %iota3A, %broadcast_in_dim3A_364 : vector<128x8192xi1>, vector<128x8192xi32>
    %reduce_min3A_366 = arith.constant dense<2147483647> : vector<128xi32>
    %reduce_min3A_367 = vector.multi_reduction <minsi>, %select_n3A_365, %reduce_min3A_366 [1] : vector<128x8192xi32> to vector<128xi32>
    %broadcast_in_dim3A_368 = vector.shape_cast %reduce_min3A_367 : vector<128xi32> to vector<128x1xi32>
    %min3A_369 = arith.constant 8191 : i32
    %min3A_370 = vector.broadcast %min3A_369 : i32 to vector<128x1xi32>
    %min3A_371 = arith.minsi %broadcast_in_dim3A_368, %min3A_370 : vector<128x1xi32>
    %eq3A_372 = vector.broadcast %min3A_371 : vector<128x1xi32> to vector<128x8192xi32>
    %eq3A_373 = arith.cmpi eq, %iota3A, %eq3A_372 : vector<128x8192xi32>
    %jit3A_374 = arith.constant 0x7F800000 : f32
    %broadcast_in_dim3A_375 = vector.broadcast %jit3A_374 : f32 to vector<128x8192xf32>
    %select_n3A_376 = arith.select %eq3A_373, %broadcast_in_dim3A_375, %get3A_360 : vector<128x8192xi1>, vector<128x8192xf32>
    %swap3A_377 = arith.constant 0 : index
    %swap3A_378 = arith.constant 0 : index
    %swap3A_379 = vector.load %arg7[%swap3A_377, %swap3A_378] : memref<128x8192xf32, #tpu.memory_space<vmem>>, vector<128x8192xf32>
    tpu.vector_store %arg7[%swap3A_377, %swap3A_378], %select_n3A_376 {strides = array<i32>} : memref<128x8192xf32, #tpu.memory_space<vmem>>, vector<128x8192xf32>,
    %reduce_min3A_380 = arith.constant dense<0x7F800000> : vector<128xf32>
    %reduce_min3A_381 = vector.multi_reduction <minimumf>, %select_n3A_376, %reduce_min3A_380 [1] : vector<128x8192xf32> to vector<128xf32>
    %broadcast_in_dim3A_382 = vector.shape_cast %reduce_min3A_381 : vector<128xf32> to vector<128x1xf32>
    %get3A_383 = arith.constant 0 : index
    %get3A_384 = arith.constant 0 : index
    %get3A_385 = vector.load %arg7[%get3A_383, %get3A_384] : memref<128x8192xf32, #tpu.memory_space<vmem>>, vector<128x8192xf32>
    %eq3A_386 = vector.broadcast %broadcast_in_dim3A_382 : vector<128x1xf32> to vector<128x8192xf32>
    %eq3A_387 = arith.cmpf oeq, %get3A_385, %eq3A_386 : vector<128x8192xf32>
    %jit3A_388 = arith.constant 8192 : i32
    %broadcast_in_dim3A_389 = vector.broadcast %jit3A_388 : i32 to vector<128x8192xi32>
    %select_n3A_390 = arith.select %eq3A_387, %iota3A, %broadcast_in_dim3A_389 : vector<128x8192xi1>, vector<128x8192xi32>
    %reduce_min3A_391 = arith.constant dense<2147483647> : vector<128xi32>
    %reduce_min3A_392 = vector.multi_reduction <minsi>, %select_n3A_390, %reduce_min3A_391 [1] : vector<128x8192xi32> to vector<128xi32>
    %broadcast_in_dim3A_393 = vector.shape_cast %reduce_min3A_392 : vector<128xi32> to vector<128x1xi32>
    %min3A_394 = arith.constant 8191 : i32
    %min3A_395 = vector.broadcast %min3A_394 : i32 to vector<128x1xi32>
    %min3A_396 = arith.minsi %broadcast_in_dim3A_393, %min3A_395 : vector<128x1xi32>
    %eq3A_397 = vector.broadcast %min3A_396 : vector<128x1xi32> to vector<128x8192xi32>
    %eq3A_398 = arith.cmpi eq, %iota3A, %eq3A_397 : vector<128x8192xi32>
    %jit3A_399 = arith.constant 0x7F800000 : f32
    %broadcast_in_dim3A_400 = vector.broadcast %jit3A_399 : f32 to vector<128x8192xf32>
    %select_n3A_401 = arith.select %eq3A_398, %broadcast_in_dim3A_400, %get3A_385 : vector<128x8192xi1>, vector<128x8192xf32>
    %swap3A_402 = arith.constant 0 : index
    %swap3A_403 = arith.constant 0 : index
    %swap3A_404 = vector.load %arg7[%swap3A_402, %swap3A_403] : memref<128x8192xf32, #tpu.memory_space<vmem>>, vector<128x8192xf32>
    tpu.vector_store %arg7[%swap3A_402, %swap3A_403], %select_n3A_401 {strides = array<i32>} : memref<128x8192xf32, #tpu.memory_space<vmem>>, vector<128x8192xf32>,
    %reduce_min3A_405 = arith.constant dense<0x7F800000> : vector<128xf32>
    %reduce_min3A_406 = vector.multi_reduction <minimumf>, %select_n3A_401, %reduce_min3A_405 [1] : vector<128x8192xf32> to vector<128xf32>
    %broadcast_in_dim3A_407 = vector.shape_cast %reduce_min3A_406 : vector<128xf32> to vector<128x1xf32>
    %get3A_408 = arith.constant 0 : index
    %get3A_409 = arith.constant 0 : index
    %get3A_410 = vector.load %arg7[%get3A_408, %get3A_409] : memref<128x8192xf32, #tpu.memory_space<vmem>>, vector<128x8192xf32>
    %eq3A_411 = vector.broadcast %broadcast_in_dim3A_407 : vector<128x1xf32> to vector<128x8192xf32>
    %eq3A_412 = arith.cmpf oeq, %get3A_410, %eq3A_411 : vector<128x8192xf32>
    %jit3A_413 = arith.constant 8192 : i32
    %broadcast_in_dim3A_414 = vector.broadcast %jit3A_413 : i32 to vector<128x8192xi32>
    %select_n3A_415 = arith.select %eq3A_412, %iota3A, %broadcast_in_dim3A_414 : vector<128x8192xi1>, vector<128x8192xi32>
    %reduce_min3A_416 = arith.constant dense<2147483647> : vector<128xi32>
    %reduce_min3A_417 = vector.multi_reduction <minsi>, %select_n3A_415, %reduce_min3A_416 [1] : vector<128x8192xi32> to vector<128xi32>
    %broadcast_in_dim3A_418 = vector.shape_cast %reduce_min3A_417 : vector<128xi32> to vector<128x1xi32>
    %min3A_419 = arith.constant 8191 : i32
    %min3A_420 = vector.broadcast %min3A_419 : i32 to vector<128x1xi32>
    %min3A_421 = arith.minsi %broadcast_in_dim3A_418, %min3A_420 : vector<128x1xi32>
    %eq3A_422 = vector.broadcast %min3A_421 : vector<128x1xi32> to vector<128x8192xi32>
    %eq3A_423 = arith.cmpi eq, %iota3A, %eq3A_422 : vector<128x8192xi32>
    %jit3A_424 = arith.constant 0x7F800000 : f32
    %broadcast_in_dim3A_425 = vector.broadcast %jit3A_424 : f32 to vector<128x8192xf32>
    %select_n3A_426 = arith.select %eq3A_423, %broadcast_in_dim3A_425, %get3A_410 : vector<128x8192xi1>, vector<128x8192xf32>
    %swap3A_427 = arith.constant 0 : index
    %swap3A_428 = arith.constant 0 : index
    %swap3A_429 = vector.load %arg7[%swap3A_427, %swap3A_428] : memref<128x8192xf32, #tpu.memory_space<vmem>>, vector<128x8192xf32>
    tpu.vector_store %arg7[%swap3A_427, %swap3A_428], %select_n3A_426 {strides = array<i32>} : memref<128x8192xf32, #tpu.memory_space<vmem>>, vector<128x8192xf32>,
    %concatenate3A = tpu.concatenate %min3A_46, %min3A_71, %min3A_96, %min3A_121, %min3A_146, %min3A_171, %min3A_196, %min3A_221, %min3A_246, %min3A_271, %min3A_296, %min3A_321, %min3A_346, %min3A_371, %min3A_396, %min3A_421 in 1 : vector<128x1xi32>, vector<128x1xi32>, vector<128x1xi32>, vector<128x1xi32>, vector<128x1xi32>, vector<128x1xi32>, vector<128x1xi32>, vector<128x1xi32>, vector<128x1xi32>, vector<128x1xi32>, vector<128x1xi32>, vector<128x1xi32>, vector<128x1xi32>, vector<128x1xi32>, vector<128x1xi32>, vector<128x1xi32> -> vector<128x16xi32>
    %swap3A_430 = arith.constant 0 : index
    %swap3A_431 = arith.constant 0 : index
    %swap3A_432 = arith.constant 0 : index
    %swap3A_433 = vector.load %arg6[%swap3A_430, %swap3A_431, %swap3A_432] : memref<1x128x16xi32, #tpu.memory_space<vmem>>, vector<1x128x16xi32>
    %swap3A_434 = vector.shape_cast %swap3A_433 : vector<1x128x16xi32> to vector<128x16xi32>
    %swap3A_435 = vector.shape_cast %concatenate3A : vector<128x16xi32> to vector<1x128x16xi32>
    tpu.vector_store %arg6[%swap3A_430, %swap3A_431, %swap3A_432], %swap3A_435 {strides = array<i32>} : memref<1x128x16xi32, #tpu.memory_space<vmem>>, vector<1x128x16xi32>,
    return
  }
  func.func @transform_0(%arg0: i32, %arg1: i32) -> (i32, i32, i32) {
    %mul3A = arith.constant 16 : i32
    %mul3A_0 = arith.muli %arg0, %mul3A : i32
    %add3A = arith.addi %mul3A_0, %arg1 : i32
    %c0_i32 = arith.constant 0 : i32
    %c0_i32_1 = arith.constant 0 : i32
    %c0_i32_2 = arith.constant 0 : i32
    return %add3A, %c0_i32, %c0_i32_1 : i32, i32, i32
  }
  func.func @transform_1(%arg0: i32, %arg1: i32) -> (i32, i32, i32) {
    %mul3A = arith.constant 16 : i32
    %mul3A_0 = arith.muli %arg0, %mul3A : i32
    %add3A = arith.addi %mul3A_0, %arg1 : i32
    %c0_i32 = arith.constant 0 : i32
    %c0_i32_1 = arith.constant 0 : i32
    %c0_i32_2 = arith.constant 0 : i32
    return %add3A, %c0_i32, %c0_i32_1 : i32, i32, i32
  }
  func.func @transform_2(%arg0: i32, %arg1: i32) -> (i32, i32, i32) {
    %c0_i32 = arith.constant 0 : i32
    %c0_i32_0 = arith.constant 0 : i32
    %c0_i32_1 = arith.constant 0 : i32
    return %arg0, %c0_i32, %c0_i32_0 : i32, i32, i32
  }
  func.func @transform_3(%arg0: i32, %arg1: i32) -> (i32, i32, i32) {
    %c0_i32 = arith.constant 0 : i32
    %c0_i32_0 = arith.constant 0 : i32
    %c0_i32_1 = arith.constant 0 : i32
    return %arg0, %c0_i32, %c0_i32_0 : i32, i32, i32
  }
  func.func @transform_4(%arg0: i32, %arg1: i32) -> (i32, i32, i32) {
    %c0_i32 = arith.constant 0 : i32
    %c0_i32_0 = arith.constant 0 : i32
    return %arg0, %arg1, %c0_i32 : i32, i32, i32
  }
}

module attributes {stable_mosaic.version = 14 : i64} {
  func.func @_mlp_kernel(%arg0: i32, %arg1: i32, %arg2: memref<1x128x2048xf32, #tpu.memory_space<vmem>>, %arg3: memref<1x128x128xf32, #tpu.memory_space<vmem>>, %arg4: memref<1x256xf32, #tpu.memory_space<vmem>>, %arg5: memref<1x256xf32, #tpu.memory_space<vmem>>, %arg6: memref<256x128xf32, #tpu.memory_space<vmem>>, %arg7: memref<1x128xf32, #tpu.memory_space<vmem>>, %arg8: memref<128x128xf32, #tpu.memory_space<vmem>>, %arg9: memref<1x128xf32, #tpu.memory_space<vmem>>, %arg10: memref<128x128xf32, #tpu.memory_space<vmem>>, %arg11: memref<1x128xf32, #tpu.memory_space<vmem>>, %arg12: memref<1x128x128xf32, #tpu.memory_space<vmem>>) attributes {dimension_semantics = [#tpu.dimension_semantics<arbitrary>, #tpu.dimension_semantics<arbitrary>], iteration_bounds = array<i64: 2, 16>, scalar_prefetch = 0 : i64, scratch_operands = 0 : i64, tpu.core_type = #tpu.core_type<tc>, window_params = [{transform_indices = @transform_0, window_bounds = array<i64: 1, 128, 2048>}, {transform_indices = @transform_1, window_bounds = array<i64: 1, 128, 128>}, {pipeline_mode = #tpu.pipeline_mode<synchronous>, transform_indices = @transform_2, window_bounds = array<i64: 1, 256>}, {pipeline_mode = #tpu.pipeline_mode<synchronous>, transform_indices = @transform_3, window_bounds = array<i64: 1, 256>}, {pipeline_mode = #tpu.pipeline_mode<synchronous>, transform_indices = @transform_4, window_bounds = array<i64: 256, 128>}, {pipeline_mode = #tpu.pipeline_mode<synchronous>, transform_indices = @transform_5, window_bounds = array<i64: 1, 128>}, {pipeline_mode = #tpu.pipeline_mode<synchronous>, transform_indices = @transform_6, window_bounds = array<i64: 128, 128>}, {pipeline_mode = #tpu.pipeline_mode<synchronous>, transform_indices = @transform_7, window_bounds = array<i64: 1, 128>}, {pipeline_mode = #tpu.pipeline_mode<synchronous>, transform_indices = @transform_8, window_bounds = array<i64: 128, 128>}, {pipeline_mode = #tpu.pipeline_mode<synchronous>, transform_indices = @transform_9, window_bounds = array<i64: 1, 128>}, {transform_indices = @transform_10, window_bounds = array<i64: 1, 128, 128>}]} {
    %get3A = arith.constant 0 : index
    %get3A_0 = arith.constant 0 : index
    %get3A_1 = arith.constant 0 : index
    %get3A_2 = vector.load %arg3[%get3A, %get3A_0, %get3A_1] : memref<1x128x128xf32, #tpu.memory_space<vmem>>, vector<1x128x128xf32>
    %get3A_3 = vector.shape_cast %get3A_2 : vector<1x128x128xf32> to vector<128x128xf32>
    %get3A_4 = arith.constant 0 : index
    %get3A_5 = arith.constant 0 : index
    %get3A_6 = vector.load %arg4[%get3A_4, %get3A_5] : memref<1x256xf32, #tpu.memory_space<vmem>>, vector<1x128xf32>
    %get3A_7 = arith.constant 0 : index
    %get3A_8 = arith.constant 128 : index
    %get3A_9 = vector.load %arg4[%get3A_7, %get3A_8] : memref<1x256xf32, #tpu.memory_space<vmem>>, vector<1x128xf32>
    %get3A_10 = arith.constant 0 : index
    %get3A_11 = arith.constant 0 : index
    %get3A_12 = vector.load %arg5[%get3A_10, %get3A_11] : memref<1x256xf32, #tpu.memory_space<vmem>>, vector<1x128xf32>
    %get3A_13 = arith.constant 0 : index
    %get3A_14 = arith.constant 128 : index
    %get3A_15 = vector.load %arg5[%get3A_13, %get3A_14] : memref<1x256xf32, #tpu.memory_space<vmem>>, vector<1x128xf32>
    %get3A_16 = arith.constant 0 : index
    %get3A_17 = arith.constant 0 : index
    %get3A_18 = vector.load %arg6[%get3A_16, %get3A_17] : memref<256x128xf32, #tpu.memory_space<vmem>>, vector<128x128xf32>
    %get3A_19 = arith.constant 128 : index
    %get3A_20 = arith.constant 0 : index
    %get3A_21 = vector.load %arg6[%get3A_19, %get3A_20] : memref<256x128xf32, #tpu.memory_space<vmem>>, vector<128x128xf32>
    %get3A_22 = arith.constant 0 : index
    %get3A_23 = arith.constant 0 : index
    %get3A_24 = vector.load %arg7[%get3A_22, %get3A_23] : memref<1x128xf32, #tpu.memory_space<vmem>>, vector<1x128xf32>
    %get3A_25 = arith.constant 0 : index
    %get3A_26 = arith.constant 0 : index
    %get3A_27 = vector.load %arg9[%get3A_25, %get3A_26] : memref<1x128xf32, #tpu.memory_space<vmem>>, vector<1x128xf32>
    %get3A_28 = arith.constant 0 : index
    %get3A_29 = arith.constant 0 : index
    %get3A_30 = vector.load %arg11[%get3A_28, %get3A_29] : memref<1x128xf32, #tpu.memory_space<vmem>>, vector<1x128xf32>
    %reduce_sum3A = arith.constant dense<0.000000e+00> : vector<128xf32>
    %reduce_sum3A_31 = vector.multi_reduction <add>, %get3A_3, %reduce_sum3A [1] : vector<128x128xf32> to vector<128xf32>
    %broadcast_in_dim3A = vector.shape_cast %reduce_sum3A_31 : vector<128xf32> to vector<128x1xf32>
    %mul3A = arith.mulf %get3A_3, %get3A_3 : vector<128x128xf32>
    %reduce_sum3A_32 = arith.constant dense<0.000000e+00> : vector<128xf32>
    %reduce_sum3A_33 = vector.multi_reduction <add>, %mul3A, %reduce_sum3A_32 [1] : vector<128x128xf32> to vector<128xf32>
    %broadcast_in_dim3A_34 = vector.shape_cast %reduce_sum3A_33 : vector<128xf32> to vector<128x1xf32>
    %broadcast_in_dim3A_35 = arith.constant 0.000000e+00 : f32
    %broadcast_in_dim3A_36 = vector.broadcast %broadcast_in_dim3A_35 : f32 to vector<128x128xf32>
    %get3A_37 = arith.constant 0 : index
    %get3A_38 = arith.constant 0 : index
    %get3A_39 = arith.constant 0 : index
    %get3A_40 = vector.load %arg2[%get3A_37, %get3A_38, %get3A_39] : memref<1x128x2048xf32, #tpu.memory_space<vmem>>, vector<1x128x2048xf32>
    %get3A_41 = vector.shape_cast %get3A_40 : vector<1x128x2048xf32> to vector<128x2048xf32>
    %slice3A = vector.extract_strided_slice %get3A_41 {offsets = [0, 0], sizes = [128, 128], strides = [1, 1]} : vector<128x2048xf32> to vector<128x128xf32>
    %reduce_sum3A_42 = arith.constant dense<0.000000e+00> : vector<128xf32>
    %reduce_sum3A_43 = vector.multi_reduction <add>, %slice3A, %reduce_sum3A_42 [1] : vector<128x128xf32> to vector<128xf32>
    %broadcast_in_dim3A_44 = vector.shape_cast %reduce_sum3A_43 : vector<128xf32> to vector<128x1xf32>
    %mul3A_45 = arith.mulf %slice3A, %slice3A : vector<128x128xf32>
    %reduce_sum3A_46 = arith.constant dense<0.000000e+00> : vector<128xf32>
    %reduce_sum3A_47 = vector.multi_reduction <add>, %mul3A_45, %reduce_sum3A_46 [1] : vector<128x128xf32> to vector<128xf32>
    %broadcast_in_dim3A_48 = vector.shape_cast %reduce_sum3A_47 : vector<128xf32> to vector<128x1xf32>
    %add3A = arith.addf %broadcast_in_dim3A, %broadcast_in_dim3A_44 : vector<128x1xf32>
    %div3A = arith.constant 2.560000e+02 : f32
    %div3A_49 = vector.broadcast %div3A : f32 to vector<128x1xf32>
    %div3A_50 = arith.divf %add3A, %div3A_49 : vector<128x1xf32>
    %add3A_51 = arith.addf %broadcast_in_dim3A_34, %broadcast_in_dim3A_48 : vector<128x1xf32>
    %div3A_52 = arith.constant 2.560000e+02 : f32
    %div3A_53 = vector.broadcast %div3A_52 : f32 to vector<128x1xf32>
    %div3A_54 = arith.divf %add3A_51, %div3A_53 : vector<128x1xf32>
    %mul3A_55 = arith.mulf %div3A_50, %div3A_50 : vector<128x1xf32>
    %sub3A = arith.subf %div3A_54, %mul3A_55 : vector<128x1xf32>
    %add3A_56 = arith.constant 9.99999974E-6 : f32
    %add3A_57 = vector.broadcast %add3A_56 : f32 to vector<128x1xf32>
    %add3A_58 = arith.addf %sub3A, %add3A_57 : vector<128x1xf32>
    %rsqrt3A = math.rsqrt %add3A_58 : vector<128x1xf32>
    %sub3A_59 = vector.broadcast %div3A_50 : vector<128x1xf32> to vector<128x128xf32>
    %sub3A_60 = arith.subf %get3A_3, %sub3A_59 : vector<128x128xf32>
    %mul3A_61 = vector.broadcast %rsqrt3A : vector<128x1xf32> to vector<128x128xf32>
    %mul3A_62 = arith.mulf %sub3A_60, %mul3A_61 : vector<128x128xf32>
    %mul3A_63 = vector.broadcast %get3A_6 : vector<1x128xf32> to vector<128x128xf32>
    %mul3A_64 = arith.mulf %mul3A_62, %mul3A_63 : vector<128x128xf32>
    %add3A_65 = vector.broadcast %get3A_12 : vector<1x128xf32> to vector<128x128xf32>
    %add3A_66 = arith.addf %mul3A_64, %add3A_65 : vector<128x128xf32>
    %sub3A_67 = vector.broadcast %div3A_50 : vector<128x1xf32> to vector<128x128xf32>
    %sub3A_68 = arith.subf %slice3A, %sub3A_67 : vector<128x128xf32>
    %mul3A_69 = vector.broadcast %rsqrt3A : vector<128x1xf32> to vector<128x128xf32>
    %mul3A_70 = arith.mulf %sub3A_68, %mul3A_69 : vector<128x128xf32>
    %mul3A_71 = vector.broadcast %get3A_9 : vector<1x128xf32> to vector<128x128xf32>
    %mul3A_72 = arith.mulf %mul3A_70, %mul3A_71 : vector<128x128xf32>
    %add3A_73 = vector.broadcast %get3A_15 : vector<1x128xf32> to vector<128x128xf32>
    %add3A_74 = arith.addf %mul3A_72, %add3A_73 : vector<128x128xf32>
    %dot_general3A = arith.constant dense<0.000000e+00> : vector<128x128xf32>
    %dot_general3A_75 = tpu.matmul %add3A_66, %get3A_18, %dot_general3A {dimension_numbers = #tpu.dot_dimension_numbers<[1], [0], [0], [1], [0, 0, 1, 1], [], []>, transpose_lhs_hint = false} : vector<128x128xf32>, vector<128x128xf32>, vector<128x128xf32> -> vector<128x128xf32>
    %dot_general3A_76 = arith.constant dense<0.000000e+00> : vector<128x128xf32>
    %dot_general3A_77 = tpu.matmul %add3A_74, %get3A_21, %dot_general3A_76 {dimension_numbers = #tpu.dot_dimension_numbers<[1], [0], [0], [1], [0, 0, 1, 1], [], []>, transpose_lhs_hint = false} : vector<128x128xf32>, vector<128x128xf32>, vector<128x128xf32> -> vector<128x128xf32>
    %add3A_78 = arith.addf %dot_general3A_75, %dot_general3A_77 : vector<128x128xf32>
    %add3A_79 = vector.broadcast %get3A_24 : vector<1x128xf32> to vector<128x128xf32>
    %add3A_80 = arith.addf %add3A_78, %add3A_79 : vector<128x128xf32>
    %max3A = arith.constant 0.000000e+00 : f32
    %max3A_81 = vector.broadcast %max3A : f32 to vector<128x128xf32>
    %max3A_82 = arith.maximumf %add3A_80, %max3A_81 : vector<128x128xf32>
    %get3A_83 = arith.constant 0 : index
    %get3A_84 = arith.constant 0 : index
    %get3A_85 = vector.load %arg8[%get3A_83, %get3A_84] : memref<128x128xf32, #tpu.memory_space<vmem>>, vector<128x128xf32>
    %dot_general3A_86 = arith.constant dense<0.000000e+00> : vector<128x128xf32>
    %dot_general3A_87 = tpu.matmul %max3A_82, %get3A_85, %dot_general3A_86 {dimension_numbers = #tpu.dot_dimension_numbers<[1], [0], [0], [1], [0, 0, 1, 1], [], []>, transpose_lhs_hint = false} : vector<128x128xf32>, vector<128x128xf32>, vector<128x128xf32> -> vector<128x128xf32>
    %add3A_88 = vector.broadcast %get3A_27 : vector<1x128xf32> to vector<128x128xf32>
    %add3A_89 = arith.addf %dot_general3A_87, %add3A_88 : vector<128x128xf32>
    %logistic3A = arith.negf %add3A_89 : vector<128x128xf32>
    %logistic3A_90 = math.exp %logistic3A : vector<128x128xf32>
    %logistic3A_91 = arith.constant 1.000000e+00 : f32
    %logistic3A_92 = vector.broadcast %logistic3A_91 : f32 to vector<128x128xf32>
    %logistic3A_93 = arith.addf %logistic3A_92, %logistic3A_90 : vector<128x128xf32>
    %logistic3A_94 = arith.divf %logistic3A_92, %logistic3A_93 : vector<128x128xf32>
    %mul3A_95 = arith.mulf %slice3A, %logistic3A_94 : vector<128x128xf32>
    %add3A_96 = arith.addf %broadcast_in_dim3A_36, %mul3A_95 : vector<128x128xf32>
    %get3A_97 = arith.constant 0 : index
    %get3A_98 = arith.constant 0 : index
    %get3A_99 = arith.constant 0 : index
    %get3A_100 = vector.load %arg2[%get3A_97, %get3A_98, %get3A_99] : memref<1x128x2048xf32, #tpu.memory_space<vmem>>, vector<1x128x2048xf32>
    %get3A_101 = vector.shape_cast %get3A_100 : vector<1x128x2048xf32> to vector<128x2048xf32>
    %slice3A_102 = vector.extract_strided_slice %get3A_101 {offsets = [0, 128], sizes = [128, 128], strides = [1, 1]} : vector<128x2048xf32> to vector<128x128xf32>
    %reduce_sum3A_103 = arith.constant dense<0.000000e+00> : vector<128xf32>
    %reduce_sum3A_104 = vector.multi_reduction <add>, %slice3A_102, %reduce_sum3A_103 [1] : vector<128x128xf32> to vector<128xf32>
    %broadcast_in_dim3A_105 = vector.shape_cast %reduce_sum3A_104 : vector<128xf32> to vector<128x1xf32>
    %mul3A_106 = arith.mulf %slice3A_102, %slice3A_102 : vector<128x128xf32>
    %reduce_sum3A_107 = arith.constant dense<0.000000e+00> : vector<128xf32>
    %reduce_sum3A_108 = vector.multi_reduction <add>, %mul3A_106, %reduce_sum3A_107 [1] : vector<128x128xf32> to vector<128xf32>
    %broadcast_in_dim3A_109 = vector.shape_cast %reduce_sum3A_108 : vector<128xf32> to vector<128x1xf32>
    %add3A_110 = arith.addf %broadcast_in_dim3A, %broadcast_in_dim3A_105 : vector<128x1xf32>
    %div3A_111 = arith.constant 2.560000e+02 : f32
    %div3A_112 = vector.broadcast %div3A_111 : f32 to vector<128x1xf32>
    %div3A_113 = arith.divf %add3A_110, %div3A_112 : vector<128x1xf32>
    %add3A_114 = arith.addf %broadcast_in_dim3A_34, %broadcast_in_dim3A_109 : vector<128x1xf32>
    %div3A_115 = arith.constant 2.560000e+02 : f32
    %div3A_116 = vector.broadcast %div3A_115 : f32 to vector<128x1xf32>
    %div3A_117 = arith.divf %add3A_114, %div3A_116 : vector<128x1xf32>
    %mul3A_118 = arith.mulf %div3A_113, %div3A_113 : vector<128x1xf32>
    %sub3A_119 = arith.subf %div3A_117, %mul3A_118 : vector<128x1xf32>
    %add3A_120 = arith.constant 9.99999974E-6 : f32
    %add3A_121 = vector.broadcast %add3A_120 : f32 to vector<128x1xf32>
    %add3A_122 = arith.addf %sub3A_119, %add3A_121 : vector<128x1xf32>
    %rsqrt3A_123 = math.rsqrt %add3A_122 : vector<128x1xf32>
    %sub3A_124 = vector.broadcast %div3A_113 : vector<128x1xf32> to vector<128x128xf32>
    %sub3A_125 = arith.subf %get3A_3, %sub3A_124 : vector<128x128xf32>
    %mul3A_126 = vector.broadcast %rsqrt3A_123 : vector<128x1xf32> to vector<128x128xf32>
    %mul3A_127 = arith.mulf %sub3A_125, %mul3A_126 : vector<128x128xf32>
    %mul3A_128 = vector.broadcast %get3A_6 : vector<1x128xf32> to vector<128x128xf32>
    %mul3A_129 = arith.mulf %mul3A_127, %mul3A_128 : vector<128x128xf32>
    %add3A_130 = vector.broadcast %get3A_12 : vector<1x128xf32> to vector<128x128xf32>
    %add3A_131 = arith.addf %mul3A_129, %add3A_130 : vector<128x128xf32>
    %sub3A_132 = vector.broadcast %div3A_113 : vector<128x1xf32> to vector<128x128xf32>
    %sub3A_133 = arith.subf %slice3A_102, %sub3A_132 : vector<128x128xf32>
    %mul3A_134 = vector.broadcast %rsqrt3A_123 : vector<128x1xf32> to vector<128x128xf32>
    %mul3A_135 = arith.mulf %sub3A_133, %mul3A_134 : vector<128x128xf32>
    %mul3A_136 = vector.broadcast %get3A_9 : vector<1x128xf32> to vector<128x128xf32>
    %mul3A_137 = arith.mulf %mul3A_135, %mul3A_136 : vector<128x128xf32>
    %add3A_138 = vector.broadcast %get3A_15 : vector<1x128xf32> to vector<128x128xf32>
    %add3A_139 = arith.addf %mul3A_137, %add3A_138 : vector<128x128xf32>
    %dot_general3A_140 = arith.constant dense<0.000000e+00> : vector<128x128xf32>
    %dot_general3A_141 = tpu.matmul %add3A_131, %get3A_18, %dot_general3A_140 {dimension_numbers = #tpu.dot_dimension_numbers<[1], [0], [0], [1], [0, 0, 1, 1], [], []>, transpose_lhs_hint = false} : vector<128x128xf32>, vector<128x128xf32>, vector<128x128xf32> -> vector<128x128xf32>
    %dot_general3A_142 = arith.constant dense<0.000000e+00> : vector<128x128xf32>
    %dot_general3A_143 = tpu.matmul %add3A_139, %get3A_21, %dot_general3A_142 {dimension_numbers = #tpu.dot_dimension_numbers<[1], [0], [0], [1], [0, 0, 1, 1], [], []>, transpose_lhs_hint = false} : vector<128x128xf32>, vector<128x128xf32>, vector<128x128xf32> -> vector<128x128xf32>
    %add3A_144 = arith.addf %dot_general3A_141, %dot_general3A_143 : vector<128x128xf32>
    %add3A_145 = vector.broadcast %get3A_24 : vector<1x128xf32> to vector<128x128xf32>
    %add3A_146 = arith.addf %add3A_144, %add3A_145 : vector<128x128xf32>
    %max3A_147 = arith.constant 0.000000e+00 : f32
    %max3A_148 = vector.broadcast %max3A_147 : f32 to vector<128x128xf32>
    %max3A_149 = arith.maximumf %add3A_146, %max3A_148 : vector<128x128xf32>
    %get3A_150 = arith.constant 0 : index
    %get3A_151 = arith.constant 0 : index
    %get3A_152 = vector.load %arg8[%get3A_150, %get3A_151] : memref<128x128xf32, #tpu.memory_space<vmem>>, vector<128x128xf32>
    %dot_general3A_153 = arith.constant dense<0.000000e+00> : vector<128x128xf32>
    %dot_general3A_154 = tpu.matmul %max3A_149, %get3A_152, %dot_general3A_153 {dimension_numbers = #tpu.dot_dimension_numbers<[1], [0], [0], [1], [0, 0, 1, 1], [], []>, transpose_lhs_hint = false} : vector<128x128xf32>, vector<128x128xf32>, vector<128x128xf32> -> vector<128x128xf32>
    %add3A_155 = vector.broadcast %get3A_27 : vector<1x128xf32> to vector<128x128xf32>
    %add3A_156 = arith.addf %dot_general3A_154, %add3A_155 : vector<128x128xf32>
    %logistic3A_157 = arith.negf %add3A_156 : vector<128x128xf32>
    %logistic3A_158 = math.exp %logistic3A_157 : vector<128x128xf32>
    %logistic3A_159 = arith.constant 1.000000e+00 : f32
    %logistic3A_160 = vector.broadcast %logistic3A_159 : f32 to vector<128x128xf32>
    %logistic3A_161 = arith.addf %logistic3A_160, %logistic3A_158 : vector<128x128xf32>
    %logistic3A_162 = arith.divf %logistic3A_160, %logistic3A_161 : vector<128x128xf32>
    %mul3A_163 = arith.mulf %slice3A_102, %logistic3A_162 : vector<128x128xf32>
    %add3A_164 = arith.addf %add3A_96, %mul3A_163 : vector<128x128xf32>
    %get3A_165 = arith.constant 0 : index
    %get3A_166 = arith.constant 0 : index
    %get3A_167 = arith.constant 0 : index
    %get3A_168 = vector.load %arg2[%get3A_165, %get3A_166, %get3A_167] : memref<1x128x2048xf32, #tpu.memory_space<vmem>>, vector<1x128x2048xf32>
    %get3A_169 = vector.shape_cast %get3A_168 : vector<1x128x2048xf32> to vector<128x2048xf32>
    %slice3A_170 = vector.extract_strided_slice %get3A_169 {offsets = [0, 256], sizes = [128, 128], strides = [1, 1]} : vector<128x2048xf32> to vector<128x128xf32>
    %reduce_sum3A_171 = arith.constant dense<0.000000e+00> : vector<128xf32>
    %reduce_sum3A_172 = vector.multi_reduction <add>, %slice3A_170, %reduce_sum3A_171 [1] : vector<128x128xf32> to vector<128xf32>
    %broadcast_in_dim3A_173 = vector.shape_cast %reduce_sum3A_172 : vector<128xf32> to vector<128x1xf32>
    %mul3A_174 = arith.mulf %slice3A_170, %slice3A_170 : vector<128x128xf32>
    %reduce_sum3A_175 = arith.constant dense<0.000000e+00> : vector<128xf32>
    %reduce_sum3A_176 = vector.multi_reduction <add>, %mul3A_174, %reduce_sum3A_175 [1] : vector<128x128xf32> to vector<128xf32>
    %broadcast_in_dim3A_177 = vector.shape_cast %reduce_sum3A_176 : vector<128xf32> to vector<128x1xf32>
    %add3A_178 = arith.addf %broadcast_in_dim3A, %broadcast_in_dim3A_173 : vector<128x1xf32>
    %div3A_179 = arith.constant 2.560000e+02 : f32
    %div3A_180 = vector.broadcast %div3A_179 : f32 to vector<128x1xf32>
    %div3A_181 = arith.divf %add3A_178, %div3A_180 : vector<128x1xf32>
    %add3A_182 = arith.addf %broadcast_in_dim3A_34, %broadcast_in_dim3A_177 : vector<128x1xf32>
    %div3A_183 = arith.constant 2.560000e+02 : f32
    %div3A_184 = vector.broadcast %div3A_183 : f32 to vector<128x1xf32>
    %div3A_185 = arith.divf %add3A_182, %div3A_184 : vector<128x1xf32>
    %mul3A_186 = arith.mulf %div3A_181, %div3A_181 : vector<128x1xf32>
    %sub3A_187 = arith.subf %div3A_185, %mul3A_186 : vector<128x1xf32>
    %add3A_188 = arith.constant 9.99999974E-6 : f32
    %add3A_189 = vector.broadcast %add3A_188 : f32 to vector<128x1xf32>
    %add3A_190 = arith.addf %sub3A_187, %add3A_189 : vector<128x1xf32>
    %rsqrt3A_191 = math.rsqrt %add3A_190 : vector<128x1xf32>
    %sub3A_192 = vector.broadcast %div3A_181 : vector<128x1xf32> to vector<128x128xf32>
    %sub3A_193 = arith.subf %get3A_3, %sub3A_192 : vector<128x128xf32>
    %mul3A_194 = vector.broadcast %rsqrt3A_191 : vector<128x1xf32> to vector<128x128xf32>
    %mul3A_195 = arith.mulf %sub3A_193, %mul3A_194 : vector<128x128xf32>
    %mul3A_196 = vector.broadcast %get3A_6 : vector<1x128xf32> to vector<128x128xf32>
    %mul3A_197 = arith.mulf %mul3A_195, %mul3A_196 : vector<128x128xf32>
    %add3A_198 = vector.broadcast %get3A_12 : vector<1x128xf32> to vector<128x128xf32>
    %add3A_199 = arith.addf %mul3A_197, %add3A_198 : vector<128x128xf32>
    %sub3A_200 = vector.broadcast %div3A_181 : vector<128x1xf32> to vector<128x128xf32>
    %sub3A_201 = arith.subf %slice3A_170, %sub3A_200 : vector<128x128xf32>
    %mul3A_202 = vector.broadcast %rsqrt3A_191 : vector<128x1xf32> to vector<128x128xf32>
    %mul3A_203 = arith.mulf %sub3A_201, %mul3A_202 : vector<128x128xf32>
    %mul3A_204 = vector.broadcast %get3A_9 : vector<1x128xf32> to vector<128x128xf32>
    %mul3A_205 = arith.mulf %mul3A_203, %mul3A_204 : vector<128x128xf32>
    %add3A_206 = vector.broadcast %get3A_15 : vector<1x128xf32> to vector<128x128xf32>
    %add3A_207 = arith.addf %mul3A_205, %add3A_206 : vector<128x128xf32>
    %dot_general3A_208 = arith.constant dense<0.000000e+00> : vector<128x128xf32>
    %dot_general3A_209 = tpu.matmul %add3A_199, %get3A_18, %dot_general3A_208 {dimension_numbers = #tpu.dot_dimension_numbers<[1], [0], [0], [1], [0, 0, 1, 1], [], []>, transpose_lhs_hint = false} : vector<128x128xf32>, vector<128x128xf32>, vector<128x128xf32> -> vector<128x128xf32>
    %dot_general3A_210 = arith.constant dense<0.000000e+00> : vector<128x128xf32>
    %dot_general3A_211 = tpu.matmul %add3A_207, %get3A_21, %dot_general3A_210 {dimension_numbers = #tpu.dot_dimension_numbers<[1], [0], [0], [1], [0, 0, 1, 1], [], []>, transpose_lhs_hint = false} : vector<128x128xf32>, vector<128x128xf32>, vector<128x128xf32> -> vector<128x128xf32>
    %add3A_212 = arith.addf %dot_general3A_209, %dot_general3A_211 : vector<128x128xf32>
    %add3A_213 = vector.broadcast %get3A_24 : vector<1x128xf32> to vector<128x128xf32>
    %add3A_214 = arith.addf %add3A_212, %add3A_213 : vector<128x128xf32>
    %max3A_215 = arith.constant 0.000000e+00 : f32
    %max3A_216 = vector.broadcast %max3A_215 : f32 to vector<128x128xf32>
    %max3A_217 = arith.maximumf %add3A_214, %max3A_216 : vector<128x128xf32>
    %get3A_218 = arith.constant 0 : index
    %get3A_219 = arith.constant 0 : index
    %get3A_220 = vector.load %arg8[%get3A_218, %get3A_219] : memref<128x128xf32, #tpu.memory_space<vmem>>, vector<128x128xf32>
    %dot_general3A_221 = arith.constant dense<0.000000e+00> : vector<128x128xf32>
    %dot_general3A_222 = tpu.matmul %max3A_217, %get3A_220, %dot_general3A_221 {dimension_numbers = #tpu.dot_dimension_numbers<[1], [0], [0], [1], [0, 0, 1, 1], [], []>, transpose_lhs_hint = false} : vector<128x128xf32>, vector<128x128xf32>, vector<128x128xf32> -> vector<128x128xf32>
    %add3A_223 = vector.broadcast %get3A_27 : vector<1x128xf32> to vector<128x128xf32>
    %add3A_224 = arith.addf %dot_general3A_222, %add3A_223 : vector<128x128xf32>
    %logistic3A_225 = arith.negf %add3A_224 : vector<128x128xf32>
    %logistic3A_226 = math.exp %logistic3A_225 : vector<128x128xf32>
    %logistic3A_227 = arith.constant 1.000000e+00 : f32
    %logistic3A_228 = vector.broadcast %logistic3A_227 : f32 to vector<128x128xf32>
    %logistic3A_229 = arith.addf %logistic3A_228, %logistic3A_226 : vector<128x128xf32>
    %logistic3A_230 = arith.divf %logistic3A_228, %logistic3A_229 : vector<128x128xf32>
    %mul3A_231 = arith.mulf %slice3A_170, %logistic3A_230 : vector<128x128xf32>
    %add3A_232 = arith.addf %add3A_164, %mul3A_231 : vector<128x128xf32>
    %get3A_233 = arith.constant 0 : index
    %get3A_234 = arith.constant 0 : index
    %get3A_235 = arith.constant 0 : index
    %get3A_236 = vector.load %arg2[%get3A_233, %get3A_234, %get3A_235] : memref<1x128x2048xf32, #tpu.memory_space<vmem>>, vector<1x128x2048xf32>
    %get3A_237 = vector.shape_cast %get3A_236 : vector<1x128x2048xf32> to vector<128x2048xf32>
    %slice3A_238 = vector.extract_strided_slice %get3A_237 {offsets = [0, 384], sizes = [128, 128], strides = [1, 1]} : vector<128x2048xf32> to vector<128x128xf32>
    %reduce_sum3A_239 = arith.constant dense<0.000000e+00> : vector<128xf32>
    %reduce_sum3A_240 = vector.multi_reduction <add>, %slice3A_238, %reduce_sum3A_239 [1] : vector<128x128xf32> to vector<128xf32>
    %broadcast_in_dim3A_241 = vector.shape_cast %reduce_sum3A_240 : vector<128xf32> to vector<128x1xf32>
    %mul3A_242 = arith.mulf %slice3A_238, %slice3A_238 : vector<128x128xf32>
    %reduce_sum3A_243 = arith.constant dense<0.000000e+00> : vector<128xf32>
    %reduce_sum3A_244 = vector.multi_reduction <add>, %mul3A_242, %reduce_sum3A_243 [1] : vector<128x128xf32> to vector<128xf32>
    %broadcast_in_dim3A_245 = vector.shape_cast %reduce_sum3A_244 : vector<128xf32> to vector<128x1xf32>
    %add3A_246 = arith.addf %broadcast_in_dim3A, %broadcast_in_dim3A_241 : vector<128x1xf32>
    %div3A_247 = arith.constant 2.560000e+02 : f32
    %div3A_248 = vector.broadcast %div3A_247 : f32 to vector<128x1xf32>
    %div3A_249 = arith.divf %add3A_246, %div3A_248 : vector<128x1xf32>
    %add3A_250 = arith.addf %broadcast_in_dim3A_34, %broadcast_in_dim3A_245 : vector<128x1xf32>
    %div3A_251 = arith.constant 2.560000e+02 : f32
    %div3A_252 = vector.broadcast %div3A_251 : f32 to vector<128x1xf32>
    %div3A_253 = arith.divf %add3A_250, %div3A_252 : vector<128x1xf32>
    %mul3A_254 = arith.mulf %div3A_249, %div3A_249 : vector<128x1xf32>
    %sub3A_255 = arith.subf %div3A_253, %mul3A_254 : vector<128x1xf32>
    %add3A_256 = arith.constant 9.99999974E-6 : f32
    %add3A_257 = vector.broadcast %add3A_256 : f32 to vector<128x1xf32>
    %add3A_258 = arith.addf %sub3A_255, %add3A_257 : vector<128x1xf32>
    %rsqrt3A_259 = math.rsqrt %add3A_258 : vector<128x1xf32>
    %sub3A_260 = vector.broadcast %div3A_249 : vector<128x1xf32> to vector<128x128xf32>
    %sub3A_261 = arith.subf %get3A_3, %sub3A_260 : vector<128x128xf32>
    %mul3A_262 = vector.broadcast %rsqrt3A_259 : vector<128x1xf32> to vector<128x128xf32>
    %mul3A_263 = arith.mulf %sub3A_261, %mul3A_262 : vector<128x128xf32>
    %mul3A_264 = vector.broadcast %get3A_6 : vector<1x128xf32> to vector<128x128xf32>
    %mul3A_265 = arith.mulf %mul3A_263, %mul3A_264 : vector<128x128xf32>
    %add3A_266 = vector.broadcast %get3A_12 : vector<1x128xf32> to vector<128x128xf32>
    %add3A_267 = arith.addf %mul3A_265, %add3A_266 : vector<128x128xf32>
    %sub3A_268 = vector.broadcast %div3A_249 : vector<128x1xf32> to vector<128x128xf32>
    %sub3A_269 = arith.subf %slice3A_238, %sub3A_268 : vector<128x128xf32>
    %mul3A_270 = vector.broadcast %rsqrt3A_259 : vector<128x1xf32> to vector<128x128xf32>
    %mul3A_271 = arith.mulf %sub3A_269, %mul3A_270 : vector<128x128xf32>
    %mul3A_272 = vector.broadcast %get3A_9 : vector<1x128xf32> to vector<128x128xf32>
    %mul3A_273 = arith.mulf %mul3A_271, %mul3A_272 : vector<128x128xf32>
    %add3A_274 = vector.broadcast %get3A_15 : vector<1x128xf32> to vector<128x128xf32>
    %add3A_275 = arith.addf %mul3A_273, %add3A_274 : vector<128x128xf32>
    %dot_general3A_276 = arith.constant dense<0.000000e+00> : vector<128x128xf32>
    %dot_general3A_277 = tpu.matmul %add3A_267, %get3A_18, %dot_general3A_276 {dimension_numbers = #tpu.dot_dimension_numbers<[1], [0], [0], [1], [0, 0, 1, 1], [], []>, transpose_lhs_hint = false} : vector<128x128xf32>, vector<128x128xf32>, vector<128x128xf32> -> vector<128x128xf32>
    %dot_general3A_278 = arith.constant dense<0.000000e+00> : vector<128x128xf32>
    %dot_general3A_279 = tpu.matmul %add3A_275, %get3A_21, %dot_general3A_278 {dimension_numbers = #tpu.dot_dimension_numbers<[1], [0], [0], [1], [0, 0, 1, 1], [], []>, transpose_lhs_hint = false} : vector<128x128xf32>, vector<128x128xf32>, vector<128x128xf32> -> vector<128x128xf32>
    %add3A_280 = arith.addf %dot_general3A_277, %dot_general3A_279 : vector<128x128xf32>
    %add3A_281 = vector.broadcast %get3A_24 : vector<1x128xf32> to vector<128x128xf32>
    %add3A_282 = arith.addf %add3A_280, %add3A_281 : vector<128x128xf32>
    %max3A_283 = arith.constant 0.000000e+00 : f32
    %max3A_284 = vector.broadcast %max3A_283 : f32 to vector<128x128xf32>
    %max3A_285 = arith.maximumf %add3A_282, %max3A_284 : vector<128x128xf32>
    %get3A_286 = arith.constant 0 : index
    %get3A_287 = arith.constant 0 : index
    %get3A_288 = vector.load %arg8[%get3A_286, %get3A_287] : memref<128x128xf32, #tpu.memory_space<vmem>>, vector<128x128xf32>
    %dot_general3A_289 = arith.constant dense<0.000000e+00> : vector<128x128xf32>
    %dot_general3A_290 = tpu.matmul %max3A_285, %get3A_288, %dot_general3A_289 {dimension_numbers = #tpu.dot_dimension_numbers<[1], [0], [0], [1], [0, 0, 1, 1], [], []>, transpose_lhs_hint = false} : vector<128x128xf32>, vector<128x128xf32>, vector<128x128xf32> -> vector<128x128xf32>
    %add3A_291 = vector.broadcast %get3A_27 : vector<1x128xf32> to vector<128x128xf32>
    %add3A_292 = arith.addf %dot_general3A_290, %add3A_291 : vector<128x128xf32>
    %logistic3A_293 = arith.negf %add3A_292 : vector<128x128xf32>
    %logistic3A_294 = math.exp %logistic3A_293 : vector<128x128xf32>
    %logistic3A_295 = arith.constant 1.000000e+00 : f32
    %logistic3A_296 = vector.broadcast %logistic3A_295 : f32 to vector<128x128xf32>
    %logistic3A_297 = arith.addf %logistic3A_296, %logistic3A_294 : vector<128x128xf32>
    %logistic3A_298 = arith.divf %logistic3A_296, %logistic3A_297 : vector<128x128xf32>
    %mul3A_299 = arith.mulf %slice3A_238, %logistic3A_298 : vector<128x128xf32>
    %add3A_300 = arith.addf %add3A_232, %mul3A_299 : vector<128x128xf32>
    %get3A_301 = arith.constant 0 : index
    %get3A_302 = arith.constant 0 : index
    %get3A_303 = arith.constant 0 : index
    %get3A_304 = vector.load %arg2[%get3A_301, %get3A_302, %get3A_303] : memref<1x128x2048xf32, #tpu.memory_space<vmem>>, vector<1x128x2048xf32>
    %get3A_305 = vector.shape_cast %get3A_304 : vector<1x128x2048xf32> to vector<128x2048xf32>
    %slice3A_306 = vector.extract_strided_slice %get3A_305 {offsets = [0, 512], sizes = [128, 128], strides = [1, 1]} : vector<128x2048xf32> to vector<128x128xf32>
    %reduce_sum3A_307 = arith.constant dense<0.000000e+00> : vector<128xf32>
    %reduce_sum3A_308 = vector.multi_reduction <add>, %slice3A_306, %reduce_sum3A_307 [1] : vector<128x128xf32> to vector<128xf32>
    %broadcast_in_dim3A_309 = vector.shape_cast %reduce_sum3A_308 : vector<128xf32> to vector<128x1xf32>
    %mul3A_310 = arith.mulf %slice3A_306, %slice3A_306 : vector<128x128xf32>
    %reduce_sum3A_311 = arith.constant dense<0.000000e+00> : vector<128xf32>
    %reduce_sum3A_312 = vector.multi_reduction <add>, %mul3A_310, %reduce_sum3A_311 [1] : vector<128x128xf32> to vector<128xf32>
    %broadcast_in_dim3A_313 = vector.shape_cast %reduce_sum3A_312 : vector<128xf32> to vector<128x1xf32>
    %add3A_314 = arith.addf %broadcast_in_dim3A, %broadcast_in_dim3A_309 : vector<128x1xf32>
    %div3A_315 = arith.constant 2.560000e+02 : f32
    %div3A_316 = vector.broadcast %div3A_315 : f32 to vector<128x1xf32>
    %div3A_317 = arith.divf %add3A_314, %div3A_316 : vector<128x1xf32>
    %add3A_318 = arith.addf %broadcast_in_dim3A_34, %broadcast_in_dim3A_313 : vector<128x1xf32>
    %div3A_319 = arith.constant 2.560000e+02 : f32
    %div3A_320 = vector.broadcast %div3A_319 : f32 to vector<128x1xf32>
    %div3A_321 = arith.divf %add3A_318, %div3A_320 : vector<128x1xf32>
    %mul3A_322 = arith.mulf %div3A_317, %div3A_317 : vector<128x1xf32>
    %sub3A_323 = arith.subf %div3A_321, %mul3A_322 : vector<128x1xf32>
    %add3A_324 = arith.constant 9.99999974E-6 : f32
    %add3A_325 = vector.broadcast %add3A_324 : f32 to vector<128x1xf32>
    %add3A_326 = arith.addf %sub3A_323, %add3A_325 : vector<128x1xf32>
    %rsqrt3A_327 = math.rsqrt %add3A_326 : vector<128x1xf32>
    %sub3A_328 = vector.broadcast %div3A_317 : vector<128x1xf32> to vector<128x128xf32>
    %sub3A_329 = arith.subf %get3A_3, %sub3A_328 : vector<128x128xf32>
    %mul3A_330 = vector.broadcast %rsqrt3A_327 : vector<128x1xf32> to vector<128x128xf32>
    %mul3A_331 = arith.mulf %sub3A_329, %mul3A_330 : vector<128x128xf32>
    %mul3A_332 = vector.broadcast %get3A_6 : vector<1x128xf32> to vector<128x128xf32>
    %mul3A_333 = arith.mulf %mul3A_331, %mul3A_332 : vector<128x128xf32>
    %add3A_334 = vector.broadcast %get3A_12 : vector<1x128xf32> to vector<128x128xf32>
    %add3A_335 = arith.addf %mul3A_333, %add3A_334 : vector<128x128xf32>
    %sub3A_336 = vector.broadcast %div3A_317 : vector<128x1xf32> to vector<128x128xf32>
    %sub3A_337 = arith.subf %slice3A_306, %sub3A_336 : vector<128x128xf32>
    %mul3A_338 = vector.broadcast %rsqrt3A_327 : vector<128x1xf32> to vector<128x128xf32>
    %mul3A_339 = arith.mulf %sub3A_337, %mul3A_338 : vector<128x128xf32>
    %mul3A_340 = vector.broadcast %get3A_9 : vector<1x128xf32> to vector<128x128xf32>
    %mul3A_341 = arith.mulf %mul3A_339, %mul3A_340 : vector<128x128xf32>
    %add3A_342 = vector.broadcast %get3A_15 : vector<1x128xf32> to vector<128x128xf32>
    %add3A_343 = arith.addf %mul3A_341, %add3A_342 : vector<128x128xf32>
    %dot_general3A_344 = arith.constant dense<0.000000e+00> : vector<128x128xf32>
    %dot_general3A_345 = tpu.matmul %add3A_335, %get3A_18, %dot_general3A_344 {dimension_numbers = #tpu.dot_dimension_numbers<[1], [0], [0], [1], [0, 0, 1, 1], [], []>, transpose_lhs_hint = false} : vector<128x128xf32>, vector<128x128xf32>, vector<128x128xf32> -> vector<128x128xf32>
    %dot_general3A_346 = arith.constant dense<0.000000e+00> : vector<128x128xf32>
    %dot_general3A_347 = tpu.matmul %add3A_343, %get3A_21, %dot_general3A_346 {dimension_numbers = #tpu.dot_dimension_numbers<[1], [0], [0], [1], [0, 0, 1, 1], [], []>, transpose_lhs_hint = false} : vector<128x128xf32>, vector<128x128xf32>, vector<128x128xf32> -> vector<128x128xf32>
    %add3A_348 = arith.addf %dot_general3A_345, %dot_general3A_347 : vector<128x128xf32>
    %add3A_349 = vector.broadcast %get3A_24 : vector<1x128xf32> to vector<128x128xf32>
    %add3A_350 = arith.addf %add3A_348, %add3A_349 : vector<128x128xf32>
    %max3A_351 = arith.constant 0.000000e+00 : f32
    %max3A_352 = vector.broadcast %max3A_351 : f32 to vector<128x128xf32>
    %max3A_353 = arith.maximumf %add3A_350, %max3A_352 : vector<128x128xf32>
    %get3A_354 = arith.constant 0 : index
    %get3A_355 = arith.constant 0 : index
    %get3A_356 = vector.load %arg8[%get3A_354, %get3A_355] : memref<128x128xf32, #tpu.memory_space<vmem>>, vector<128x128xf32>
    %dot_general3A_357 = arith.constant dense<0.000000e+00> : vector<128x128xf32>
    %dot_general3A_358 = tpu.matmul %max3A_353, %get3A_356, %dot_general3A_357 {dimension_numbers = #tpu.dot_dimension_numbers<[1], [0], [0], [1], [0, 0, 1, 1], [], []>, transpose_lhs_hint = false} : vector<128x128xf32>, vector<128x128xf32>, vector<128x128xf32> -> vector<128x128xf32>
    %add3A_359 = vector.broadcast %get3A_27 : vector<1x128xf32> to vector<128x128xf32>
    %add3A_360 = arith.addf %dot_general3A_358, %add3A_359 : vector<128x128xf32>
    %logistic3A_361 = arith.negf %add3A_360 : vector<128x128xf32>
    %logistic3A_362 = math.exp %logistic3A_361 : vector<128x128xf32>
    %logistic3A_363 = arith.constant 1.000000e+00 : f32
    %logistic3A_364 = vector.broadcast %logistic3A_363 : f32 to vector<128x128xf32>
    %logistic3A_365 = arith.addf %logistic3A_364, %logistic3A_362 : vector<128x128xf32>
    %logistic3A_366 = arith.divf %logistic3A_364, %logistic3A_365 : vector<128x128xf32>
    %mul3A_367 = arith.mulf %slice3A_306, %logistic3A_366 : vector<128x128xf32>
    %add3A_368 = arith.addf %add3A_300, %mul3A_367 : vector<128x128xf32>
    %get3A_369 = arith.constant 0 : index
    %get3A_370 = arith.constant 0 : index
    %get3A_371 = arith.constant 0 : index
    %get3A_372 = vector.load %arg2[%get3A_369, %get3A_370, %get3A_371] : memref<1x128x2048xf32, #tpu.memory_space<vmem>>, vector<1x128x2048xf32>
    %get3A_373 = vector.shape_cast %get3A_372 : vector<1x128x2048xf32> to vector<128x2048xf32>
    %slice3A_374 = vector.extract_strided_slice %get3A_373 {offsets = [0, 640], sizes = [128, 128], strides = [1, 1]} : vector<128x2048xf32> to vector<128x128xf32>
    %reduce_sum3A_375 = arith.constant dense<0.000000e+00> : vector<128xf32>
    %reduce_sum3A_376 = vector.multi_reduction <add>, %slice3A_374, %reduce_sum3A_375 [1] : vector<128x128xf32> to vector<128xf32>
    %broadcast_in_dim3A_377 = vector.shape_cast %reduce_sum3A_376 : vector<128xf32> to vector<128x1xf32>
    %mul3A_378 = arith.mulf %slice3A_374, %slice3A_374 : vector<128x128xf32>
    %reduce_sum3A_379 = arith.constant dense<0.000000e+00> : vector<128xf32>
    %reduce_sum3A_380 = vector.multi_reduction <add>, %mul3A_378, %reduce_sum3A_379 [1] : vector<128x128xf32> to vector<128xf32>
    %broadcast_in_dim3A_381 = vector.shape_cast %reduce_sum3A_380 : vector<128xf32> to vector<128x1xf32>
    %add3A_382 = arith.addf %broadcast_in_dim3A, %broadcast_in_dim3A_377 : vector<128x1xf32>
    %div3A_383 = arith.constant 2.560000e+02 : f32
    %div3A_384 = vector.broadcast %div3A_383 : f32 to vector<128x1xf32>
    %div3A_385 = arith.divf %add3A_382, %div3A_384 : vector<128x1xf32>
    %add3A_386 = arith.addf %broadcast_in_dim3A_34, %broadcast_in_dim3A_381 : vector<128x1xf32>
    %div3A_387 = arith.constant 2.560000e+02 : f32
    %div3A_388 = vector.broadcast %div3A_387 : f32 to vector<128x1xf32>
    %div3A_389 = arith.divf %add3A_386, %div3A_388 : vector<128x1xf32>
    %mul3A_390 = arith.mulf %div3A_385, %div3A_385 : vector<128x1xf32>
    %sub3A_391 = arith.subf %div3A_389, %mul3A_390 : vector<128x1xf32>
    %add3A_392 = arith.constant 9.99999974E-6 : f32
    %add3A_393 = vector.broadcast %add3A_392 : f32 to vector<128x1xf32>
    %add3A_394 = arith.addf %sub3A_391, %add3A_393 : vector<128x1xf32>
    %rsqrt3A_395 = math.rsqrt %add3A_394 : vector<128x1xf32>
    %sub3A_396 = vector.broadcast %div3A_385 : vector<128x1xf32> to vector<128x128xf32>
    %sub3A_397 = arith.subf %get3A_3, %sub3A_396 : vector<128x128xf32>
    %mul3A_398 = vector.broadcast %rsqrt3A_395 : vector<128x1xf32> to vector<128x128xf32>
    %mul3A_399 = arith.mulf %sub3A_397, %mul3A_398 : vector<128x128xf32>
    %mul3A_400 = vector.broadcast %get3A_6 : vector<1x128xf32> to vector<128x128xf32>
    %mul3A_401 = arith.mulf %mul3A_399, %mul3A_400 : vector<128x128xf32>
    %add3A_402 = vector.broadcast %get3A_12 : vector<1x128xf32> to vector<128x128xf32>
    %add3A_403 = arith.addf %mul3A_401, %add3A_402 : vector<128x128xf32>
    %sub3A_404 = vector.broadcast %div3A_385 : vector<128x1xf32> to vector<128x128xf32>
    %sub3A_405 = arith.subf %slice3A_374, %sub3A_404 : vector<128x128xf32>
    %mul3A_406 = vector.broadcast %rsqrt3A_395 : vector<128x1xf32> to vector<128x128xf32>
    %mul3A_407 = arith.mulf %sub3A_405, %mul3A_406 : vector<128x128xf32>
    %mul3A_408 = vector.broadcast %get3A_9 : vector<1x128xf32> to vector<128x128xf32>
    %mul3A_409 = arith.mulf %mul3A_407, %mul3A_408 : vector<128x128xf32>
    %add3A_410 = vector.broadcast %get3A_15 : vector<1x128xf32> to vector<128x128xf32>
    %add3A_411 = arith.addf %mul3A_409, %add3A_410 : vector<128x128xf32>
    %dot_general3A_412 = arith.constant dense<0.000000e+00> : vector<128x128xf32>
    %dot_general3A_413 = tpu.matmul %add3A_403, %get3A_18, %dot_general3A_412 {dimension_numbers = #tpu.dot_dimension_numbers<[1], [0], [0], [1], [0, 0, 1, 1], [], []>, transpose_lhs_hint = false} : vector<128x128xf32>, vector<128x128xf32>, vector<128x128xf32> -> vector<128x128xf32>
    %dot_general3A_414 = arith.constant dense<0.000000e+00> : vector<128x128xf32>
    %dot_general3A_415 = tpu.matmul %add3A_411, %get3A_21, %dot_general3A_414 {dimension_numbers = #tpu.dot_dimension_numbers<[1], [0], [0], [1], [0, 0, 1, 1], [], []>, transpose_lhs_hint = false} : vector<128x128xf32>, vector<128x128xf32>, vector<128x128xf32> -> vector<128x128xf32>
    %add3A_416 = arith.addf %dot_general3A_413, %dot_general3A_415 : vector<128x128xf32>
    %add3A_417 = vector.broadcast %get3A_24 : vector<1x128xf32> to vector<128x128xf32>
    %add3A_418 = arith.addf %add3A_416, %add3A_417 : vector<128x128xf32>
    %max3A_419 = arith.constant 0.000000e+00 : f32
    %max3A_420 = vector.broadcast %max3A_419 : f32 to vector<128x128xf32>
    %max3A_421 = arith.maximumf %add3A_418, %max3A_420 : vector<128x128xf32>
    %get3A_422 = arith.constant 0 : index
    %get3A_423 = arith.constant 0 : index
    %get3A_424 = vector.load %arg8[%get3A_422, %get3A_423] : memref<128x128xf32, #tpu.memory_space<vmem>>, vector<128x128xf32>
    %dot_general3A_425 = arith.constant dense<0.000000e+00> : vector<128x128xf32>
    %dot_general3A_426 = tpu.matmul %max3A_421, %get3A_424, %dot_general3A_425 {dimension_numbers = #tpu.dot_dimension_numbers<[1], [0], [0], [1], [0, 0, 1, 1], [], []>, transpose_lhs_hint = false} : vector<128x128xf32>, vector<128x128xf32>, vector<128x128xf32> -> vector<128x128xf32>
    %add3A_427 = vector.broadcast %get3A_27 : vector<1x128xf32> to vector<128x128xf32>
    %add3A_428 = arith.addf %dot_general3A_426, %add3A_427 : vector<128x128xf32>
    %logistic3A_429 = arith.negf %add3A_428 : vector<128x128xf32>
    %logistic3A_430 = math.exp %logistic3A_429 : vector<128x128xf32>
    %logistic3A_431 = arith.constant 1.000000e+00 : f32
    %logistic3A_432 = vector.broadcast %logistic3A_431 : f32 to vector<128x128xf32>
    %logistic3A_433 = arith.addf %logistic3A_432, %logistic3A_430 : vector<128x128xf32>
    %logistic3A_434 = arith.divf %logistic3A_432, %logistic3A_433 : vector<128x128xf32>
    %mul3A_435 = arith.mulf %slice3A_374, %logistic3A_434 : vector<128x128xf32>
    %add3A_436 = arith.addf %add3A_368, %mul3A_435 : vector<128x128xf32>
    %get3A_437 = arith.constant 0 : index
    %get3A_438 = arith.constant 0 : index
    %get3A_439 = arith.constant 0 : index
    %get3A_440 = vector.load %arg2[%get3A_437, %get3A_438, %get3A_439] : memref<1x128x2048xf32, #tpu.memory_space<vmem>>, vector<1x128x2048xf32>
    %get3A_441 = vector.shape_cast %get3A_440 : vector<1x128x2048xf32> to vector<128x2048xf32>
    %slice3A_442 = vector.extract_strided_slice %get3A_441 {offsets = [0, 768], sizes = [128, 128], strides = [1, 1]} : vector<128x2048xf32> to vector<128x128xf32>
    %reduce_sum3A_443 = arith.constant dense<0.000000e+00> : vector<128xf32>
    %reduce_sum3A_444 = vector.multi_reduction <add>, %slice3A_442, %reduce_sum3A_443 [1] : vector<128x128xf32> to vector<128xf32>
    %broadcast_in_dim3A_445 = vector.shape_cast %reduce_sum3A_444 : vector<128xf32> to vector<128x1xf32>
    %mul3A_446 = arith.mulf %slice3A_442, %slice3A_442 : vector<128x128xf32>
    %reduce_sum3A_447 = arith.constant dense<0.000000e+00> : vector<128xf32>
    %reduce_sum3A_448 = vector.multi_reduction <add>, %mul3A_446, %reduce_sum3A_447 [1] : vector<128x128xf32> to vector<128xf32>
    %broadcast_in_dim3A_449 = vector.shape_cast %reduce_sum3A_448 : vector<128xf32> to vector<128x1xf32>
    %add3A_450 = arith.addf %broadcast_in_dim3A, %broadcast_in_dim3A_445 : vector<128x1xf32>
    %div3A_451 = arith.constant 2.560000e+02 : f32
    %div3A_452 = vector.broadcast %div3A_451 : f32 to vector<128x1xf32>
    %div3A_453 = arith.divf %add3A_450, %div3A_452 : vector<128x1xf32>
    %add3A_454 = arith.addf %broadcast_in_dim3A_34, %broadcast_in_dim3A_449 : vector<128x1xf32>
    %div3A_455 = arith.constant 2.560000e+02 : f32
    %div3A_456 = vector.broadcast %div3A_455 : f32 to vector<128x1xf32>
    %div3A_457 = arith.divf %add3A_454, %div3A_456 : vector<128x1xf32>
    %mul3A_458 = arith.mulf %div3A_453, %div3A_453 : vector<128x1xf32>
    %sub3A_459 = arith.subf %div3A_457, %mul3A_458 : vector<128x1xf32>
    %add3A_460 = arith.constant 9.99999974E-6 : f32
    %add3A_461 = vector.broadcast %add3A_460 : f32 to vector<128x1xf32>
    %add3A_462 = arith.addf %sub3A_459, %add3A_461 : vector<128x1xf32>
    %rsqrt3A_463 = math.rsqrt %add3A_462 : vector<128x1xf32>
    %sub3A_464 = vector.broadcast %div3A_453 : vector<128x1xf32> to vector<128x128xf32>
    %sub3A_465 = arith.subf %get3A_3, %sub3A_464 : vector<128x128xf32>
    %mul3A_466 = vector.broadcast %rsqrt3A_463 : vector<128x1xf32> to vector<128x128xf32>
    %mul3A_467 = arith.mulf %sub3A_465, %mul3A_466 : vector<128x128xf32>
    %mul3A_468 = vector.broadcast %get3A_6 : vector<1x128xf32> to vector<128x128xf32>
    %mul3A_469 = arith.mulf %mul3A_467, %mul3A_468 : vector<128x128xf32>
    %add3A_470 = vector.broadcast %get3A_12 : vector<1x128xf32> to vector<128x128xf32>
    %add3A_471 = arith.addf %mul3A_469, %add3A_470 : vector<128x128xf32>
    %sub3A_472 = vector.broadcast %div3A_453 : vector<128x1xf32> to vector<128x128xf32>
    %sub3A_473 = arith.subf %slice3A_442, %sub3A_472 : vector<128x128xf32>
    %mul3A_474 = vector.broadcast %rsqrt3A_463 : vector<128x1xf32> to vector<128x128xf32>
    %mul3A_475 = arith.mulf %sub3A_473, %mul3A_474 : vector<128x128xf32>
    %mul3A_476 = vector.broadcast %get3A_9 : vector<1x128xf32> to vector<128x128xf32>
    %mul3A_477 = arith.mulf %mul3A_475, %mul3A_476 : vector<128x128xf32>
    %add3A_478 = vector.broadcast %get3A_15 : vector<1x128xf32> to vector<128x128xf32>
    %add3A_479 = arith.addf %mul3A_477, %add3A_478 : vector<128x128xf32>
    %dot_general3A_480 = arith.constant dense<0.000000e+00> : vector<128x128xf32>
    %dot_general3A_481 = tpu.matmul %add3A_471, %get3A_18, %dot_general3A_480 {dimension_numbers = #tpu.dot_dimension_numbers<[1], [0], [0], [1], [0, 0, 1, 1], [], []>, transpose_lhs_hint = false} : vector<128x128xf32>, vector<128x128xf32>, vector<128x128xf32> -> vector<128x128xf32>
    %dot_general3A_482 = arith.constant dense<0.000000e+00> : vector<128x128xf32>
    %dot_general3A_483 = tpu.matmul %add3A_479, %get3A_21, %dot_general3A_482 {dimension_numbers = #tpu.dot_dimension_numbers<[1], [0], [0], [1], [0, 0, 1, 1], [], []>, transpose_lhs_hint = false} : vector<128x128xf32>, vector<128x128xf32>, vector<128x128xf32> -> vector<128x128xf32>
    %add3A_484 = arith.addf %dot_general3A_481, %dot_general3A_483 : vector<128x128xf32>
    %add3A_485 = vector.broadcast %get3A_24 : vector<1x128xf32> to vector<128x128xf32>
    %add3A_486 = arith.addf %add3A_484, %add3A_485 : vector<128x128xf32>
    %max3A_487 = arith.constant 0.000000e+00 : f32
    %max3A_488 = vector.broadcast %max3A_487 : f32 to vector<128x128xf32>
    %max3A_489 = arith.maximumf %add3A_486, %max3A_488 : vector<128x128xf32>
    %get3A_490 = arith.constant 0 : index
    %get3A_491 = arith.constant 0 : index
    %get3A_492 = vector.load %arg8[%get3A_490, %get3A_491] : memref<128x128xf32, #tpu.memory_space<vmem>>, vector<128x128xf32>
    %dot_general3A_493 = arith.constant dense<0.000000e+00> : vector<128x128xf32>
    %dot_general3A_494 = tpu.matmul %max3A_489, %get3A_492, %dot_general3A_493 {dimension_numbers = #tpu.dot_dimension_numbers<[1], [0], [0], [1], [0, 0, 1, 1], [], []>, transpose_lhs_hint = false} : vector<128x128xf32>, vector<128x128xf32>, vector<128x128xf32> -> vector<128x128xf32>
    %add3A_495 = vector.broadcast %get3A_27 : vector<1x128xf32> to vector<128x128xf32>
    %add3A_496 = arith.addf %dot_general3A_494, %add3A_495 : vector<128x128xf32>
    %logistic3A_497 = arith.negf %add3A_496 : vector<128x128xf32>
    %logistic3A_498 = math.exp %logistic3A_497 : vector<128x128xf32>
    %logistic3A_499 = arith.constant 1.000000e+00 : f32
    %logistic3A_500 = vector.broadcast %logistic3A_499 : f32 to vector<128x128xf32>
    %logistic3A_501 = arith.addf %logistic3A_500, %logistic3A_498 : vector<128x128xf32>
    %logistic3A_502 = arith.divf %logistic3A_500, %logistic3A_501 : vector<128x128xf32>
    %mul3A_503 = arith.mulf %slice3A_442, %logistic3A_502 : vector<128x128xf32>
    %add3A_504 = arith.addf %add3A_436, %mul3A_503 : vector<128x128xf32>
    %get3A_505 = arith.constant 0 : index
    %get3A_506 = arith.constant 0 : index
    %get3A_507 = arith.constant 0 : index
    %get3A_508 = vector.load %arg2[%get3A_505, %get3A_506, %get3A_507] : memref<1x128x2048xf32, #tpu.memory_space<vmem>>, vector<1x128x2048xf32>
    %get3A_509 = vector.shape_cast %get3A_508 : vector<1x128x2048xf32> to vector<128x2048xf32>
    %slice3A_510 = vector.extract_strided_slice %get3A_509 {offsets = [0, 896], sizes = [128, 128], strides = [1, 1]} : vector<128x2048xf32> to vector<128x128xf32>
    %reduce_sum3A_511 = arith.constant dense<0.000000e+00> : vector<128xf32>
    %reduce_sum3A_512 = vector.multi_reduction <add>, %slice3A_510, %reduce_sum3A_511 [1] : vector<128x128xf32> to vector<128xf32>
    %broadcast_in_dim3A_513 = vector.shape_cast %reduce_sum3A_512 : vector<128xf32> to vector<128x1xf32>
    %mul3A_514 = arith.mulf %slice3A_510, %slice3A_510 : vector<128x128xf32>
    %reduce_sum3A_515 = arith.constant dense<0.000000e+00> : vector<128xf32>
    %reduce_sum3A_516 = vector.multi_reduction <add>, %mul3A_514, %reduce_sum3A_515 [1] : vector<128x128xf32> to vector<128xf32>
    %broadcast_in_dim3A_517 = vector.shape_cast %reduce_sum3A_516 : vector<128xf32> to vector<128x1xf32>
    %add3A_518 = arith.addf %broadcast_in_dim3A, %broadcast_in_dim3A_513 : vector<128x1xf32>
    %div3A_519 = arith.constant 2.560000e+02 : f32
    %div3A_520 = vector.broadcast %div3A_519 : f32 to vector<128x1xf32>
    %div3A_521 = arith.divf %add3A_518, %div3A_520 : vector<128x1xf32>
    %add3A_522 = arith.addf %broadcast_in_dim3A_34, %broadcast_in_dim3A_517 : vector<128x1xf32>
    %div3A_523 = arith.constant 2.560000e+02 : f32
    %div3A_524 = vector.broadcast %div3A_523 : f32 to vector<128x1xf32>
    %div3A_525 = arith.divf %add3A_522, %div3A_524 : vector<128x1xf32>
    %mul3A_526 = arith.mulf %div3A_521, %div3A_521 : vector<128x1xf32>
    %sub3A_527 = arith.subf %div3A_525, %mul3A_526 : vector<128x1xf32>
    %add3A_528 = arith.constant 9.99999974E-6 : f32
    %add3A_529 = vector.broadcast %add3A_528 : f32 to vector<128x1xf32>
    %add3A_530 = arith.addf %sub3A_527, %add3A_529 : vector<128x1xf32>
    %rsqrt3A_531 = math.rsqrt %add3A_530 : vector<128x1xf32>
    %sub3A_532 = vector.broadcast %div3A_521 : vector<128x1xf32> to vector<128x128xf32>
    %sub3A_533 = arith.subf %get3A_3, %sub3A_532 : vector<128x128xf32>
    %mul3A_534 = vector.broadcast %rsqrt3A_531 : vector<128x1xf32> to vector<128x128xf32>
    %mul3A_535 = arith.mulf %sub3A_533, %mul3A_534 : vector<128x128xf32>
    %mul3A_536 = vector.broadcast %get3A_6 : vector<1x128xf32> to vector<128x128xf32>
    %mul3A_537 = arith.mulf %mul3A_535, %mul3A_536 : vector<128x128xf32>
    %add3A_538 = vector.broadcast %get3A_12 : vector<1x128xf32> to vector<128x128xf32>
    %add3A_539 = arith.addf %mul3A_537, %add3A_538 : vector<128x128xf32>
    %sub3A_540 = vector.broadcast %div3A_521 : vector<128x1xf32> to vector<128x128xf32>
    %sub3A_541 = arith.subf %slice3A_510, %sub3A_540 : vector<128x128xf32>
    %mul3A_542 = vector.broadcast %rsqrt3A_531 : vector<128x1xf32> to vector<128x128xf32>
    %mul3A_543 = arith.mulf %sub3A_541, %mul3A_542 : vector<128x128xf32>
    %mul3A_544 = vector.broadcast %get3A_9 : vector<1x128xf32> to vector<128x128xf32>
    %mul3A_545 = arith.mulf %mul3A_543, %mul3A_544 : vector<128x128xf32>
    %add3A_546 = vector.broadcast %get3A_15 : vector<1x128xf32> to vector<128x128xf32>
    %add3A_547 = arith.addf %mul3A_545, %add3A_546 : vector<128x128xf32>
    %dot_general3A_548 = arith.constant dense<0.000000e+00> : vector<128x128xf32>
    %dot_general3A_549 = tpu.matmul %add3A_539, %get3A_18, %dot_general3A_548 {dimension_numbers = #tpu.dot_dimension_numbers<[1], [0], [0], [1], [0, 0, 1, 1], [], []>, transpose_lhs_hint = false} : vector<128x128xf32>, vector<128x128xf32>, vector<128x128xf32> -> vector<128x128xf32>
    %dot_general3A_550 = arith.constant dense<0.000000e+00> : vector<128x128xf32>
    %dot_general3A_551 = tpu.matmul %add3A_547, %get3A_21, %dot_general3A_550 {dimension_numbers = #tpu.dot_dimension_numbers<[1], [0], [0], [1], [0, 0, 1, 1], [], []>, transpose_lhs_hint = false} : vector<128x128xf32>, vector<128x128xf32>, vector<128x128xf32> -> vector<128x128xf32>
    %add3A_552 = arith.addf %dot_general3A_549, %dot_general3A_551 : vector<128x128xf32>
    %add3A_553 = vector.broadcast %get3A_24 : vector<1x128xf32> to vector<128x128xf32>
    %add3A_554 = arith.addf %add3A_552, %add3A_553 : vector<128x128xf32>
    %max3A_555 = arith.constant 0.000000e+00 : f32
    %max3A_556 = vector.broadcast %max3A_555 : f32 to vector<128x128xf32>
    %max3A_557 = arith.maximumf %add3A_554, %max3A_556 : vector<128x128xf32>
    %get3A_558 = arith.constant 0 : index
    %get3A_559 = arith.constant 0 : index
    %get3A_560 = vector.load %arg8[%get3A_558, %get3A_559] : memref<128x128xf32, #tpu.memory_space<vmem>>, vector<128x128xf32>
    %dot_general3A_561 = arith.constant dense<0.000000e+00> : vector<128x128xf32>
    %dot_general3A_562 = tpu.matmul %max3A_557, %get3A_560, %dot_general3A_561 {dimension_numbers = #tpu.dot_dimension_numbers<[1], [0], [0], [1], [0, 0, 1, 1], [], []>, transpose_lhs_hint = false} : vector<128x128xf32>, vector<128x128xf32>, vector<128x128xf32> -> vector<128x128xf32>
    %add3A_563 = vector.broadcast %get3A_27 : vector<1x128xf32> to vector<128x128xf32>
    %add3A_564 = arith.addf %dot_general3A_562, %add3A_563 : vector<128x128xf32>
    %logistic3A_565 = arith.negf %add3A_564 : vector<128x128xf32>
    %logistic3A_566 = math.exp %logistic3A_565 : vector<128x128xf32>
    %logistic3A_567 = arith.constant 1.000000e+00 : f32
    %logistic3A_568 = vector.broadcast %logistic3A_567 : f32 to vector<128x128xf32>
    %logistic3A_569 = arith.addf %logistic3A_568, %logistic3A_566 : vector<128x128xf32>
    %logistic3A_570 = arith.divf %logistic3A_568, %logistic3A_569 : vector<128x128xf32>
    %mul3A_571 = arith.mulf %slice3A_510, %logistic3A_570 : vector<128x128xf32>
    %add3A_572 = arith.addf %add3A_504, %mul3A_571 : vector<128x128xf32>
    %get3A_573 = arith.constant 0 : index
    %get3A_574 = arith.constant 0 : index
    %get3A_575 = arith.constant 0 : index
    %get3A_576 = vector.load %arg2[%get3A_573, %get3A_574, %get3A_575] : memref<1x128x2048xf32, #tpu.memory_space<vmem>>, vector<1x128x2048xf32>
    %get3A_577 = vector.shape_cast %get3A_576 : vector<1x128x2048xf32> to vector<128x2048xf32>
    %slice3A_578 = vector.extract_strided_slice %get3A_577 {offsets = [0, 1024], sizes = [128, 128], strides = [1, 1]} : vector<128x2048xf32> to vector<128x128xf32>
    %reduce_sum3A_579 = arith.constant dense<0.000000e+00> : vector<128xf32>
    %reduce_sum3A_580 = vector.multi_reduction <add>, %slice3A_578, %reduce_sum3A_579 [1] : vector<128x128xf32> to vector<128xf32>
    %broadcast_in_dim3A_581 = vector.shape_cast %reduce_sum3A_580 : vector<128xf32> to vector<128x1xf32>
    %mul3A_582 = arith.mulf %slice3A_578, %slice3A_578 : vector<128x128xf32>
    %reduce_sum3A_583 = arith.constant dense<0.000000e+00> : vector<128xf32>
    %reduce_sum3A_584 = vector.multi_reduction <add>, %mul3A_582, %reduce_sum3A_583 [1] : vector<128x128xf32> to vector<128xf32>
    %broadcast_in_dim3A_585 = vector.shape_cast %reduce_sum3A_584 : vector<128xf32> to vector<128x1xf32>
    %add3A_586 = arith.addf %broadcast_in_dim3A, %broadcast_in_dim3A_581 : vector<128x1xf32>
    %div3A_587 = arith.constant 2.560000e+02 : f32
    %div3A_588 = vector.broadcast %div3A_587 : f32 to vector<128x1xf32>
    %div3A_589 = arith.divf %add3A_586, %div3A_588 : vector<128x1xf32>
    %add3A_590 = arith.addf %broadcast_in_dim3A_34, %broadcast_in_dim3A_585 : vector<128x1xf32>
    %div3A_591 = arith.constant 2.560000e+02 : f32
    %div3A_592 = vector.broadcast %div3A_591 : f32 to vector<128x1xf32>
    %div3A_593 = arith.divf %add3A_590, %div3A_592 : vector<128x1xf32>
    %mul3A_594 = arith.mulf %div3A_589, %div3A_589 : vector<128x1xf32>
    %sub3A_595 = arith.subf %div3A_593, %mul3A_594 : vector<128x1xf32>
    %add3A_596 = arith.constant 9.99999974E-6 : f32
    %add3A_597 = vector.broadcast %add3A_596 : f32 to vector<128x1xf32>
    %add3A_598 = arith.addf %sub3A_595, %add3A_597 : vector<128x1xf32>
    %rsqrt3A_599 = math.rsqrt %add3A_598 : vector<128x1xf32>
    %sub3A_600 = vector.broadcast %div3A_589 : vector<128x1xf32> to vector<128x128xf32>
    %sub3A_601 = arith.subf %get3A_3, %sub3A_600 : vector<128x128xf32>
    %mul3A_602 = vector.broadcast %rsqrt3A_599 : vector<128x1xf32> to vector<128x128xf32>
    %mul3A_603 = arith.mulf %sub3A_601, %mul3A_602 : vector<128x128xf32>
    %mul3A_604 = vector.broadcast %get3A_6 : vector<1x128xf32> to vector<128x128xf32>
    %mul3A_605 = arith.mulf %mul3A_603, %mul3A_604 : vector<128x128xf32>
    %add3A_606 = vector.broadcast %get3A_12 : vector<1x128xf32> to vector<128x128xf32>
    %add3A_607 = arith.addf %mul3A_605, %add3A_606 : vector<128x128xf32>
    %sub3A_608 = vector.broadcast %div3A_589 : vector<128x1xf32> to vector<128x128xf32>
    %sub3A_609 = arith.subf %slice3A_578, %sub3A_608 : vector<128x128xf32>
    %mul3A_610 = vector.broadcast %rsqrt3A_599 : vector<128x1xf32> to vector<128x128xf32>
    %mul3A_611 = arith.mulf %sub3A_609, %mul3A_610 : vector<128x128xf32>
    %mul3A_612 = vector.broadcast %get3A_9 : vector<1x128xf32> to vector<128x128xf32>
    %mul3A_613 = arith.mulf %mul3A_611, %mul3A_612 : vector<128x128xf32>
    %add3A_614 = vector.broadcast %get3A_15 : vector<1x128xf32> to vector<128x128xf32>
    %add3A_615 = arith.addf %mul3A_613, %add3A_614 : vector<128x128xf32>
    %dot_general3A_616 = arith.constant dense<0.000000e+00> : vector<128x128xf32>
    %dot_general3A_617 = tpu.matmul %add3A_607, %get3A_18, %dot_general3A_616 {dimension_numbers = #tpu.dot_dimension_numbers<[1], [0], [0], [1], [0, 0, 1, 1], [], []>, transpose_lhs_hint = false} : vector<128x128xf32>, vector<128x128xf32>, vector<128x128xf32> -> vector<128x128xf32>
    %dot_general3A_618 = arith.constant dense<0.000000e+00> : vector<128x128xf32>
    %dot_general3A_619 = tpu.matmul %add3A_615, %get3A_21, %dot_general3A_618 {dimension_numbers = #tpu.dot_dimension_numbers<[1], [0], [0], [1], [0, 0, 1, 1], [], []>, transpose_lhs_hint = false} : vector<128x128xf32>, vector<128x128xf32>, vector<128x128xf32> -> vector<128x128xf32>
    %add3A_620 = arith.addf %dot_general3A_617, %dot_general3A_619 : vector<128x128xf32>
    %add3A_621 = vector.broadcast %get3A_24 : vector<1x128xf32> to vector<128x128xf32>
    %add3A_622 = arith.addf %add3A_620, %add3A_621 : vector<128x128xf32>
    %max3A_623 = arith.constant 0.000000e+00 : f32
    %max3A_624 = vector.broadcast %max3A_623 : f32 to vector<128x128xf32>
    %max3A_625 = arith.maximumf %add3A_622, %max3A_624 : vector<128x128xf32>
    %get3A_626 = arith.constant 0 : index
    %get3A_627 = arith.constant 0 : index
    %get3A_628 = vector.load %arg8[%get3A_626, %get3A_627] : memref<128x128xf32, #tpu.memory_space<vmem>>, vector<128x128xf32>
    %dot_general3A_629 = arith.constant dense<0.000000e+00> : vector<128x128xf32>
    %dot_general3A_630 = tpu.matmul %max3A_625, %get3A_628, %dot_general3A_629 {dimension_numbers = #tpu.dot_dimension_numbers<[1], [0], [0], [1], [0, 0, 1, 1], [], []>, transpose_lhs_hint = false} : vector<128x128xf32>, vector<128x128xf32>, vector<128x128xf32> -> vector<128x128xf32>
    %add3A_631 = vector.broadcast %get3A_27 : vector<1x128xf32> to vector<128x128xf32>
    %add3A_632 = arith.addf %dot_general3A_630, %add3A_631 : vector<128x128xf32>
    %logistic3A_633 = arith.negf %add3A_632 : vector<128x128xf32>
    %logistic3A_634 = math.exp %logistic3A_633 : vector<128x128xf32>
    %logistic3A_635 = arith.constant 1.000000e+00 : f32
    %logistic3A_636 = vector.broadcast %logistic3A_635 : f32 to vector<128x128xf32>
    %logistic3A_637 = arith.addf %logistic3A_636, %logistic3A_634 : vector<128x128xf32>
    %logistic3A_638 = arith.divf %logistic3A_636, %logistic3A_637 : vector<128x128xf32>
    %mul3A_639 = arith.mulf %slice3A_578, %logistic3A_638 : vector<128x128xf32>
    %add3A_640 = arith.addf %add3A_572, %mul3A_639 : vector<128x128xf32>
    %get3A_641 = arith.constant 0 : index
    %get3A_642 = arith.constant 0 : index
    %get3A_643 = arith.constant 0 : index
    %get3A_644 = vector.load %arg2[%get3A_641, %get3A_642, %get3A_643] : memref<1x128x2048xf32, #tpu.memory_space<vmem>>, vector<1x128x2048xf32>
    %get3A_645 = vector.shape_cast %get3A_644 : vector<1x128x2048xf32> to vector<128x2048xf32>
    %slice3A_646 = vector.extract_strided_slice %get3A_645 {offsets = [0, 1152], sizes = [128, 128], strides = [1, 1]} : vector<128x2048xf32> to vector<128x128xf32>
    %reduce_sum3A_647 = arith.constant dense<0.000000e+00> : vector<128xf32>
    %reduce_sum3A_648 = vector.multi_reduction <add>, %slice3A_646, %reduce_sum3A_647 [1] : vector<128x128xf32> to vector<128xf32>
    %broadcast_in_dim3A_649 = vector.shape_cast %reduce_sum3A_648 : vector<128xf32> to vector<128x1xf32>
    %mul3A_650 = arith.mulf %slice3A_646, %slice3A_646 : vector<128x128xf32>
    %reduce_sum3A_651 = arith.constant dense<0.000000e+00> : vector<128xf32>
    %reduce_sum3A_652 = vector.multi_reduction <add>, %mul3A_650, %reduce_sum3A_651 [1] : vector<128x128xf32> to vector<128xf32>
    %broadcast_in_dim3A_653 = vector.shape_cast %reduce_sum3A_652 : vector<128xf32> to vector<128x1xf32>
    %add3A_654 = arith.addf %broadcast_in_dim3A, %broadcast_in_dim3A_649 : vector<128x1xf32>
    %div3A_655 = arith.constant 2.560000e+02 : f32
    %div3A_656 = vector.broadcast %div3A_655 : f32 to vector<128x1xf32>
    %div3A_657 = arith.divf %add3A_654, %div3A_656 : vector<128x1xf32>
    %add3A_658 = arith.addf %broadcast_in_dim3A_34, %broadcast_in_dim3A_653 : vector<128x1xf32>
    %div3A_659 = arith.constant 2.560000e+02 : f32
    %div3A_660 = vector.broadcast %div3A_659 : f32 to vector<128x1xf32>
    %div3A_661 = arith.divf %add3A_658, %div3A_660 : vector<128x1xf32>
    %mul3A_662 = arith.mulf %div3A_657, %div3A_657 : vector<128x1xf32>
    %sub3A_663 = arith.subf %div3A_661, %mul3A_662 : vector<128x1xf32>
    %add3A_664 = arith.constant 9.99999974E-6 : f32
    %add3A_665 = vector.broadcast %add3A_664 : f32 to vector<128x1xf32>
    %add3A_666 = arith.addf %sub3A_663, %add3A_665 : vector<128x1xf32>
    %rsqrt3A_667 = math.rsqrt %add3A_666 : vector<128x1xf32>
    %sub3A_668 = vector.broadcast %div3A_657 : vector<128x1xf32> to vector<128x128xf32>
    %sub3A_669 = arith.subf %get3A_3, %sub3A_668 : vector<128x128xf32>
    %mul3A_670 = vector.broadcast %rsqrt3A_667 : vector<128x1xf32> to vector<128x128xf32>
    %mul3A_671 = arith.mulf %sub3A_669, %mul3A_670 : vector<128x128xf32>
    %mul3A_672 = vector.broadcast %get3A_6 : vector<1x128xf32> to vector<128x128xf32>
    %mul3A_673 = arith.mulf %mul3A_671, %mul3A_672 : vector<128x128xf32>
    %add3A_674 = vector.broadcast %get3A_12 : vector<1x128xf32> to vector<128x128xf32>
    %add3A_675 = arith.addf %mul3A_673, %add3A_674 : vector<128x128xf32>
    %sub3A_676 = vector.broadcast %div3A_657 : vector<128x1xf32> to vector<128x128xf32>
    %sub3A_677 = arith.subf %slice3A_646, %sub3A_676 : vector<128x128xf32>
    %mul3A_678 = vector.broadcast %rsqrt3A_667 : vector<128x1xf32> to vector<128x128xf32>
    %mul3A_679 = arith.mulf %sub3A_677, %mul3A_678 : vector<128x128xf32>
    %mul3A_680 = vector.broadcast %get3A_9 : vector<1x128xf32> to vector<128x128xf32>
    %mul3A_681 = arith.mulf %mul3A_679, %mul3A_680 : vector<128x128xf32>
    %add3A_682 = vector.broadcast %get3A_15 : vector<1x128xf32> to vector<128x128xf32>
    %add3A_683 = arith.addf %mul3A_681, %add3A_682 : vector<128x128xf32>
    %dot_general3A_684 = arith.constant dense<0.000000e+00> : vector<128x128xf32>
    %dot_general3A_685 = tpu.matmul %add3A_675, %get3A_18, %dot_general3A_684 {dimension_numbers = #tpu.dot_dimension_numbers<[1], [0], [0], [1], [0, 0, 1, 1], [], []>, transpose_lhs_hint = false} : vector<128x128xf32>, vector<128x128xf32>, vector<128x128xf32> -> vector<128x128xf32>
    %dot_general3A_686 = arith.constant dense<0.000000e+00> : vector<128x128xf32>
    %dot_general3A_687 = tpu.matmul %add3A_683, %get3A_21, %dot_general3A_686 {dimension_numbers = #tpu.dot_dimension_numbers<[1], [0], [0], [1], [0, 0, 1, 1], [], []>, transpose_lhs_hint = false} : vector<128x128xf32>, vector<128x128xf32>, vector<128x128xf32> -> vector<128x128xf32>
    %add3A_688 = arith.addf %dot_general3A_685, %dot_general3A_687 : vector<128x128xf32>
    %add3A_689 = vector.broadcast %get3A_24 : vector<1x128xf32> to vector<128x128xf32>
    %add3A_690 = arith.addf %add3A_688, %add3A_689 : vector<128x128xf32>
    %max3A_691 = arith.constant 0.000000e+00 : f32
    %max3A_692 = vector.broadcast %max3A_691 : f32 to vector<128x128xf32>
    %max3A_693 = arith.maximumf %add3A_690, %max3A_692 : vector<128x128xf32>
    %get3A_694 = arith.constant 0 : index
    %get3A_695 = arith.constant 0 : index
    %get3A_696 = vector.load %arg8[%get3A_694, %get3A_695] : memref<128x128xf32, #tpu.memory_space<vmem>>, vector<128x128xf32>
    %dot_general3A_697 = arith.constant dense<0.000000e+00> : vector<128x128xf32>
    %dot_general3A_698 = tpu.matmul %max3A_693, %get3A_696, %dot_general3A_697 {dimension_numbers = #tpu.dot_dimension_numbers<[1], [0], [0], [1], [0, 0, 1, 1], [], []>, transpose_lhs_hint = false} : vector<128x128xf32>, vector<128x128xf32>, vector<128x128xf32> -> vector<128x128xf32>
    %add3A_699 = vector.broadcast %get3A_27 : vector<1x128xf32> to vector<128x128xf32>
    %add3A_700 = arith.addf %dot_general3A_698, %add3A_699 : vector<128x128xf32>
    %logistic3A_701 = arith.negf %add3A_700 : vector<128x128xf32>
    %logistic3A_702 = math.exp %logistic3A_701 : vector<128x128xf32>
    %logistic3A_703 = arith.constant 1.000000e+00 : f32
    %logistic3A_704 = vector.broadcast %logistic3A_703 : f32 to vector<128x128xf32>
    %logistic3A_705 = arith.addf %logistic3A_704, %logistic3A_702 : vector<128x128xf32>
    %logistic3A_706 = arith.divf %logistic3A_704, %logistic3A_705 : vector<128x128xf32>
    %mul3A_707 = arith.mulf %slice3A_646, %logistic3A_706 : vector<128x128xf32>
    %add3A_708 = arith.addf %add3A_640, %mul3A_707 : vector<128x128xf32>
    %get3A_709 = arith.constant 0 : index
    %get3A_710 = arith.constant 0 : index
    %get3A_711 = arith.constant 0 : index
    %get3A_712 = vector.load %arg2[%get3A_709, %get3A_710, %get3A_711] : memref<1x128x2048xf32, #tpu.memory_space<vmem>>, vector<1x128x2048xf32>
    %get3A_713 = vector.shape_cast %get3A_712 : vector<1x128x2048xf32> to vector<128x2048xf32>
    %slice3A_714 = vector.extract_strided_slice %get3A_713 {offsets = [0, 1280], sizes = [128, 128], strides = [1, 1]} : vector<128x2048xf32> to vector<128x128xf32>
    %reduce_sum3A_715 = arith.constant dense<0.000000e+00> : vector<128xf32>
    %reduce_sum3A_716 = vector.multi_reduction <add>, %slice3A_714, %reduce_sum3A_715 [1] : vector<128x128xf32> to vector<128xf32>
    %broadcast_in_dim3A_717 = vector.shape_cast %reduce_sum3A_716 : vector<128xf32> to vector<128x1xf32>
    %mul3A_718 = arith.mulf %slice3A_714, %slice3A_714 : vector<128x128xf32>
    %reduce_sum3A_719 = arith.constant dense<0.000000e+00> : vector<128xf32>
    %reduce_sum3A_720 = vector.multi_reduction <add>, %mul3A_718, %reduce_sum3A_719 [1] : vector<128x128xf32> to vector<128xf32>
    %broadcast_in_dim3A_721 = vector.shape_cast %reduce_sum3A_720 : vector<128xf32> to vector<128x1xf32>
    %add3A_722 = arith.addf %broadcast_in_dim3A, %broadcast_in_dim3A_717 : vector<128x1xf32>
    %div3A_723 = arith.constant 2.560000e+02 : f32
    %div3A_724 = vector.broadcast %div3A_723 : f32 to vector<128x1xf32>
    %div3A_725 = arith.divf %add3A_722, %div3A_724 : vector<128x1xf32>
    %add3A_726 = arith.addf %broadcast_in_dim3A_34, %broadcast_in_dim3A_721 : vector<128x1xf32>
    %div3A_727 = arith.constant 2.560000e+02 : f32
    %div3A_728 = vector.broadcast %div3A_727 : f32 to vector<128x1xf32>
    %div3A_729 = arith.divf %add3A_726, %div3A_728 : vector<128x1xf32>
    %mul3A_730 = arith.mulf %div3A_725, %div3A_725 : vector<128x1xf32>
    %sub3A_731 = arith.subf %div3A_729, %mul3A_730 : vector<128x1xf32>
    %add3A_732 = arith.constant 9.99999974E-6 : f32
    %add3A_733 = vector.broadcast %add3A_732 : f32 to vector<128x1xf32>
    %add3A_734 = arith.addf %sub3A_731, %add3A_733 : vector<128x1xf32>
    %rsqrt3A_735 = math.rsqrt %add3A_734 : vector<128x1xf32>
    %sub3A_736 = vector.broadcast %div3A_725 : vector<128x1xf32> to vector<128x128xf32>
    %sub3A_737 = arith.subf %get3A_3, %sub3A_736 : vector<128x128xf32>
    %mul3A_738 = vector.broadcast %rsqrt3A_735 : vector<128x1xf32> to vector<128x128xf32>
    %mul3A_739 = arith.mulf %sub3A_737, %mul3A_738 : vector<128x128xf32>
    %mul3A_740 = vector.broadcast %get3A_6 : vector<1x128xf32> to vector<128x128xf32>
    %mul3A_741 = arith.mulf %mul3A_739, %mul3A_740 : vector<128x128xf32>
    %add3A_742 = vector.broadcast %get3A_12 : vector<1x128xf32> to vector<128x128xf32>
    %add3A_743 = arith.addf %mul3A_741, %add3A_742 : vector<128x128xf32>
    %sub3A_744 = vector.broadcast %div3A_725 : vector<128x1xf32> to vector<128x128xf32>
    %sub3A_745 = arith.subf %slice3A_714, %sub3A_744 : vector<128x128xf32>
    %mul3A_746 = vector.broadcast %rsqrt3A_735 : vector<128x1xf32> to vector<128x128xf32>
    %mul3A_747 = arith.mulf %sub3A_745, %mul3A_746 : vector<128x128xf32>
    %mul3A_748 = vector.broadcast %get3A_9 : vector<1x128xf32> to vector<128x128xf32>
    %mul3A_749 = arith.mulf %mul3A_747, %mul3A_748 : vector<128x128xf32>
    %add3A_750 = vector.broadcast %get3A_15 : vector<1x128xf32> to vector<128x128xf32>
    %add3A_751 = arith.addf %mul3A_749, %add3A_750 : vector<128x128xf32>
    %dot_general3A_752 = arith.constant dense<0.000000e+00> : vector<128x128xf32>
    %dot_general3A_753 = tpu.matmul %add3A_743, %get3A_18, %dot_general3A_752 {dimension_numbers = #tpu.dot_dimension_numbers<[1], [0], [0], [1], [0, 0, 1, 1], [], []>, transpose_lhs_hint = false} : vector<128x128xf32>, vector<128x128xf32>, vector<128x128xf32> -> vector<128x128xf32>
    %dot_general3A_754 = arith.constant dense<0.000000e+00> : vector<128x128xf32>
    %dot_general3A_755 = tpu.matmul %add3A_751, %get3A_21, %dot_general3A_754 {dimension_numbers = #tpu.dot_dimension_numbers<[1], [0], [0], [1], [0, 0, 1, 1], [], []>, transpose_lhs_hint = false} : vector<128x128xf32>, vector<128x128xf32>, vector<128x128xf32> -> vector<128x128xf32>
    %add3A_756 = arith.addf %dot_general3A_753, %dot_general3A_755 : vector<128x128xf32>
    %add3A_757 = vector.broadcast %get3A_24 : vector<1x128xf32> to vector<128x128xf32>
    %add3A_758 = arith.addf %add3A_756, %add3A_757 : vector<128x128xf32>
    %max3A_759 = arith.constant 0.000000e+00 : f32
    %max3A_760 = vector.broadcast %max3A_759 : f32 to vector<128x128xf32>
    %max3A_761 = arith.maximumf %add3A_758, %max3A_760 : vector<128x128xf32>
    %get3A_762 = arith.constant 0 : index
    %get3A_763 = arith.constant 0 : index
    %get3A_764 = vector.load %arg8[%get3A_762, %get3A_763] : memref<128x128xf32, #tpu.memory_space<vmem>>, vector<128x128xf32>
    %dot_general3A_765 = arith.constant dense<0.000000e+00> : vector<128x128xf32>
    %dot_general3A_766 = tpu.matmul %max3A_761, %get3A_764, %dot_general3A_765 {dimension_numbers = #tpu.dot_dimension_numbers<[1], [0], [0], [1], [0, 0, 1, 1], [], []>, transpose_lhs_hint = false} : vector<128x128xf32>, vector<128x128xf32>, vector<128x128xf32> -> vector<128x128xf32>
    %add3A_767 = vector.broadcast %get3A_27 : vector<1x128xf32> to vector<128x128xf32>
    %add3A_768 = arith.addf %dot_general3A_766, %add3A_767 : vector<128x128xf32>
    %logistic3A_769 = arith.negf %add3A_768 : vector<128x128xf32>
    %logistic3A_770 = math.exp %logistic3A_769 : vector<128x128xf32>
    %logistic3A_771 = arith.constant 1.000000e+00 : f32
    %logistic3A_772 = vector.broadcast %logistic3A_771 : f32 to vector<128x128xf32>
    %logistic3A_773 = arith.addf %logistic3A_772, %logistic3A_770 : vector<128x128xf32>
    %logistic3A_774 = arith.divf %logistic3A_772, %logistic3A_773 : vector<128x128xf32>
    %mul3A_775 = arith.mulf %slice3A_714, %logistic3A_774 : vector<128x128xf32>
    %add3A_776 = arith.addf %add3A_708, %mul3A_775 : vector<128x128xf32>
    %get3A_777 = arith.constant 0 : index
    %get3A_778 = arith.constant 0 : index
    %get3A_779 = arith.constant 0 : index
    %get3A_780 = vector.load %arg2[%get3A_777, %get3A_778, %get3A_779] : memref<1x128x2048xf32, #tpu.memory_space<vmem>>, vector<1x128x2048xf32>
    %get3A_781 = vector.shape_cast %get3A_780 : vector<1x128x2048xf32> to vector<128x2048xf32>
    %slice3A_782 = vector.extract_strided_slice %get3A_781 {offsets = [0, 1408], sizes = [128, 128], strides = [1, 1]} : vector<128x2048xf32> to vector<128x128xf32>
    %reduce_sum3A_783 = arith.constant dense<0.000000e+00> : vector<128xf32>
    %reduce_sum3A_784 = vector.multi_reduction <add>, %slice3A_782, %reduce_sum3A_783 [1] : vector<128x128xf32> to vector<128xf32>
    %broadcast_in_dim3A_785 = vector.shape_cast %reduce_sum3A_784 : vector<128xf32> to vector<128x1xf32>
    %mul3A_786 = arith.mulf %slice3A_782, %slice3A_782 : vector<128x128xf32>
    %reduce_sum3A_787 = arith.constant dense<0.000000e+00> : vector<128xf32>
    %reduce_sum3A_788 = vector.multi_reduction <add>, %mul3A_786, %reduce_sum3A_787 [1] : vector<128x128xf32> to vector<128xf32>
    %broadcast_in_dim3A_789 = vector.shape_cast %reduce_sum3A_788 : vector<128xf32> to vector<128x1xf32>
    %add3A_790 = arith.addf %broadcast_in_dim3A, %broadcast_in_dim3A_785 : vector<128x1xf32>
    %div3A_791 = arith.constant 2.560000e+02 : f32
    %div3A_792 = vector.broadcast %div3A_791 : f32 to vector<128x1xf32>
    %div3A_793 = arith.divf %add3A_790, %div3A_792 : vector<128x1xf32>
    %add3A_794 = arith.addf %broadcast_in_dim3A_34, %broadcast_in_dim3A_789 : vector<128x1xf32>
    %div3A_795 = arith.constant 2.560000e+02 : f32
    %div3A_796 = vector.broadcast %div3A_795 : f32 to vector<128x1xf32>
    %div3A_797 = arith.divf %add3A_794, %div3A_796 : vector<128x1xf32>
    %mul3A_798 = arith.mulf %div3A_793, %div3A_793 : vector<128x1xf32>
    %sub3A_799 = arith.subf %div3A_797, %mul3A_798 : vector<128x1xf32>
    %add3A_800 = arith.constant 9.99999974E-6 : f32
    %add3A_801 = vector.broadcast %add3A_800 : f32 to vector<128x1xf32>
    %add3A_802 = arith.addf %sub3A_799, %add3A_801 : vector<128x1xf32>
    %rsqrt3A_803 = math.rsqrt %add3A_802 : vector<128x1xf32>
    %sub3A_804 = vector.broadcast %div3A_793 : vector<128x1xf32> to vector<128x128xf32>
    %sub3A_805 = arith.subf %get3A_3, %sub3A_804 : vector<128x128xf32>
    %mul3A_806 = vector.broadcast %rsqrt3A_803 : vector<128x1xf32> to vector<128x128xf32>
    %mul3A_807 = arith.mulf %sub3A_805, %mul3A_806 : vector<128x128xf32>
    %mul3A_808 = vector.broadcast %get3A_6 : vector<1x128xf32> to vector<128x128xf32>
    %mul3A_809 = arith.mulf %mul3A_807, %mul3A_808 : vector<128x128xf32>
    %add3A_810 = vector.broadcast %get3A_12 : vector<1x128xf32> to vector<128x128xf32>
    %add3A_811 = arith.addf %mul3A_809, %add3A_810 : vector<128x128xf32>
    %sub3A_812 = vector.broadcast %div3A_793 : vector<128x1xf32> to vector<128x128xf32>
    %sub3A_813 = arith.subf %slice3A_782, %sub3A_812 : vector<128x128xf32>
    %mul3A_814 = vector.broadcast %rsqrt3A_803 : vector<128x1xf32> to vector<128x128xf32>
    %mul3A_815 = arith.mulf %sub3A_813, %mul3A_814 : vector<128x128xf32>
    %mul3A_816 = vector.broadcast %get3A_9 : vector<1x128xf32> to vector<128x128xf32>
    %mul3A_817 = arith.mulf %mul3A_815, %mul3A_816 : vector<128x128xf32>
    %add3A_818 = vector.broadcast %get3A_15 : vector<1x128xf32> to vector<128x128xf32>
    %add3A_819 = arith.addf %mul3A_817, %add3A_818 : vector<128x128xf32>
    %dot_general3A_820 = arith.constant dense<0.000000e+00> : vector<128x128xf32>
    %dot_general3A_821 = tpu.matmul %add3A_811, %get3A_18, %dot_general3A_820 {dimension_numbers = #tpu.dot_dimension_numbers<[1], [0], [0], [1], [0, 0, 1, 1], [], []>, transpose_lhs_hint = false} : vector<128x128xf32>, vector<128x128xf32>, vector<128x128xf32> -> vector<128x128xf32>
    %dot_general3A_822 = arith.constant dense<0.000000e+00> : vector<128x128xf32>
    %dot_general3A_823 = tpu.matmul %add3A_819, %get3A_21, %dot_general3A_822 {dimension_numbers = #tpu.dot_dimension_numbers<[1], [0], [0], [1], [0, 0, 1, 1], [], []>, transpose_lhs_hint = false} : vector<128x128xf32>, vector<128x128xf32>, vector<128x128xf32> -> vector<128x128xf32>
    %add3A_824 = arith.addf %dot_general3A_821, %dot_general3A_823 : vector<128x128xf32>
    %add3A_825 = vector.broadcast %get3A_24 : vector<1x128xf32> to vector<128x128xf32>
    %add3A_826 = arith.addf %add3A_824, %add3A_825 : vector<128x128xf32>
    %max3A_827 = arith.constant 0.000000e+00 : f32
    %max3A_828 = vector.broadcast %max3A_827 : f32 to vector<128x128xf32>
    %max3A_829 = arith.maximumf %add3A_826, %max3A_828 : vector<128x128xf32>
    %get3A_830 = arith.constant 0 : index
    %get3A_831 = arith.constant 0 : index
    %get3A_832 = vector.load %arg8[%get3A_830, %get3A_831] : memref<128x128xf32, #tpu.memory_space<vmem>>, vector<128x128xf32>
    %dot_general3A_833 = arith.constant dense<0.000000e+00> : vector<128x128xf32>
    %dot_general3A_834 = tpu.matmul %max3A_829, %get3A_832, %dot_general3A_833 {dimension_numbers = #tpu.dot_dimension_numbers<[1], [0], [0], [1], [0, 0, 1, 1], [], []>, transpose_lhs_hint = false} : vector<128x128xf32>, vector<128x128xf32>, vector<128x128xf32> -> vector<128x128xf32>
    %add3A_835 = vector.broadcast %get3A_27 : vector<1x128xf32> to vector<128x128xf32>
    %add3A_836 = arith.addf %dot_general3A_834, %add3A_835 : vector<128x128xf32>
    %logistic3A_837 = arith.negf %add3A_836 : vector<128x128xf32>
    %logistic3A_838 = math.exp %logistic3A_837 : vector<128x128xf32>
    %logistic3A_839 = arith.constant 1.000000e+00 : f32
    %logistic3A_840 = vector.broadcast %logistic3A_839 : f32 to vector<128x128xf32>
    %logistic3A_841 = arith.addf %logistic3A_840, %logistic3A_838 : vector<128x128xf32>
    %logistic3A_842 = arith.divf %logistic3A_840, %logistic3A_841 : vector<128x128xf32>
    %mul3A_843 = arith.mulf %slice3A_782, %logistic3A_842 : vector<128x128xf32>
    %add3A_844 = arith.addf %add3A_776, %mul3A_843 : vector<128x128xf32>
    %get3A_845 = arith.constant 0 : index
    %get3A_846 = arith.constant 0 : index
    %get3A_847 = arith.constant 0 : index
    %get3A_848 = vector.load %arg2[%get3A_845, %get3A_846, %get3A_847] : memref<1x128x2048xf32, #tpu.memory_space<vmem>>, vector<1x128x2048xf32>
    %get3A_849 = vector.shape_cast %get3A_848 : vector<1x128x2048xf32> to vector<128x2048xf32>
    %slice3A_850 = vector.extract_strided_slice %get3A_849 {offsets = [0, 1536], sizes = [128, 128], strides = [1, 1]} : vector<128x2048xf32> to vector<128x128xf32>
    %reduce_sum3A_851 = arith.constant dense<0.000000e+00> : vector<128xf32>
    %reduce_sum3A_852 = vector.multi_reduction <add>, %slice3A_850, %reduce_sum3A_851 [1] : vector<128x128xf32> to vector<128xf32>
    %broadcast_in_dim3A_853 = vector.shape_cast %reduce_sum3A_852 : vector<128xf32> to vector<128x1xf32>
    %mul3A_854 = arith.mulf %slice3A_850, %slice3A_850 : vector<128x128xf32>
    %reduce_sum3A_855 = arith.constant dense<0.000000e+00> : vector<128xf32>
    %reduce_sum3A_856 = vector.multi_reduction <add>, %mul3A_854, %reduce_sum3A_855 [1] : vector<128x128xf32> to vector<128xf32>
    %broadcast_in_dim3A_857 = vector.shape_cast %reduce_sum3A_856 : vector<128xf32> to vector<128x1xf32>
    %add3A_858 = arith.addf %broadcast_in_dim3A, %broadcast_in_dim3A_853 : vector<128x1xf32>
    %div3A_859 = arith.constant 2.560000e+02 : f32
    %div3A_860 = vector.broadcast %div3A_859 : f32 to vector<128x1xf32>
    %div3A_861 = arith.divf %add3A_858, %div3A_860 : vector<128x1xf32>
    %add3A_862 = arith.addf %broadcast_in_dim3A_34, %broadcast_in_dim3A_857 : vector<128x1xf32>
    %div3A_863 = arith.constant 2.560000e+02 : f32
    %div3A_864 = vector.broadcast %div3A_863 : f32 to vector<128x1xf32>
    %div3A_865 = arith.divf %add3A_862, %div3A_864 : vector<128x1xf32>
    %mul3A_866 = arith.mulf %div3A_861, %div3A_861 : vector<128x1xf32>
    %sub3A_867 = arith.subf %div3A_865, %mul3A_866 : vector<128x1xf32>
    %add3A_868 = arith.constant 9.99999974E-6 : f32
    %add3A_869 = vector.broadcast %add3A_868 : f32 to vector<128x1xf32>
    %add3A_870 = arith.addf %sub3A_867, %add3A_869 : vector<128x1xf32>
    %rsqrt3A_871 = math.rsqrt %add3A_870 : vector<128x1xf32>
    %sub3A_872 = vector.broadcast %div3A_861 : vector<128x1xf32> to vector<128x128xf32>
    %sub3A_873 = arith.subf %get3A_3, %sub3A_872 : vector<128x128xf32>
    %mul3A_874 = vector.broadcast %rsqrt3A_871 : vector<128x1xf32> to vector<128x128xf32>
    %mul3A_875 = arith.mulf %sub3A_873, %mul3A_874 : vector<128x128xf32>
    %mul3A_876 = vector.broadcast %get3A_6 : vector<1x128xf32> to vector<128x128xf32>
    %mul3A_877 = arith.mulf %mul3A_875, %mul3A_876 : vector<128x128xf32>
    %add3A_878 = vector.broadcast %get3A_12 : vector<1x128xf32> to vector<128x128xf32>
    %add3A_879 = arith.addf %mul3A_877, %add3A_878 : vector<128x128xf32>
    %sub3A_880 = vector.broadcast %div3A_861 : vector<128x1xf32> to vector<128x128xf32>
    %sub3A_881 = arith.subf %slice3A_850, %sub3A_880 : vector<128x128xf32>
    %mul3A_882 = vector.broadcast %rsqrt3A_871 : vector<128x1xf32> to vector<128x128xf32>
    %mul3A_883 = arith.mulf %sub3A_881, %mul3A_882 : vector<128x128xf32>
    %mul3A_884 = vector.broadcast %get3A_9 : vector<1x128xf32> to vector<128x128xf32>
    %mul3A_885 = arith.mulf %mul3A_883, %mul3A_884 : vector<128x128xf32>
    %add3A_886 = vector.broadcast %get3A_15 : vector<1x128xf32> to vector<128x128xf32>
    %add3A_887 = arith.addf %mul3A_885, %add3A_886 : vector<128x128xf32>
    %dot_general3A_888 = arith.constant dense<0.000000e+00> : vector<128x128xf32>
    %dot_general3A_889 = tpu.matmul %add3A_879, %get3A_18, %dot_general3A_888 {dimension_numbers = #tpu.dot_dimension_numbers<[1], [0], [0], [1], [0, 0, 1, 1], [], []>, transpose_lhs_hint = false} : vector<128x128xf32>, vector<128x128xf32>, vector<128x128xf32> -> vector<128x128xf32>
    %dot_general3A_890 = arith.constant dense<0.000000e+00> : vector<128x128xf32>
    %dot_general3A_891 = tpu.matmul %add3A_887, %get3A_21, %dot_general3A_890 {dimension_numbers = #tpu.dot_dimension_numbers<[1], [0], [0], [1], [0, 0, 1, 1], [], []>, transpose_lhs_hint = false} : vector<128x128xf32>, vector<128x128xf32>, vector<128x128xf32> -> vector<128x128xf32>
    %add3A_892 = arith.addf %dot_general3A_889, %dot_general3A_891 : vector<128x128xf32>
    %add3A_893 = vector.broadcast %get3A_24 : vector<1x128xf32> to vector<128x128xf32>
    %add3A_894 = arith.addf %add3A_892, %add3A_893 : vector<128x128xf32>
    %max3A_895 = arith.constant 0.000000e+00 : f32
    %max3A_896 = vector.broadcast %max3A_895 : f32 to vector<128x128xf32>
    %max3A_897 = arith.maximumf %add3A_894, %max3A_896 : vector<128x128xf32>
    %get3A_898 = arith.constant 0 : index
    %get3A_899 = arith.constant 0 : index
    %get3A_900 = vector.load %arg8[%get3A_898, %get3A_899] : memref<128x128xf32, #tpu.memory_space<vmem>>, vector<128x128xf32>
    %dot_general3A_901 = arith.constant dense<0.000000e+00> : vector<128x128xf32>
    %dot_general3A_902 = tpu.matmul %max3A_897, %get3A_900, %dot_general3A_901 {dimension_numbers = #tpu.dot_dimension_numbers<[1], [0], [0], [1], [0, 0, 1, 1], [], []>, transpose_lhs_hint = false} : vector<128x128xf32>, vector<128x128xf32>, vector<128x128xf32> -> vector<128x128xf32>
    %add3A_903 = vector.broadcast %get3A_27 : vector<1x128xf32> to vector<128x128xf32>
    %add3A_904 = arith.addf %dot_general3A_902, %add3A_903 : vector<128x128xf32>
    %logistic3A_905 = arith.negf %add3A_904 : vector<128x128xf32>
    %logistic3A_906 = math.exp %logistic3A_905 : vector<128x128xf32>
    %logistic3A_907 = arith.constant 1.000000e+00 : f32
    %logistic3A_908 = vector.broadcast %logistic3A_907 : f32 to vector<128x128xf32>
    %logistic3A_909 = arith.addf %logistic3A_908, %logistic3A_906 : vector<128x128xf32>
    %logistic3A_910 = arith.divf %logistic3A_908, %logistic3A_909 : vector<128x128xf32>
    %mul3A_911 = arith.mulf %slice3A_850, %logistic3A_910 : vector<128x128xf32>
    %add3A_912 = arith.addf %add3A_844, %mul3A_911 : vector<128x128xf32>
    %get3A_913 = arith.constant 0 : index
    %get3A_914 = arith.constant 0 : index
    %get3A_915 = arith.constant 0 : index
    %get3A_916 = vector.load %arg2[%get3A_913, %get3A_914, %get3A_915] : memref<1x128x2048xf32, #tpu.memory_space<vmem>>, vector<1x128x2048xf32>
    %get3A_917 = vector.shape_cast %get3A_916 : vector<1x128x2048xf32> to vector<128x2048xf32>
    %slice3A_918 = vector.extract_strided_slice %get3A_917 {offsets = [0, 1664], sizes = [128, 128], strides = [1, 1]} : vector<128x2048xf32> to vector<128x128xf32>
    %reduce_sum3A_919 = arith.constant dense<0.000000e+00> : vector<128xf32>
    %reduce_sum3A_920 = vector.multi_reduction <add>, %slice3A_918, %reduce_sum3A_919 [1] : vector<128x128xf32> to vector<128xf32>
    %broadcast_in_dim3A_921 = vector.shape_cast %reduce_sum3A_920 : vector<128xf32> to vector<128x1xf32>
    %mul3A_922 = arith.mulf %slice3A_918, %slice3A_918 : vector<128x128xf32>
    %reduce_sum3A_923 = arith.constant dense<0.000000e+00> : vector<128xf32>
    %reduce_sum3A_924 = vector.multi_reduction <add>, %mul3A_922, %reduce_sum3A_923 [1] : vector<128x128xf32> to vector<128xf32>
    %broadcast_in_dim3A_925 = vector.shape_cast %reduce_sum3A_924 : vector<128xf32> to vector<128x1xf32>
    %add3A_926 = arith.addf %broadcast_in_dim3A, %broadcast_in_dim3A_921 : vector<128x1xf32>
    %div3A_927 = arith.constant 2.560000e+02 : f32
    %div3A_928 = vector.broadcast %div3A_927 : f32 to vector<128x1xf32>
    %div3A_929 = arith.divf %add3A_926, %div3A_928 : vector<128x1xf32>
    %add3A_930 = arith.addf %broadcast_in_dim3A_34, %broadcast_in_dim3A_925 : vector<128x1xf32>
    %div3A_931 = arith.constant 2.560000e+02 : f32
    %div3A_932 = vector.broadcast %div3A_931 : f32 to vector<128x1xf32>
    %div3A_933 = arith.divf %add3A_930, %div3A_932 : vector<128x1xf32>
    %mul3A_934 = arith.mulf %div3A_929, %div3A_929 : vector<128x1xf32>
    %sub3A_935 = arith.subf %div3A_933, %mul3A_934 : vector<128x1xf32>
    %add3A_936 = arith.constant 9.99999974E-6 : f32
    %add3A_937 = vector.broadcast %add3A_936 : f32 to vector<128x1xf32>
    %add3A_938 = arith.addf %sub3A_935, %add3A_937 : vector<128x1xf32>
    %rsqrt3A_939 = math.rsqrt %add3A_938 : vector<128x1xf32>
    %sub3A_940 = vector.broadcast %div3A_929 : vector<128x1xf32> to vector<128x128xf32>
    %sub3A_941 = arith.subf %get3A_3, %sub3A_940 : vector<128x128xf32>
    %mul3A_942 = vector.broadcast %rsqrt3A_939 : vector<128x1xf32> to vector<128x128xf32>
    %mul3A_943 = arith.mulf %sub3A_941, %mul3A_942 : vector<128x128xf32>
    %mul3A_944 = vector.broadcast %get3A_6 : vector<1x128xf32> to vector<128x128xf32>
    %mul3A_945 = arith.mulf %mul3A_943, %mul3A_944 : vector<128x128xf32>
    %add3A_946 = vector.broadcast %get3A_12 : vector<1x128xf32> to vector<128x128xf32>
    %add3A_947 = arith.addf %mul3A_945, %add3A_946 : vector<128x128xf32>
    %sub3A_948 = vector.broadcast %div3A_929 : vector<128x1xf32> to vector<128x128xf32>
    %sub3A_949 = arith.subf %slice3A_918, %sub3A_948 : vector<128x128xf32>
    %mul3A_950 = vector.broadcast %rsqrt3A_939 : vector<128x1xf32> to vector<128x128xf32>
    %mul3A_951 = arith.mulf %sub3A_949, %mul3A_950 : vector<128x128xf32>
    %mul3A_952 = vector.broadcast %get3A_9 : vector<1x128xf32> to vector<128x128xf32>
    %mul3A_953 = arith.mulf %mul3A_951, %mul3A_952 : vector<128x128xf32>
    %add3A_954 = vector.broadcast %get3A_15 : vector<1x128xf32> to vector<128x128xf32>
    %add3A_955 = arith.addf %mul3A_953, %add3A_954 : vector<128x128xf32>
    %dot_general3A_956 = arith.constant dense<0.000000e+00> : vector<128x128xf32>
    %dot_general3A_957 = tpu.matmul %add3A_947, %get3A_18, %dot_general3A_956 {dimension_numbers = #tpu.dot_dimension_numbers<[1], [0], [0], [1], [0, 0, 1, 1], [], []>, transpose_lhs_hint = false} : vector<128x128xf32>, vector<128x128xf32>, vector<128x128xf32> -> vector<128x128xf32>
    %dot_general3A_958 = arith.constant dense<0.000000e+00> : vector<128x128xf32>
    %dot_general3A_959 = tpu.matmul %add3A_955, %get3A_21, %dot_general3A_958 {dimension_numbers = #tpu.dot_dimension_numbers<[1], [0], [0], [1], [0, 0, 1, 1], [], []>, transpose_lhs_hint = false} : vector<128x128xf32>, vector<128x128xf32>, vector<128x128xf32> -> vector<128x128xf32>
    %add3A_960 = arith.addf %dot_general3A_957, %dot_general3A_959 : vector<128x128xf32>
    %add3A_961 = vector.broadcast %get3A_24 : vector<1x128xf32> to vector<128x128xf32>
    %add3A_962 = arith.addf %add3A_960, %add3A_961 : vector<128x128xf32>
    %max3A_963 = arith.constant 0.000000e+00 : f32
    %max3A_964 = vector.broadcast %max3A_963 : f32 to vector<128x128xf32>
    %max3A_965 = arith.maximumf %add3A_962, %max3A_964 : vector<128x128xf32>
    %get3A_966 = arith.constant 0 : index
    %get3A_967 = arith.constant 0 : index
    %get3A_968 = vector.load %arg8[%get3A_966, %get3A_967] : memref<128x128xf32, #tpu.memory_space<vmem>>, vector<128x128xf32>
    %dot_general3A_969 = arith.constant dense<0.000000e+00> : vector<128x128xf32>
    %dot_general3A_970 = tpu.matmul %max3A_965, %get3A_968, %dot_general3A_969 {dimension_numbers = #tpu.dot_dimension_numbers<[1], [0], [0], [1], [0, 0, 1, 1], [], []>, transpose_lhs_hint = false} : vector<128x128xf32>, vector<128x128xf32>, vector<128x128xf32> -> vector<128x128xf32>
    %add3A_971 = vector.broadcast %get3A_27 : vector<1x128xf32> to vector<128x128xf32>
    %add3A_972 = arith.addf %dot_general3A_970, %add3A_971 : vector<128x128xf32>
    %logistic3A_973 = arith.negf %add3A_972 : vector<128x128xf32>
    %logistic3A_974 = math.exp %logistic3A_973 : vector<128x128xf32>
    %logistic3A_975 = arith.constant 1.000000e+00 : f32
    %logistic3A_976 = vector.broadcast %logistic3A_975 : f32 to vector<128x128xf32>
    %logistic3A_977 = arith.addf %logistic3A_976, %logistic3A_974 : vector<128x128xf32>
    %logistic3A_978 = arith.divf %logistic3A_976, %logistic3A_977 : vector<128x128xf32>
    %mul3A_979 = arith.mulf %slice3A_918, %logistic3A_978 : vector<128x128xf32>
    %add3A_980 = arith.addf %add3A_912, %mul3A_979 : vector<128x128xf32>
    %get3A_981 = arith.constant 0 : index
    %get3A_982 = arith.constant 0 : index
    %get3A_983 = arith.constant 0 : index
    %get3A_984 = vector.load %arg2[%get3A_981, %get3A_982, %get3A_983] : memref<1x128x2048xf32, #tpu.memory_space<vmem>>, vector<1x128x2048xf32>
    %get3A_985 = vector.shape_cast %get3A_984 : vector<1x128x2048xf32> to vector<128x2048xf32>
    %slice3A_986 = vector.extract_strided_slice %get3A_985 {offsets = [0, 1792], sizes = [128, 128], strides = [1, 1]} : vector<128x2048xf32> to vector<128x128xf32>
    %reduce_sum3A_987 = arith.constant dense<0.000000e+00> : vector<128xf32>
    %reduce_sum3A_988 = vector.multi_reduction <add>, %slice3A_986, %reduce_sum3A_987 [1] : vector<128x128xf32> to vector<128xf32>
    %broadcast_in_dim3A_989 = vector.shape_cast %reduce_sum3A_988 : vector<128xf32> to vector<128x1xf32>
    %mul3A_990 = arith.mulf %slice3A_986, %slice3A_986 : vector<128x128xf32>
    %reduce_sum3A_991 = arith.constant dense<0.000000e+00> : vector<128xf32>
    %reduce_sum3A_992 = vector.multi_reduction <add>, %mul3A_990, %reduce_sum3A_991 [1] : vector<128x128xf32> to vector<128xf32>
    %broadcast_in_dim3A_993 = vector.shape_cast %reduce_sum3A_992 : vector<128xf32> to vector<128x1xf32>
    %add3A_994 = arith.addf %broadcast_in_dim3A, %broadcast_in_dim3A_989 : vector<128x1xf32>
    %div3A_995 = arith.constant 2.560000e+02 : f32
    %div3A_996 = vector.broadcast %div3A_995 : f32 to vector<128x1xf32>
    %div3A_997 = arith.divf %add3A_994, %div3A_996 : vector<128x1xf32>
    %add3A_998 = arith.addf %broadcast_in_dim3A_34, %broadcast_in_dim3A_993 : vector<128x1xf32>
    %div3A_999 = arith.constant 2.560000e+02 : f32
    %div3A_1000 = vector.broadcast %div3A_999 : f32 to vector<128x1xf32>
    %div3A_1001 = arith.divf %add3A_998, %div3A_1000 : vector<128x1xf32>
    %mul3A_1002 = arith.mulf %div3A_997, %div3A_997 : vector<128x1xf32>
    %sub3A_1003 = arith.subf %div3A_1001, %mul3A_1002 : vector<128x1xf32>
    %add3A_1004 = arith.constant 9.99999974E-6 : f32
    %add3A_1005 = vector.broadcast %add3A_1004 : f32 to vector<128x1xf32>
    %add3A_1006 = arith.addf %sub3A_1003, %add3A_1005 : vector<128x1xf32>
    %rsqrt3A_1007 = math.rsqrt %add3A_1006 : vector<128x1xf32>
    %sub3A_1008 = vector.broadcast %div3A_997 : vector<128x1xf32> to vector<128x128xf32>
    %sub3A_1009 = arith.subf %get3A_3, %sub3A_1008 : vector<128x128xf32>
    %mul3A_1010 = vector.broadcast %rsqrt3A_1007 : vector<128x1xf32> to vector<128x128xf32>
    %mul3A_1011 = arith.mulf %sub3A_1009, %mul3A_1010 : vector<128x128xf32>
    %mul3A_1012 = vector.broadcast %get3A_6 : vector<1x128xf32> to vector<128x128xf32>
    %mul3A_1013 = arith.mulf %mul3A_1011, %mul3A_1012 : vector<128x128xf32>
    %add3A_1014 = vector.broadcast %get3A_12 : vector<1x128xf32> to vector<128x128xf32>
    %add3A_1015 = arith.addf %mul3A_1013, %add3A_1014 : vector<128x128xf32>
    %sub3A_1016 = vector.broadcast %div3A_997 : vector<128x1xf32> to vector<128x128xf32>
    %sub3A_1017 = arith.subf %slice3A_986, %sub3A_1016 : vector<128x128xf32>
    %mul3A_1018 = vector.broadcast %rsqrt3A_1007 : vector<128x1xf32> to vector<128x128xf32>
    %mul3A_1019 = arith.mulf %sub3A_1017, %mul3A_1018 : vector<128x128xf32>
    %mul3A_1020 = vector.broadcast %get3A_9 : vector<1x128xf32> to vector<128x128xf32>
    %mul3A_1021 = arith.mulf %mul3A_1019, %mul3A_1020 : vector<128x128xf32>
    %add3A_1022 = vector.broadcast %get3A_15 : vector<1x128xf32> to vector<128x128xf32>
    %add3A_1023 = arith.addf %mul3A_1021, %add3A_1022 : vector<128x128xf32>
    %dot_general3A_1024 = arith.constant dense<0.000000e+00> : vector<128x128xf32>
    %dot_general3A_1025 = tpu.matmul %add3A_1015, %get3A_18, %dot_general3A_1024 {dimension_numbers = #tpu.dot_dimension_numbers<[1], [0], [0], [1], [0, 0, 1, 1], [], []>, transpose_lhs_hint = false} : vector<128x128xf32>, vector<128x128xf32>, vector<128x128xf32> -> vector<128x128xf32>
    %dot_general3A_1026 = arith.constant dense<0.000000e+00> : vector<128x128xf32>
    %dot_general3A_1027 = tpu.matmul %add3A_1023, %get3A_21, %dot_general3A_1026 {dimension_numbers = #tpu.dot_dimension_numbers<[1], [0], [0], [1], [0, 0, 1, 1], [], []>, transpose_lhs_hint = false} : vector<128x128xf32>, vector<128x128xf32>, vector<128x128xf32> -> vector<128x128xf32>
    %add3A_1028 = arith.addf %dot_general3A_1025, %dot_general3A_1027 : vector<128x128xf32>
    %add3A_1029 = vector.broadcast %get3A_24 : vector<1x128xf32> to vector<128x128xf32>
    %add3A_1030 = arith.addf %add3A_1028, %add3A_1029 : vector<128x128xf32>
    %max3A_1031 = arith.constant 0.000000e+00 : f32
    %max3A_1032 = vector.broadcast %max3A_1031 : f32 to vector<128x128xf32>
    %max3A_1033 = arith.maximumf %add3A_1030, %max3A_1032 : vector<128x128xf32>
    %get3A_1034 = arith.constant 0 : index
    %get3A_1035 = arith.constant 0 : index
    %get3A_1036 = vector.load %arg8[%get3A_1034, %get3A_1035] : memref<128x128xf32, #tpu.memory_space<vmem>>, vector<128x128xf32>
    %dot_general3A_1037 = arith.constant dense<0.000000e+00> : vector<128x128xf32>
    %dot_general3A_1038 = tpu.matmul %max3A_1033, %get3A_1036, %dot_general3A_1037 {dimension_numbers = #tpu.dot_dimension_numbers<[1], [0], [0], [1], [0, 0, 1, 1], [], []>, transpose_lhs_hint = false} : vector<128x128xf32>, vector<128x128xf32>, vector<128x128xf32> -> vector<128x128xf32>
    %add3A_1039 = vector.broadcast %get3A_27 : vector<1x128xf32> to vector<128x128xf32>
    %add3A_1040 = arith.addf %dot_general3A_1038, %add3A_1039 : vector<128x128xf32>
    %logistic3A_1041 = arith.negf %add3A_1040 : vector<128x128xf32>
    %logistic3A_1042 = math.exp %logistic3A_1041 : vector<128x128xf32>
    %logistic3A_1043 = arith.constant 1.000000e+00 : f32
    %logistic3A_1044 = vector.broadcast %logistic3A_1043 : f32 to vector<128x128xf32>
    %logistic3A_1045 = arith.addf %logistic3A_1044, %logistic3A_1042 : vector<128x128xf32>
    %logistic3A_1046 = arith.divf %logistic3A_1044, %logistic3A_1045 : vector<128x128xf32>
    %mul3A_1047 = arith.mulf %slice3A_986, %logistic3A_1046 : vector<128x128xf32>
    %add3A_1048 = arith.addf %add3A_980, %mul3A_1047 : vector<128x128xf32>
    %get3A_1049 = arith.constant 0 : index
    %get3A_1050 = arith.constant 0 : index
    %get3A_1051 = arith.constant 0 : index
    %get3A_1052 = vector.load %arg2[%get3A_1049, %get3A_1050, %get3A_1051] : memref<1x128x2048xf32, #tpu.memory_space<vmem>>, vector<1x128x2048xf32>
    %get3A_1053 = vector.shape_cast %get3A_1052 : vector<1x128x2048xf32> to vector<128x2048xf32>
    %slice3A_1054 = vector.extract_strided_slice %get3A_1053 {offsets = [0, 1920], sizes = [128, 128], strides = [1, 1]} : vector<128x2048xf32> to vector<128x128xf32>
    %reduce_sum3A_1055 = arith.constant dense<0.000000e+00> : vector<128xf32>
    %reduce_sum3A_1056 = vector.multi_reduction <add>, %slice3A_1054, %reduce_sum3A_1055 [1] : vector<128x128xf32> to vector<128xf32>
    %broadcast_in_dim3A_1057 = vector.shape_cast %reduce_sum3A_1056 : vector<128xf32> to vector<128x1xf32>
    %mul3A_1058 = arith.mulf %slice3A_1054, %slice3A_1054 : vector<128x128xf32>
    %reduce_sum3A_1059 = arith.constant dense<0.000000e+00> : vector<128xf32>
    %reduce_sum3A_1060 = vector.multi_reduction <add>, %mul3A_1058, %reduce_sum3A_1059 [1] : vector<128x128xf32> to vector<128xf32>
    %broadcast_in_dim3A_1061 = vector.shape_cast %reduce_sum3A_1060 : vector<128xf32> to vector<128x1xf32>
    %add3A_1062 = arith.addf %broadcast_in_dim3A, %broadcast_in_dim3A_1057 : vector<128x1xf32>
    %div3A_1063 = arith.constant 2.560000e+02 : f32
    %div3A_1064 = vector.broadcast %div3A_1063 : f32 to vector<128x1xf32>
    %div3A_1065 = arith.divf %add3A_1062, %div3A_1064 : vector<128x1xf32>
    %add3A_1066 = arith.addf %broadcast_in_dim3A_34, %broadcast_in_dim3A_1061 : vector<128x1xf32>
    %div3A_1067 = arith.constant 2.560000e+02 : f32
    %div3A_1068 = vector.broadcast %div3A_1067 : f32 to vector<128x1xf32>
    %div3A_1069 = arith.divf %add3A_1066, %div3A_1068 : vector<128x1xf32>
    %mul3A_1070 = arith.mulf %div3A_1065, %div3A_1065 : vector<128x1xf32>
    %sub3A_1071 = arith.subf %div3A_1069, %mul3A_1070 : vector<128x1xf32>
    %add3A_1072 = arith.constant 9.99999974E-6 : f32
    %add3A_1073 = vector.broadcast %add3A_1072 : f32 to vector<128x1xf32>
    %add3A_1074 = arith.addf %sub3A_1071, %add3A_1073 : vector<128x1xf32>
    %rsqrt3A_1075 = math.rsqrt %add3A_1074 : vector<128x1xf32>
    %sub3A_1076 = vector.broadcast %div3A_1065 : vector<128x1xf32> to vector<128x128xf32>
    %sub3A_1077 = arith.subf %get3A_3, %sub3A_1076 : vector<128x128xf32>
    %mul3A_1078 = vector.broadcast %rsqrt3A_1075 : vector<128x1xf32> to vector<128x128xf32>
    %mul3A_1079 = arith.mulf %sub3A_1077, %mul3A_1078 : vector<128x128xf32>
    %mul3A_1080 = vector.broadcast %get3A_6 : vector<1x128xf32> to vector<128x128xf32>
    %mul3A_1081 = arith.mulf %mul3A_1079, %mul3A_1080 : vector<128x128xf32>
    %add3A_1082 = vector.broadcast %get3A_12 : vector<1x128xf32> to vector<128x128xf32>
    %add3A_1083 = arith.addf %mul3A_1081, %add3A_1082 : vector<128x128xf32>
    %sub3A_1084 = vector.broadcast %div3A_1065 : vector<128x1xf32> to vector<128x128xf32>
    %sub3A_1085 = arith.subf %slice3A_1054, %sub3A_1084 : vector<128x128xf32>
    %mul3A_1086 = vector.broadcast %rsqrt3A_1075 : vector<128x1xf32> to vector<128x128xf32>
    %mul3A_1087 = arith.mulf %sub3A_1085, %mul3A_1086 : vector<128x128xf32>
    %mul3A_1088 = vector.broadcast %get3A_9 : vector<1x128xf32> to vector<128x128xf32>
    %mul3A_1089 = arith.mulf %mul3A_1087, %mul3A_1088 : vector<128x128xf32>
    %add3A_1090 = vector.broadcast %get3A_15 : vector<1x128xf32> to vector<128x128xf32>
    %add3A_1091 = arith.addf %mul3A_1089, %add3A_1090 : vector<128x128xf32>
    %dot_general3A_1092 = arith.constant dense<0.000000e+00> : vector<128x128xf32>
    %dot_general3A_1093 = tpu.matmul %add3A_1083, %get3A_18, %dot_general3A_1092 {dimension_numbers = #tpu.dot_dimension_numbers<[1], [0], [0], [1], [0, 0, 1, 1], [], []>, transpose_lhs_hint = false} : vector<128x128xf32>, vector<128x128xf32>, vector<128x128xf32> -> vector<128x128xf32>
    %dot_general3A_1094 = arith.constant dense<0.000000e+00> : vector<128x128xf32>
    %dot_general3A_1095 = tpu.matmul %add3A_1091, %get3A_21, %dot_general3A_1094 {dimension_numbers = #tpu.dot_dimension_numbers<[1], [0], [0], [1], [0, 0, 1, 1], [], []>, transpose_lhs_hint = false} : vector<128x128xf32>, vector<128x128xf32>, vector<128x128xf32> -> vector<128x128xf32>
    %add3A_1096 = arith.addf %dot_general3A_1093, %dot_general3A_1095 : vector<128x128xf32>
    %add3A_1097 = vector.broadcast %get3A_24 : vector<1x128xf32> to vector<128x128xf32>
    %add3A_1098 = arith.addf %add3A_1096, %add3A_1097 : vector<128x128xf32>
    %max3A_1099 = arith.constant 0.000000e+00 : f32
    %max3A_1100 = vector.broadcast %max3A_1099 : f32 to vector<128x128xf32>
    %max3A_1101 = arith.maximumf %add3A_1098, %max3A_1100 : vector<128x128xf32>
    %get3A_1102 = arith.constant 0 : index
    %get3A_1103 = arith.constant 0 : index
    %get3A_1104 = vector.load %arg8[%get3A_1102, %get3A_1103] : memref<128x128xf32, #tpu.memory_space<vmem>>, vector<128x128xf32>
    %dot_general3A_1105 = arith.constant dense<0.000000e+00> : vector<128x128xf32>
    %dot_general3A_1106 = tpu.matmul %max3A_1101, %get3A_1104, %dot_general3A_1105 {dimension_numbers = #tpu.dot_dimension_numbers<[1], [0], [0], [1], [0, 0, 1, 1], [], []>, transpose_lhs_hint = false} : vector<128x128xf32>, vector<128x128xf32>, vector<128x128xf32> -> vector<128x128xf32>
    %add3A_1107 = vector.broadcast %get3A_27 : vector<1x128xf32> to vector<128x128xf32>
    %add3A_1108 = arith.addf %dot_general3A_1106, %add3A_1107 : vector<128x128xf32>
    %logistic3A_1109 = arith.negf %add3A_1108 : vector<128x128xf32>
    %logistic3A_1110 = math.exp %logistic3A_1109 : vector<128x128xf32>
    %logistic3A_1111 = arith.constant 1.000000e+00 : f32
    %logistic3A_1112 = vector.broadcast %logistic3A_1111 : f32 to vector<128x128xf32>
    %logistic3A_1113 = arith.addf %logistic3A_1112, %logistic3A_1110 : vector<128x128xf32>
    %logistic3A_1114 = arith.divf %logistic3A_1112, %logistic3A_1113 : vector<128x128xf32>
    %mul3A_1115 = arith.mulf %slice3A_1054, %logistic3A_1114 : vector<128x128xf32>
    %add3A_1116 = arith.addf %add3A_1048, %mul3A_1115 : vector<128x128xf32>
    %mul3A_1117 = arith.constant 6.250000e-02 : f32
    %mul3A_1118 = vector.broadcast %mul3A_1117 : f32 to vector<128x128xf32>
    %mul3A_1119 = arith.mulf %add3A_1116, %mul3A_1118 : vector<128x128xf32>
    %add3A_1120 = arith.addf %mul3A_1119, %get3A_3 : vector<128x128xf32>
    %get3A_1121 = arith.constant 0 : index
    %get3A_1122 = arith.constant 0 : index
    %get3A_1123 = vector.load %arg10[%get3A_1121, %get3A_1122] : memref<128x128xf32, #tpu.memory_space<vmem>>, vector<128x128xf32>
    %dot_general3A_1124 = arith.constant dense<0.000000e+00> : vector<128x128xf32>
    %dot_general3A_1125 = tpu.matmul %add3A_1120, %get3A_1123, %dot_general3A_1124 {dimension_numbers = #tpu.dot_dimension_numbers<[1], [0], [0], [1], [0, 0, 1, 1], [], []>, transpose_lhs_hint = false} : vector<128x128xf32>, vector<128x128xf32>, vector<128x128xf32> -> vector<128x128xf32>
    %add3A_1126 = vector.broadcast %get3A_30 : vector<1x128xf32> to vector<128x128xf32>
    %add3A_1127 = arith.addf %dot_general3A_1125, %add3A_1126 : vector<128x128xf32>
    %max3A_1128 = arith.constant 0.000000e+00 : f32
    %max3A_1129 = vector.broadcast %max3A_1128 : f32 to vector<128x128xf32>
    %max3A_1130 = arith.maximumf %add3A_1127, %max3A_1129 : vector<128x128xf32>
    %swap3A = arith.constant 0 : index
    %swap3A_1131 = arith.constant 0 : index
    %swap3A_1132 = arith.constant 0 : index
    %swap3A_1133 = vector.load %arg12[%swap3A, %swap3A_1131, %swap3A_1132] : memref<1x128x128xf32, #tpu.memory_space<vmem>>, vector<1x128x128xf32>
    %swap3A_1134 = vector.shape_cast %swap3A_1133 : vector<1x128x128xf32> to vector<128x128xf32>
    %swap3A_1135 = vector.shape_cast %max3A_1130 : vector<128x128xf32> to vector<1x128x128xf32>
    tpu.vector_store %arg12[%swap3A, %swap3A_1131, %swap3A_1132], %swap3A_1135 {strides = array<i32>} : memref<1x128x128xf32, #tpu.memory_space<vmem>>, vector<1x128x128xf32>,
    return
  }
  func.func @transform_0(%arg0: i32, %arg1: i32) -> (i32, i32, i32) {
    %mul3A = arith.constant 16 : i32
    %mul3A_0 = arith.muli %arg0, %mul3A : i32
    %add3A = arith.addi %mul3A_0, %arg1 : i32
    %c0_i32 = arith.constant 0 : i32
    %c0_i32_1 = arith.constant 0 : i32
    %c0_i32_2 = arith.constant 0 : i32
    return %add3A, %c0_i32, %c0_i32_1 : i32, i32, i32
  }
  func.func @transform_1(%arg0: i32, %arg1: i32) -> (i32, i32, i32) {
    %mul3A = arith.constant 16 : i32
    %mul3A_0 = arith.muli %arg0, %mul3A : i32
    %add3A = arith.addi %mul3A_0, %arg1 : i32
    %c0_i32 = arith.constant 0 : i32
    %c0_i32_1 = arith.constant 0 : i32
    %c0_i32_2 = arith.constant 0 : i32
    return %add3A, %c0_i32, %c0_i32_1 : i32, i32, i32
  }
  func.func @transform_2(%arg0: i32, %arg1: i32) -> (i32, i32) {
    %c0_i32 = arith.constant 0 : i32
    %c0_i32_0 = arith.constant 0 : i32
    %c0_i32_1 = arith.constant 0 : i32
    return %c0_i32, %c0_i32_0 : i32, i32
  }
  func.func @transform_3(%arg0: i32, %arg1: i32) -> (i32, i32) {
    %c0_i32 = arith.constant 0 : i32
    %c0_i32_0 = arith.constant 0 : i32
    %c0_i32_1 = arith.constant 0 : i32
    return %c0_i32, %c0_i32_0 : i32, i32
  }
  func.func @transform_4(%arg0: i32, %arg1: i32) -> (i32, i32) {
    %c0_i32 = arith.constant 0 : i32
    %c0_i32_0 = arith.constant 0 : i32
    %c0_i32_1 = arith.constant 0 : i32
    return %c0_i32, %c0_i32_0 : i32, i32
  }
  func.func @transform_5(%arg0: i32, %arg1: i32) -> (i32, i32) {
    %c0_i32 = arith.constant 0 : i32
    %c0_i32_0 = arith.constant 0 : i32
    %c0_i32_1 = arith.constant 0 : i32
    return %c0_i32, %c0_i32_0 : i32, i32
  }
  func.func @transform_6(%arg0: i32, %arg1: i32) -> (i32, i32) {
    %c0_i32 = arith.constant 0 : i32
    %c0_i32_0 = arith.constant 0 : i32
    %c0_i32_1 = arith.constant 0 : i32
    return %c0_i32, %c0_i32_0 : i32, i32
  }
  func.func @transform_7(%arg0: i32, %arg1: i32) -> (i32, i32) {
    %c0_i32 = arith.constant 0 : i32
    %c0_i32_0 = arith.constant 0 : i32
    %c0_i32_1 = arith.constant 0 : i32
    return %c0_i32, %c0_i32_0 : i32, i32
  }
  func.func @transform_8(%arg0: i32, %arg1: i32) -> (i32, i32) {
    %c0_i32 = arith.constant 0 : i32
    %c0_i32_0 = arith.constant 0 : i32
    %c0_i32_1 = arith.constant 0 : i32
    return %c0_i32, %c0_i32_0 : i32, i32
  }
  func.func @transform_9(%arg0: i32, %arg1: i32) -> (i32, i32) {
    %c0_i32 = arith.constant 0 : i32
    %c0_i32_0 = arith.constant 0 : i32
    %c0_i32_1 = arith.constant 0 : i32
    return %c0_i32, %c0_i32_0 : i32, i32
  }
  func.func @transform_10(%arg0: i32, %arg1: i32) -> (i32, i32, i32) {
    %c0_i32 = arith.constant 0 : i32
    %c0_i32_0 = arith.constant 0 : i32
    return %arg0, %arg1, %c0_i32 : i32, i32, i32
  }
}

</mosaic_0001>

<sc_bundles>
// kernel: gather_offload_async_start
scs
__scs_entry_jumppad:
0x0: {  	(pc) =	sbr.rel $0x88, $3  }
0x1: {  	(tag) =	ssettag $0x0;
	lr =	simm.s32 $0x1  }
0x2: {  	[smem:$0x3F96] =	sst lr;
	_ =	strace $0xD0000000  }
0x3: {  	_ = 	snop  }
0x4: {  	_ = 	snop  }
0x5: {  	_ = 	snop  }
0x6: {  	_ = 	snop  }
0x7: {  	_ = 	snop  }
__scs_overlays_trampoline_lowered:
0x8: {  	[smem:$0x3FA5] =	sst s0  }
0x9: {  	[smem:$0x3FA6] =	sst s1  }
0xa: {  	[smem:$0x3FA7] =	sst s2  }
0xb: {  	[smem:$0x3FA8] =	sst s3  }
0xc: {  	[smem:$0x3FA9] =	sst s4  }
0xd: {  	[smem:$0x3FAA] =	sst s5  }
0xe: {  	[smem:$0x3FAB] =	sst s6  }
0xf: {  	[smem:$0x3FAC] =	sst s7  }
0x10: {  	[smem:$0x3FAD] =	sst s8  }
0x11: {  	[smem:$0x3FAE] =	sst s9;
	s0 =	simm.s32 @!p0 $0x0  }
0x12: {  	s1 =	sld [smem:$0x3F94];
	s0 =	simm.s32 @p0 $0x1  }
0x13: {  	[smem:$0x3FAF] =	sst s0;
	s0 =	simm.s32 @!p1 $0x0  }
0x14: {  	s2 =	sld [smem:$0x3F93];
	s0 =	simm.s32 @p1 $0x1  }
0x15: {  	[smem:$0x3FB0] =	sst s0;
	s0 =	simm.s32 @!p2 $0x0  }
0x16: {  	s3 =	sld [smem:$0x3FDB];
	s0 =	simm.s32 @p2 $0x1  }
0x17: {  	s4 =	simm.s32 $0x1BF5;
	[smem:$0x3FB2] =	sst s0  }
0x18: {  	s0 =	sld [smem:$0x3F95];
	_ =	swait.ge [sflag:s4], $0x0  }
0x19: {  	s7 =	sld [smem:$0x3F96]  }
0x1a: {  	s8 =	sadd.s32 $0xFFFFE003, lr  }
0x1b: {  	s9 =	sadd.s32 $0xFFFFFEF7, lr;
	s5 =	simm.s32 $0xFFFFFFFF;
	p2 =	slt.u32 s8, $0xFFFFF086  }
0x1c: {  	p1 =	slt.u32 s9, $0xF7A;
	s5 =	simm.s32 @!p2 $0x0  }
0x1d: {  	s5 =	simm.s32 @p1 $0x1;
	p0 =	seq.s32 s7, s2  }
0x1e: {  	s7 =	smul.u32 @!p0 $0xF7A, s2;
	p2 =	seq.s32 @!p0 s5, $0x0  }
0x1f: {  	s9 =	smul.u32 $0xF7A, s1;
	s8 =	simm.s32 @!p0 $0x1BF5;
	p2 =	por !p2, p0  }
0x20: {  	[sflag:s8] =	ssyncset.s32 @!p0 $0xFFFFF086;
	s6 =	sadd.s32 @!p0 s3, s7;
	s7 =	simm.s32 @!p0 $0x108  }
0x21: {  	s3 =	sadd.s32 s3, s9;
	s6 =	sadd.s32 @!p0 $0x88, s6;
	s7 =	simm.s32 @p2 $0x1082  }
0x22: {  	[simem:s7], [sflag:s8] =	dma.local @!p0 [hbm:s6], $0xF7A  }
0x23: {  	s9 =	sor.u32 $0xD0000000, s2;
	s6 =	simm.s32 $0x108;
	_ =	swait.ge @!p0 [sflag:s8], $0x0  }
0x24: {  	s3 =	sadd.s32 $0x88, s3;
	s6 =	simm.s32 @!p1 $0x1082;
	[sflag:s4] =	ssyncset.s32 $0xFFFFF086  }
0x25: {  	[simem:s6], [sflag:s4] =	dma.local [hbm:s3], $0xF7A  }
0x26: {  	[smem:$0x3F96] =	sst s1;
	(tag) =	ssettag s2;
	_ =	strace s9  }
0x27: {  	s1 =	sld [smem:$0x3FA6]  }
0x28: {  	s2 =	sld [smem:$0x3FA7]  }
0x29: {  	s4 =	sld [smem:$0x3FA9]  }
0x2a: {  	p0 =	seq.s32 s5, $0x0;
	s5 =	sld [smem:$0x3FAA]  }
0x2b: {  	s6 =	sld [smem:$0x3FAB]  }
0x2c: {  	s7 =	sld [smem:$0x3FAC]  }
0x2d: {  	s3 =	simm.s32 $0x108;
	s8 =	sld [smem:$0x3FAD]  }
0x2e: {  	s3 =	simm.s32 @!p0 $0x1082;
	s9 =	sld [smem:$0x3FAE]  }
0x2f: {  	lr =	sadd.s32 s0, s3;
	s0 =	sld [smem:$0x3FA5]  }
0x30: {  	s3 =	sld [smem:$0x3FA8]  }
0x31: {  	[smem:$0x3FB1] =	sst s10  }
0x32: {  	s10 =	sld [smem:$0x3FAF];
	_ =	sdelay $0x3  }
0x33: {  	p0 =	seq.s32 s10, $0x1;
	s10 =	sld [smem:$0x3FB1];
	_ =	sdelay $0x3  }
0x34: {  	[smem:$0x3FB1] =	sst s10  }
0x35: {  	s10 =	sld [smem:$0x3FB0];
	_ =	sdelay $0x3  }
0x36: {  	p1 =	seq.s32 s10, $0x1;
	s10 =	sld [smem:$0x3FB1];
	_ =	sdelay $0x3  }
0x37: {  	[smem:$0x3FB1] =	sst s10  }
0x38: {  	s10 =	sld [smem:$0x3FB2]  }
0x39: {  	_ = 	snop;
	(pc) =	sbr.ind lr, $3  }
0x3a: {  	_ = 	snop  }
0x3b: {  	_ = 	snop  }
0x3c: {  	p2 =	seq.s32 s10, $0x1;
	s10 =	sld [smem:$0x3FB1]  }
0x3d: {  	_ =	shalt  }
0x3e: {  	_ =	shalt  }
0x3f: {  	_ =	shalt  }
0x40: {  	_ =	shalt  }
0x41: {  	_ =	shalt  }
0x42: {  	_ =	shalt  }
0x43: {  	_ =	shalt  }
0x44: {  	_ =	shalt  }
0x45: {  	_ =	shalt  }
0x46: {  	_ =	shalt  }
0x47: {  	_ =	shalt  }
0x48: {  	_ =	shalt  }
0x49: {  	_ =	shalt  }
0x4a: {  	_ =	shalt  }
0x4b: {  	_ =	shalt  }
0x4c: {  	_ =	shalt  }
0x4d: {  	_ =	shalt  }
0x4e: {  	_ =	shalt  }
0x4f: {  	_ =	shalt  }
0x50: {  	_ =	shalt  }
0x51: {  	_ =	shalt  }
0x52: {  	_ =	shalt  }
0x53: {  	_ =	shalt  }
0x54: {  	_ =	shalt  }
0x55: {  	_ =	shalt  }
0x56: {  	_ =	shalt  }
0x57: {  	_ =	shalt  }
0x58: {  	_ =	shalt  }
0x59: {  	_ =	shalt  }
0x5a: {  	_ =	shalt  }
0x5b: {  	_ =	shalt  }
0x5c: {  	_ =	shalt  }
0x5d: {  	_ =	shalt  }
0x5e: {  	_ =	shalt  }
0x5f: {  	_ =	shalt  }
0x60: {  	_ =	shalt  }
0x61: {  	_ =	shalt  }
0x62: {  	_ =	shalt  }
0x63: {  	_ =	shalt  }
0x64: {  	_ =	shalt  }
0x65: {  	_ =	shalt  }
0x66: {  	_ =	shalt  }
0x67: {  	_ =	shalt  }
0x68: {  	_ =	shalt  }
0x69: {  	_ =	shalt  }
0x6a: {  	_ =	shalt  }
0x6b: {  	_ =	shalt  }
0x6c: {  	_ =	shalt  }
0x6d: {  	_ =	shalt  }
0x6e: {  	_ =	shalt  }
0x6f: {  	_ =	shalt  }
0x70: {  	_ =	shalt  }
0x71: {  	_ =	shalt  }
0x72: {  	_ =	shalt  }
0x73: {  	_ =	shalt  }
0x74: {  	_ =	shalt  }
0x75: {  	_ =	shalt  }
0x76: {  	_ =	shalt  }
0x77: {  	_ =	shalt  }
0x78: {  	_ =	shalt  }
0x79: {  	_ =	shalt  }
0x7a: {  	_ =	shalt  }
0x7b: {  	_ =	shalt  }
0x7c: {  	_ =	shalt  }
0x7d: {  	_ =	shalt  }
0x7e: {  	_ =	shalt  }
0x7f: {  	_ =	shalt  }
0x80: {  	_ =	shalt  }
0x81: {  	_ =	shalt  }
0x82: {  	_ =	shalt  }
0x83: {  	_ =	shalt  }
0x84: {  	_ =	shalt  }
0x85: {  	_ =	shalt  }
0x86: {  	_ =	shalt  }
0x87: {  	_ =	shalt  }
.Lfunc_end0:
.L_simem_size_0:
called_computation_lowered:
.L_overlay_start_0:
0x88: {  	s2 =	sld [smem:$0x3FD9]  }
0x89: {  	s3 =	sld [smem:$0x3FFE];
	_ =	sdelay $0x1  }
0x8a: {  	s1 =	srdreg.scid  }
0x8b: {  	s0 =	sand.u32 $0x1, s1  }
0x8c: {  	s14 =	sshll.u32 s0, $0xA;
	s2 =	sadd.s32 s3, s2  }
0x8d: {  	s2 =	sadd.s32 s2, s14  }
0x8e: {  	[smem:$0x3FBD] =	sst s2  }
0x8f: {  	_ = 	snop  }
0x90: {  	s2 =	sld [smem:$0x3FD0];
	_ =	sdelay $0x2  }
0x91: {  	s15 =	simm.s32 $0xA;
	s4 =	simm.s32 $0x10  }
0x92: {  	[smem:s4], [sflag:s15] =	dma.local [hbm:s2], $0x1  }
0x93: {  	_ =	swait.eq [sflag:s15], $0x1  }
0x94: {  	[sflag:s15] =	ssyncset.done $0x0  }
0x95: {  	s16 =	sld [smem:$0x10];
	[sflag:s15] =	ssyncadd.s32 $0xFFFFFFFF  }
0x96: {  	s17 =	sld [smem:$0x11];
	(tm) =	ssettm $0x1  }
0x97: {  	s18 =	sld [smem:$0x3FFB];
	_ =	sdelay $0x3  }
0x98: {  	_ =	strace s18  }
0x99: {  	s4 =	sld [smem:$0x3FFC];
	_ =	sdelay $0x3  }
0x9a: {  	_ =	strace s4  }
0x9b: {  	s4 =	sld [smem:$0x3FFD];
	_ =	sdelay $0x3  }
0x9c: {  	_ =	strace s4  }
0x9d: {  	_ =	strace $0x8FFFFFFF  }
0x9e: {  	s19 =	sld [smem:$0x3FDB];
	_ =	sdelay $0x1  }
0x9f: {  	s5 =	simm.s32 $_scs_section_size  }
0xa0: {  	s6 =	simm.s32 $_size__tile_overlayer_lowered;
	s7 =	simm.s32 $_tile_overlayer_lowered  }
0xa1: {  	s22 =	simm.s32 $0x1BFF;
	s21 =	sshll.u32 s7, $0x1;
	s4 =	sadd.s32 s5, s19  }
0xa2: {  	s8 =	simm.s32 $0x0;
	s20 =	sshll.u32 s6, $0x1;
	s6 =	sadd.s32 s21, s4  }
0xa3: {  	[timem:s8], [sflag:s22] =	dma.local [hbm:s6], s20  }
0xa4: {  	_ =	swait.ge [sflag:s22], s20  }
0xa5: {  	s5 =	ssub.s32 $0x0, s20;
	[sflag:s22] =	ssyncset.done $0x0  }
0xa6: {  	[sflag:s22] =	ssyncadd.s32 s5;
	_ =	sdelay $0x1  }
0xa7: {  	s23 =	simm.s32 $0x1B8B  }
0xa8: {  	_ =	swait.ge [sflag:s23], $0x1  }
0xa9: {  	[sflag:s23] =	ssyncset.done $0x0  }
0xaa: {  	s25 =	simm.s32 $0x1B8E;
	s24 =	sld [smem:$0x3FFE];
	[sflag:s23] =	ssyncadd.s32 $0xFFFFFFFF  }
0xab: {  	s26 =	simm.s32 $execute0_lowered;
	[smem:$0x3FD2] =	sst s25  }
0xac: {  	s6 =	sshll.u32 s26, $0x1;
	_ =	strace $0x80000046;
	[dreg:$0x1] =	wrdreg $0xFFFFFFFF  }
0xad: {  	s28 =	simm.s32 $_size_execute0_lowered;
	s4 =	sadd.s32 s4, s6;
	[dreg:$0x0] =	wrdreg $0x0  }
0xae: {  	s6 =	sshll.u32 s28, $0x1;
	[dreg:$0x2] =	wrdreg s4  }
0xaf: {  	[dreg:$0x3] =	wrdreg s6  }
0xb0: {  	[dreg:$0x4] =	wrdreg $0xC0  }
0xb1: {  	_ =	task [dreg:s8], $0x5FFFF  }
0xb2: {  	[dreg:$0x1] =	wrdreg $0xFFFFFFFF  }
0xb3: {  	[dreg:$0x0] =	wrdreg $0x60  }
0xb4: {  	[dreg:$0x2] =	wrdreg s24  }
0xb5: {  	[dreg:$0x3] =	wrdreg s17  }
0xb6: {  	[dreg:$0x4] =	wrdreg s16  }
0xb7: {  	[dreg:$0x5] =	wrdreg $0x9  }
0xb8: {  	_ =	task.clear_ibuf [dreg:s8], $0x6FFFF;
	_ =	strace $0x90000046  }
0xb9: {  	s29 =	simm.s32 $0x9;
	_ =	strace $0x80000048  }
0xba: {  	_ =	swait.ge [sflag:s29], $0x1  }
0xbb: {  	[sflag:s29] =	ssyncadd.s32 $0xFFFFFFFF  }
0xbc: {  	_ =	strace $0x90000048  }
0xbd: {  	_ =	sfence  }
0xbe: {  	s30 =	sld [smem:$0x0];
	_ =	sdelay $0x2  }
0xbf: {  	s31 =	sshll.u32 s1, $0xD;
	s1 =	sshrl.u32 s1, $0x2  }
0xc0: {  	s3 =	sand.u32 $0x4000, s31;
	s1 =	sadd.s32 s1, s30  }
0xc1: {  	s0 =	sor.u32 s3, s0;
	s1 =	sshll.u32 s1, $0x11  }
0xc2: {  	s0 =	sor.u32 s1, s0  }
0xc3: {  	s0 =	sadd.s32 $0x8F2B, s0  }
0xc4: {  	[sflag:s0] =	ssyncadd.remote.s32 $0x1  }
0xc5: {  	_ =	sfence.sel $0xFFFF  }
0xc6: {  	[dreg:$0x0] =	wrdreg $0xFFFFFFFF;
	(pc) =	sbr.abs _section_cstart, $3  }
0xc7: {  	[dreg:$0x1] =	wrdreg $0xFFFFFFFF  }
0xc8: {  	_ =	task.clear_ibuf [dreg:s8], $0x2FFFF;
	_ =	strace $0x9FFFFFFF  }
0xc9: {  	(tm) =	ssettm $0x7FFFFFFF  }
tec
execute0_lowered:
.L_overlay_start_1:
0x0: {  	(tag) =	ssettag $0x1  }
0x1: {  	s7 =	rddreg [dreg:$0x0]  }
0x2: {  	s2 =	rddreg [dreg:$0x1]  }
0x3: {  	s3 =	rddreg [dreg:$0x2]  }
0x4: {  	s0 =	rddreg [dreg:$0x3];
	s1 =	srdreg.scid;
	_ =	strace $0x80000047  }
0x5: {  	s4 =	simm.s32 $0x1;
	s9 =	simm.s32 $0x3;
	s5 =	sshll.u32 s1, $0x4  }
.Ltmp0:
0x6: {  	s1 =	stileid.u32;
	s5 =	sand.u32 $0x10, s5;
	(pc) =	sbr.rel .LBB2_1-.Ltmp0, $4  }
0x7: {  	s12 =	simm.s32 $0x0;
	s10 =	simm.s32 $0x0;
	s6 =	sor.u32 s1, s5  }
0x8: {  	[sflag:s4] =	ssyncpa.u1 $0x0;
	s5 =	simm.s32 $0x2;
	s6 =	sshll.u32 s6, $0x7  }
0x9: {  	s7 =	sadd.s32 $0x1200, s7;
	[sflag:s5] =	ssyncpa.u1 $0x0;
	s8 =	sadd.s32 $0x80, s6  }
0xa: {  	vm0 =	vmmov $0xff;
	vm1 =	vcmask $0x3F20;
	[sflag:s9] =	ssyncpa.u1 $0x0;
	s9 =	simm.s32 $0x80;
	s11 =	smov.u32 s6  }
.LBB2_9:
0xb: {  	p0 =	seq.s32 s10, $0x2  }
.Ltmp1:
0xc: {  	_ = 	snop;
	(pc) =	sbr.rel @p0 .LBB2_11-.Ltmp1, $1  }
0xd: {  	_ =	sdelay $0x3  }
.LBB2_10:
0xe: {  	s12 =	sadd.s32 $0x80, s11  }
0xf: {  	s13 =	smov.u32 s6;
	p0 =	slt.s32 s12, s8  }
0x10: {  	s13 =	smov.u32 @p0 s12  }
0x11: {  	s10 =	sadd.s32 $0x1, s10;
	s12 =	smov.u32 s11;
	s11 =	smov.u32 s13  }
.LBB2_1:
0x12: {  	p0 =	sne.s32 s10, $0x0  }
.Ltmp2:
0x13: {  	_ = 	snop;
	(pc) =	sbr.rel @!p0 .LBB2_2-.Ltmp2, $1  }
0x14: {  	_ =	sdelay $0x3  }
0x15: {  	s13 =	sand.u32 $0x1, s10  }
0x16: {  	p0 =	seq.s32 s13, $0x0  }
.Ltmp3:
0x17: {  	_ = 	snop;
	(pc) =	sbr.rel @p0 .LBB2_9-.Ltmp3, $1  }
0x18: {  	_ =	sdelay $0x3  }
0x19: {  	_ =	swait.ge [sflag:s5], $0x80  }
0x1a: {  	[sflag:s5] =	ssyncset.done $0x0  }
0x1b: {  	s13 =	simm.s32 $0x0;
	[sflag:s5] =	ssyncadd.s32 $0xFFFFFF80  }
0x1c: {  	v0 =	vld.msk [tilespmem:s13+$0x80 ss:$0x1], $0xffff;
	_ =	sdelay $0x4  }
0x1d: {  	v1 =	vshll.u32 v0, $0x6  }
0x1e: {  	vm2 =	veq.s32 v0, $0x80000000;
	v0 =	vshll.u32 v0, $0x14;
	v1 =	vand.u32 $0xFFF80, v1  }
0x1f: {  	v0 =	vand.u32 $0x100000, v0;
	v1 =	vsel vm2, $0xFFFFFF80, v1  }
0x20: {  	v0 =	vsel vm2, $0xFFF00000, v0;
	v2 =	vand.u32 $0xFFFFFC00, v1  }
0x21: {  	v1 =	vand.u32 $0x380, v1;
	v0 =	vadd.s32 v0, v2  }
0x22: {  	v0 =	vor.u32 v1, v0  }
0x23: {  	v0 =	vshrl.u32 v0, $0x3;
	_ =	sdelay $0x3  }
0x24: {  	s13 =	simm.s32 $0x4100  }
0x25: {  	[tilespmem:s13], [sflag:$0x1] =	stream.indirect_vreg.gather [hbm:s7], $0x80, v0, vm0, $0x38;
	[tilespmem:$0x8100] =	vst v63  }
0x26: {  	s14 =	simm.s32 $0x4500;
	s31 =	simm.s32 $0x10  }
0x27: {  	[tilespmem:s14], [sflag:$0x1] =	stream.indirect_vreg.gather [hbm:s7], $0x80, v0, vm1, $0x38;
	[tilespmem:$0x8100] =	vst v63  }
0x28: {  	s14 =	simm.s32 $0x80;
	v0 =	vld.msk [tilespmem:s31+$0x80 ss:$0x1], $0xffff  }
.LBB2_5:
0x29: {  	p0 =	sne.s32 s14, $0x1C0;
	_ =	sdelay $0x4  }
0x2a: {  	v1 =	vshll.u32 v0, $0x6  }
0x2b: {  	vm2 =	veq.s32 v0, $0x80000000;
	v0 =	vshll.u32 v0, $0x14;
	v1 =	vand.u32 $0xFFF80, v1  }
0x2c: {  	v0 =	vand.u32 $0x100000, v0;
	v1 =	vsel vm2, $0xFFFFFF80, v1  }
0x2d: {  	v0 =	vsel vm2, $0xFFF00000, v0;
	v2 =	vand.u32 $0xFFFFFC00, v1  }
0x2e: {  	v1 =	vand.u32 $0x380, v1;
	v0 =	vadd.s32 v0, v2  }
0x2f: {  	v0 =	vor.u32 v1, v0  }
0x30: {  	v0 =	vshrl.u32 v0, $0x3;
	_ =	sdelay $0x3  }
.Ltmp4:
0x31: {  	s13 =	sadd.s32 $0x800, s13;
	(pc) =	sbr.rel @p0 .LBB2_5-.Ltmp4, $4  }
0x32: {  	[tilespmem:s13], [sflag:$0x1] =	stream.indirect_vreg.gather [hbm:s7], $0x80, v0, vm0, $0x38;
	[tilespmem:$0x8100] =	vst v63  }
0x33: {  	s15 =	sshra.s32 s14, $0x2;
	s16 =	sadd.s32 $0x400, s13  }
0x34: {  	[tilespmem:s16], [sflag:$0x1] =	stream.indirect_vreg.gather [hbm:s7], $0x80, v0, vm1, $0x38;
	[tilespmem:$0x8100] =	vst v63  }
0x35: {  	s14 =	sadd.s32 $0x40, s14;
	v0 =	vld.msk [tilespmem:s15+$0x80 ss:$0x1], $0xffff  }
0x36: {  	_ =	sdelay $0x3  }
0x37: {  	v1 =	vshll.u32 v0, $0x6  }
0x38: {  	vm2 =	veq.s32 v0, $0x80000000;
	v63 =	vshll.u32 v0, $0x14;
	v1 =	vand.u32 $0xFFF80, v1  }
0x39: {  	v0 =	vand.u32 $0x100000, v63;
	v1 =	vsel vm2, $0xFFFFFF80, v1  }
0x3a: {  	v0 =	vsel vm2, $0xFFF00000, v0;
	v2 =	vand.u32 $0xFFFFFC00, v1  }
0x3b: {  	v1 =	vand.u32 $0x380, v1;
	v0 =	vadd.s32 v0, v2  }
0x3c: {  	v0 =	vor.u32 v1, v0  }
0x3d: {  	v0 =	vshrl.u32 v0, $0x3;
	_ =	sdelay $0x3  }
0x3e: {  	s13 =	sadd.s32 $0x800, s13  }
0x3f: {  	[tilespmem:s13], [sflag:$0x1] =	stream.indirect_vreg.gather [hbm:s7], $0x80, v0, vm0, $0x38;
	[tilespmem:$0x8100] =	vst v63  }
0x40: {  	s13 =	sadd.s32 $0x400, s13  }
0x41: {  	[tilespmem:s13], [sflag:$0x1] =	stream.indirect_vreg.gather [hbm:s7], $0x80, v0, vm1, $0x38;
	[tilespmem:$0x8100] =	vst v63  }
0x42: {  	s12 =	sshll.u32 s12, $0x4;
	s14 =	simm.s32 $0x80;
	_ =	swait.ge [sflag:s4], $0x4000  }
0x43: {  	s15 =	simm.s32 $0x4500;
	s12 =	sadd.s32 s12, s3;
	[sflag:s4] =	ssyncset.done $0x0  }
0x44: {  	s16 =	sadd.s32 $0x0, s12;
	s13 =	simm.s32 $0x4100;
	[sflag:s4] =	ssyncadd.s32 $0xFFFFC000  }
.LBB2_7:
0x45: {  	[hbm:s16] =	stream.linear.scatter [tilespmem:s13], [sflag:$0x3], $0x400, $0x38;
	[tilespmem:$0x8100] =	vst v63  }
0x46: {  	s16 =	smov.u32 s14;
	s13 =	smov.u32 s15;
	p0 =	sne.s32 s14, $0x780  }
.Ltmp5:
0x47: {  	s14 =	sadd.s32 $0x80, s14;
	(pc) =	sbr.rel @p0 .LBB2_7-.Ltmp5, $2  }
0x48: {  	_ =	sdelay $0x2  }
0x49: {  	s15 =	sadd.s32 $0x400, s15;
	s16 =	sadd.s32 s16, s12  }
.Ltmp6:
0x4a: {  	(pc) =	sbr.rel .LBB2_9-.Ltmp6, $2  }
0x4b: {  	_ =	sdelay $0x2  }
0x4c: {  	[hbm:s16] =	stream.linear.scatter [tilespmem:s13], [sflag:$0x3], $0x400, $0x38;
	[tilespmem:$0x8100] =	vst v63  }
.LBB2_2:
.Ltmp7:
0x4d: {  	(pc) =	sbr.rel .LBB2_10-.Ltmp7, $4  }
0x4e: {  	_ = 	snop  }
0x4f: {  	s12 =	sshrl.u32 s11, $0x3  }
0x50: {  	s13 =	sand.u32 $0x7, s11;
	s12 =	sadd.s32 s2, s12  }
0x51: {  	[tilespmem:s9], [sflag:$0x2] =	stream.linear.gather [hbm4b:s12+s13], $0x80, $0x38;
	[tilespmem:$0x8100] =	vst v63  }
.LBB2_11:
0x52: {  	s2 =	simm.s32 $0x3  }
0x53: {  	_ =	swait.ge [sflag:s2], $0x4000  }
0x54: {  	[sflag:s2] =	ssyncset.done $0x0  }
0x55: {  	[sflag:s2] =	ssyncadd.s32 $0xFFFFC000  }
0x56: {  	_ =	sfence.sel $0x180000  }
0x57: {  	s3 =	simm.s32 $0x2;
	[bflag:$0x0] =	sbarrier.arrive $0xFFFF  }
0x58: {  	[sflag:s3] =	ssyncpa.u1 $0x1  }
0x59: {  	s31 =	simm.s32 $0x1;
	[sflag:s2] =	ssyncpa.u1 $0x1  }
0x5a: {  	[sflag:s31] =	ssyncpa.u1 $0x1  }
0x5b: {  	p0 =	sne.s32 s1, $0x0;
	_ =	strace $0x90000047  }
0x5c: {  	s0 =	sadd.s32 @!p0 $0x100000, s0;
	[bflag:$0x2] =	sbarrier.arrive $0xFFFF  }
0x5d: {  	[sflag:s0] =	ssyncadd.tile.s32 @!p0 $0x1;
	_ =	shalt  }
.Lfunc_end2:
_tile_overlayer_lowered:
.L_overlay_start_2:
0x5e: {  	(tag) =	ssettag $0x2  }
0x5f: {  	s0 =	rddreg [dreg:$0x0];
	s2 =	stileid.u32  }
0x60: {  	s1 =	rddreg [dreg:$0x1];
	p0 =	sne.s32 s2, $0x0  }
0x61: {  	s3 =	rddreg [dreg:$0x2];
	[bflag:$0x3] =	sbarrier.arrive $0xFFFF;
	s2 =	simm.s32 @!p0 $0x1C01  }
0x62: {  	[timem:s3], [sflag:s2] =	dma.local @!p0 [hbm:s0], s1  }
0x63: {  	s0 =	simm.s32 @!p0 $0x1  }
0x64: {  	_ =	swait.ge @!p0 [sflag:s0], s1  }
0x65: {  	s1 =	ssub.s32 @!p0 $0x0, s1;
	[sflag:s0] =	ssyncset.done @!p0 $0x0  }
0x66: {  	[sflag:s0] =	ssyncadd.s32 @!p0 s1  }
0x67: {  	[bflag:$0x3] =	sbarrier.arrive $0xFFFF  }
0x68: {  	_ =	shalt  }

// kernel: kernel.5.cloned.1.call-start
scs
__scs_entry_jumppad:
0x0: {  	(pc) =	sbr.rel $0x88, $3  }
0x1: {  	(tag) =	ssettag $0x0;
	lr =	simm.s32 $0x1  }
0x2: {  	[smem:$0x3F96] =	sst lr;
	_ =	strace $0xD0000000  }
0x3: {  	_ = 	snop  }
0x4: {  	_ = 	snop  }
0x5: {  	_ = 	snop  }
0x6: {  	_ = 	snop  }
0x7: {  	_ = 	snop  }
__scs_overlays_trampoline_lowered:
0x8: {  	[smem:$0x3FA5] =	sst s0  }
0x9: {  	[smem:$0x3FA6] =	sst s1  }
0xa: {  	[smem:$0x3FA7] =	sst s2  }
0xb: {  	[smem:$0x3FA8] =	sst s3  }
0xc: {  	[smem:$0x3FA9] =	sst s4  }
0xd: {  	[smem:$0x3FAA] =	sst s5  }
0xe: {  	[smem:$0x3FAB] =	sst s6  }
0xf: {  	[smem:$0x3FAC] =	sst s7  }
0x10: {  	[smem:$0x3FAD] =	sst s8  }
0x11: {  	[smem:$0x3FAE] =	sst s9;
	s0 =	simm.s32 @!p0 $0x0  }
0x12: {  	s1 =	sld [smem:$0x3F94];
	s0 =	simm.s32 @p0 $0x1  }
0x13: {  	[smem:$0x3FAF] =	sst s0;
	s0 =	simm.s32 @!p1 $0x0  }
0x14: {  	s2 =	sld [smem:$0x3F93];
	s0 =	simm.s32 @p1 $0x1  }
0x15: {  	[smem:$0x3FB0] =	sst s0;
	s0 =	simm.s32 @!p2 $0x0  }
0x16: {  	s3 =	sld [smem:$0x3FDB];
	s0 =	simm.s32 @p2 $0x1  }
0x17: {  	s4 =	simm.s32 $0x1BF5;
	[smem:$0x3FB2] =	sst s0  }
0x18: {  	s0 =	sld [smem:$0x3F95];
	_ =	swait.ge [sflag:s4], $0x0  }
0x19: {  	s7 =	sld [smem:$0x3F96]  }
0x1a: {  	s8 =	sadd.s32 $0xFFFFE003, lr  }
0x1b: {  	s9 =	sadd.s32 $0xFFFFFEF7, lr;
	s5 =	simm.s32 $0xFFFFFFFF;
	p2 =	slt.u32 s8, $0xFFFFF086  }
0x1c: {  	p1 =	slt.u32 s9, $0xF7A;
	s5 =	simm.s32 @!p2 $0x0  }
0x1d: {  	s5 =	simm.s32 @p1 $0x1;
	p0 =	seq.s32 s7, s2  }
0x1e: {  	s7 =	smul.u32 @!p0 $0xF7A, s2;
	p2 =	seq.s32 @!p0 s5, $0x0  }
0x1f: {  	s9 =	smul.u32 $0xF7A, s1;
	s8 =	simm.s32 @!p0 $0x1BF5;
	p2 =	por !p2, p0  }
0x20: {  	[sflag:s8] =	ssyncset.s32 @!p0 $0xFFFFF086;
	s6 =	sadd.s32 @!p0 s3, s7;
	s7 =	simm.s32 @!p0 $0x108  }
0x21: {  	s3 =	sadd.s32 s3, s9;
	s6 =	sadd.s32 @!p0 $0x88, s6;
	s7 =	simm.s32 @p2 $0x1082  }
0x22: {  	[simem:s7], [sflag:s8] =	dma.local @!p0 [hbm:s6], $0xF7A  }
0x23: {  	s9 =	sor.u32 $0xD0000000, s2;
	s6 =	simm.s32 $0x108;
	_ =	swait.ge @!p0 [sflag:s8], $0x0  }
0x24: {  	s3 =	sadd.s32 $0x88, s3;
	s6 =	simm.s32 @!p1 $0x1082;
	[sflag:s4] =	ssyncset.s32 $0xFFFFF086  }
0x25: {  	[simem:s6], [sflag:s4] =	dma.local [hbm:s3], $0xF7A  }
0x26: {  	[smem:$0x3F96] =	sst s1;
	(tag) =	ssettag s2;
	_ =	strace s9  }
0x27: {  	s1 =	sld [smem:$0x3FA6]  }
0x28: {  	s2 =	sld [smem:$0x3FA7]  }
0x29: {  	s4 =	sld [smem:$0x3FA9]  }
0x2a: {  	p0 =	seq.s32 s5, $0x0;
	s5 =	sld [smem:$0x3FAA]  }
0x2b: {  	s6 =	sld [smem:$0x3FAB]  }
0x2c: {  	s7 =	sld [smem:$0x3FAC]  }
0x2d: {  	s3 =	simm.s32 $0x108;
	s8 =	sld [smem:$0x3FAD]  }
0x2e: {  	s3 =	simm.s32 @!p0 $0x1082;
	s9 =	sld [smem:$0x3FAE]  }
0x2f: {  	lr =	sadd.s32 s0, s3;
	s0 =	sld [smem:$0x3FA5]  }
0x30: {  	s3 =	sld [smem:$0x3FA8]  }
0x31: {  	[smem:$0x3FB1] =	sst s10  }
0x32: {  	s10 =	sld [smem:$0x3FAF];
	_ =	sdelay $0x3  }
0x33: {  	p0 =	seq.s32 s10, $0x1;
	s10 =	sld [smem:$0x3FB1];
	_ =	sdelay $0x3  }
0x34: {  	[smem:$0x3FB1] =	sst s10  }
0x35: {  	s10 =	sld [smem:$0x3FB0];
	_ =	sdelay $0x3  }
0x36: {  	p1 =	seq.s32 s10, $0x1;
	s10 =	sld [smem:$0x3FB1];
	_ =	sdelay $0x3  }
0x37: {  	[smem:$0x3FB1] =	sst s10  }
0x38: {  	s10 =	sld [smem:$0x3FB2]  }
0x39: {  	_ = 	snop;
	(pc) =	sbr.ind lr, $3  }
0x3a: {  	_ = 	snop  }
0x3b: {  	_ = 	snop  }
0x3c: {  	p2 =	seq.s32 s10, $0x1;
	s10 =	sld [smem:$0x3FB1]  }
0x3d: {  	_ =	shalt  }
0x3e: {  	_ =	shalt  }
0x3f: {  	_ =	shalt  }
0x40: {  	_ =	shalt  }
0x41: {  	_ =	shalt  }
0x42: {  	_ =	shalt  }
0x43: {  	_ =	shalt  }
0x44: {  	_ =	shalt  }
0x45: {  	_ =	shalt  }
0x46: {  	_ =	shalt  }
0x47: {  	_ =	shalt  }
0x48: {  	_ =	shalt  }
0x49: {  	_ =	shalt  }
0x4a: {  	_ =	shalt  }
0x4b: {  	_ =	shalt  }
0x4c: {  	_ =	shalt  }
0x4d: {  	_ =	shalt  }
0x4e: {  	_ =	shalt  }
0x4f: {  	_ =	shalt  }
0x50: {  	_ =	shalt  }
0x51: {  	_ =	shalt  }
0x52: {  	_ =	shalt  }
0x53: {  	_ =	shalt  }
0x54: {  	_ =	shalt  }
0x55: {  	_ =	shalt  }
0x56: {  	_ =	shalt  }
0x57: {  	_ =	shalt  }
0x58: {  	_ =	shalt  }
0x59: {  	_ =	shalt  }
0x5a: {  	_ =	shalt  }
0x5b: {  	_ =	shalt  }
0x5c: {  	_ =	shalt  }
0x5d: {  	_ =	shalt  }
0x5e: {  	_ =	shalt  }
0x5f: {  	_ =	shalt  }
0x60: {  	_ =	shalt  }
0x61: {  	_ =	shalt  }
0x62: {  	_ =	shalt  }
0x63: {  	_ =	shalt  }
0x64: {  	_ =	shalt  }
0x65: {  	_ =	shalt  }
0x66: {  	_ =	shalt  }
0x67: {  	_ =	shalt  }
0x68: {  	_ =	shalt  }
0x69: {  	_ =	shalt  }
0x6a: {  	_ =	shalt  }
0x6b: {  	_ =	shalt  }
0x6c: {  	_ =	shalt  }
0x6d: {  	_ =	shalt  }
0x6e: {  	_ =	shalt  }
0x6f: {  	_ =	shalt  }
0x70: {  	_ =	shalt  }
0x71: {  	_ =	shalt  }
0x72: {  	_ =	shalt  }
0x73: {  	_ =	shalt  }
0x74: {  	_ =	shalt  }
0x75: {  	_ =	shalt  }
0x76: {  	_ =	shalt  }
0x77: {  	_ =	shalt  }
0x78: {  	_ =	shalt  }
0x79: {  	_ =	shalt  }
0x7a: {  	_ =	shalt  }
0x7b: {  	_ =	shalt  }
0x7c: {  	_ =	shalt  }
0x7d: {  	_ =	shalt  }
0x7e: {  	_ =	shalt  }
0x7f: {  	_ =	shalt  }
0x80: {  	_ =	shalt  }
0x81: {  	_ =	shalt  }
0x82: {  	_ =	shalt  }
0x83: {  	_ =	shalt  }
0x84: {  	_ =	shalt  }
0x85: {  	_ =	shalt  }
0x86: {  	_ =	shalt  }
0x87: {  	_ =	shalt  }
.Lfunc_end0:
.L_simem_size_0:
called_computation.1_lowered:
.L_overlay_start_0:
0x88: {  	s2 =	sld [smem:$0x3FD9]  }
0x89: {  	s3 =	sld [smem:$0x3FFE];
	_ =	sdelay $0x1  }
0x8a: {  	s1 =	srdreg.scid  }
0x8b: {  	s0 =	sand.u32 $0x1, s1  }
0x8c: {  	s14 =	sshll.u32 s0, $0xA;
	s2 =	sadd.s32 s3, s2  }
0x8d: {  	s2 =	sadd.s32 s2, s14  }
0x8e: {  	[smem:$0x3FBD] =	sst s2  }
0x8f: {  	_ = 	snop  }
0x90: {  	s2 =	sld [smem:$0x3FD0];
	_ =	sdelay $0x2  }
0x91: {  	s4 =	simm.s32 $0xA;
	s5 =	simm.s32 $0x10;
	s15 =	sld [smem:$0x3FC8]  }
0x92: {  	[smem:s5], [sflag:s4] =	dma.local [hbm:s2], $0x1  }
0x93: {  	_ =	swait.eq [sflag:s4], $0x1  }
0x94: {  	[sflag:s4] =	ssyncset.done $0x0  }
0x95: {  	[sflag:s4] =	ssyncadd.s32 $0xFFFFFFFF  }
0x96: {  	s16 =	sld [smem:$0x10];
	(tm) =	ssettm $0x1  }
0x97: {  	s17 =	sld [smem:$0x3FFB];
	_ =	sdelay $0x3  }
0x98: {  	_ =	strace s17  }
0x99: {  	s4 =	sld [smem:$0x3FFC];
	_ =	sdelay $0x3  }
0x9a: {  	_ =	strace s4  }
0x9b: {  	s4 =	sld [smem:$0x3FFD];
	_ =	sdelay $0x3  }
0x9c: {  	_ =	strace s4  }
0x9d: {  	_ =	strace $0x8FFFFFFF  }
0x9e: {  	s18 =	sld [smem:$0x3FDB];
	_ =	sdelay $0x1  }
0x9f: {  	s19 =	simm.s32 $_scs_section_size  }
0xa0: {  	s6 =	simm.s32 $_size__tile_overlayer_lowered;
	s7 =	simm.s32 $_tile_overlayer_lowered  }
0xa1: {  	s22 =	simm.s32 $0x1BFF;
	s21 =	sshll.u32 s7, $0x1;
	s4 =	sadd.s32 s19, s18  }
0xa2: {  	s8 =	simm.s32 $0x0;
	s20 =	sshll.u32 s6, $0x1;
	s6 =	sadd.s32 s21, s4  }
0xa3: {  	[timem:s8], [sflag:s22] =	dma.local [hbm:s6], s20  }
0xa4: {  	_ =	swait.ge [sflag:s22], s20  }
0xa5: {  	s5 =	ssub.s32 $0x0, s20;
	[sflag:s22] =	ssyncset.done $0x0  }
0xa6: {  	[sflag:s22] =	ssyncadd.s32 s5;
	_ =	sdelay $0x1  }
0xa7: {  	s23 =	simm.s32 $0x1B8B  }
0xa8: {  	_ =	swait.ge [sflag:s23], $0x1  }
0xa9: {  	[sflag:s23] =	ssyncset.done $0x0  }
0xaa: {  	s25 =	simm.s32 $0x1B8E;
	s24 =	sld [smem:$0x3FFE];
	[sflag:s23] =	ssyncadd.s32 $0xFFFFFFFF  }
0xab: {  	s26 =	simm.s32 $execute0_lowered;
	[smem:$0x3FD2] =	sst s25  }
0xac: {  	s6 =	sshll.u32 s26, $0x1;
	_ =	strace $0x80000049;
	[dreg:$0x1] =	wrdreg $0xFFFFFFFF  }
0xad: {  	s28 =	simm.s32 $_size_execute0_lowered;
	s4 =	sadd.s32 s4, s6;
	[dreg:$0x0] =	wrdreg $0x0  }
0xae: {  	s6 =	sshll.u32 s28, $0x1;
	[dreg:$0x2] =	wrdreg s4  }
0xaf: {  	[dreg:$0x3] =	wrdreg s6  }
0xb0: {  	[dreg:$0x4] =	wrdreg $0xC0  }
0xb1: {  	_ =	task [dreg:s8], $0x5FFFF  }
0xb2: {  	[dreg:$0x1] =	wrdreg $0xFFFFFFFF  }
0xb3: {  	[dreg:$0x0] =	wrdreg $0x60  }
0xb4: {  	[dreg:$0x2] =	wrdreg s15  }
0xb5: {  	[dreg:$0x3] =	wrdreg s16  }
0xb6: {  	[dreg:$0x4] =	wrdreg s24  }
0xb7: {  	[dreg:$0x5] =	wrdreg $0x9  }
0xb8: {  	_ =	task.clear_ibuf [dreg:s8], $0x6FFFF;
	_ =	strace $0x90000049  }
0xb9: {  	s29 =	simm.s32 $0x9;
	_ =	strace $0x8000004B  }
0xba: {  	_ =	swait.ge [sflag:s29], $0x1  }
0xbb: {  	[sflag:s29] =	ssyncadd.s32 $0xFFFFFFFF  }
0xbc: {  	_ =	strace $0x9000004B  }
0xbd: {  	_ =	sfence  }
0xbe: {  	s30 =	sld [smem:$0x0];
	_ =	sdelay $0x2  }
0xbf: {  	s31 =	sshll.u32 s1, $0xD;
	s1 =	sshrl.u32 s1, $0x2  }
0xc0: {  	s3 =	sand.u32 $0x4000, s31;
	s1 =	sadd.s32 s1, s30  }
0xc1: {  	s0 =	sor.u32 s3, s0;
	s1 =	sshll.u32 s1, $0x11  }
0xc2: {  	s0 =	sor.u32 s1, s0  }
0xc3: {  	s0 =	sadd.s32 $0x8F2B, s0  }
0xc4: {  	[sflag:s0] =	ssyncadd.remote.s32 $0x1  }
0xc5: {  	_ =	sfence.sel $0xFFFF  }
0xc6: {  	[dreg:$0x0] =	wrdreg $0xFFFFFFFF;
	(pc) =	sbr.abs _section_cstart, $3  }
0xc7: {  	[dreg:$0x1] =	wrdreg $0xFFFFFFFF  }
0xc8: {  	_ =	task.clear_ibuf [dreg:s8], $0x2FFFF;
	_ =	strace $0x9FFFFFFF  }
0xc9: {  	(tm) =	ssettm $0x7FFFFFFF  }
tec
execute0_lowered:
.L_overlay_start_1:
0x0: {  	(tag) =	ssettag $0x1  }
0x1: {  	s0 =	srdreg.scid;
	s1 =	stileid.u32  }
0x2: {  	s2 =	rddreg [dreg:$0x0];
	s31 =	sand.u32 $0x1, s0;
	s20 =	sshll.u32 s1, $0x1  }
0x3: {  	s30 =	rddreg [dreg:$0x1];
	s5 =	sor.u32 s31, s20  }
0x4: {  	s4 =	rddreg [dreg:$0x2];
	s3 =	simm.s32 $0x0;
	s0 =	smul.u32 $0x880, s5  }
0x5: {  	[smem:$0x7FF] =	sst s3;
	s5 =	smul.u32 $0x8800, s5  }
0x6: {  	s1 =	sadd.s32 $0x1200, s4;
	_ =	strace $0x8000004A;
	s6 =	sshrl.u32 s0, $0x3  }
0x7: {  	s22 =	sadd.s32 $0x80, s0;
	s23 =	sadd.s32 s1, s5;
	s8 =	sadd.s32 $0x180, s0  }
0x8: {  	s21 =	sadd.s32 s30, s6;
	s24 =	sshrl.u32 s22, $0x3;
	[dreg:$0x5] =	wrdreg s23  }
0x9: {  	s26 =	sshll.u32 s22, $0x4;
	[dreg:$0x4] =	wrdreg s21;
	s25 =	sadd.s32 s30, s24  }
0xa: {  	s10 =	sshrl.u32 s8, $0x3;
	s5 =	sadd.s32 s1, s26;
	[dreg:$0x6] =	wrdreg s25  }
0xb: {  	s12 =	sshll.u32 s8, $0x4;
	s11 =	sadd.s32 s30, s10;
	[dreg:$0x7] =	wrdreg s5  }
0xc: {  	s6 =	sadd.s32 $0x100, s0;
	s13 =	sadd.s32 s1, s12;
	[dreg:$0xa] =	wrdreg s11  }
0xd: {  	s14 =	sadd.s32 $0x200, s0;
	s7 =	sshrl.u32 s6, $0x3;
	[dreg:$0xb] =	wrdreg s13  }
0xe: {  	s4 =	sadd.s32 s30, s7;
	s5 =	sshll.u32 s6, $0x4;
	s16 =	rddreg [dreg:$0x4]  }
0xf: {  	s15 =	sshrl.u32 s14, $0x3;
	[dreg:$0x8] =	wrdreg s4;
	s9 =	sadd.s32 s1, s5  }
0x10: {  	[tilespmem:s3], [sflag:$0x2] =	stream.linear.gather [hbm4b:s16+s3], $0x80, $0x38;
	[tilespmem:$0x4080] =	vst v63  }
0x11: {  	s4 =	sadd.s32 s30, s15;
	s5 =	sshll.u32 s14, $0x4;
	[dreg:$0x9] =	wrdreg s9  }
0x12: {  	[dreg:$0xc] =	wrdreg s4;
	s17 =	sadd.s32 s1, s5  }
0x13: {  	s4 =	simm.s32 $0x2;
	[dreg:$0xd] =	wrdreg s17  }
0x14: {  	_ =	swait.ge [sflag:s4], $0x80  }
0x15: {  	[sflag:s4] =	ssyncset.done $0x0  }
0x16: {  	s6 =	simm.s32 $0x1;
	s5 =	simm.s32 $0x80;
	[sflag:s4] =	ssyncadd.s32 $0xFFFFFF80  }
0x17: {  	[tilespmem:s5], [sflag:$0x1] =	stream.indirect.gather [hbm4b:s2+s5], $0x80, s3, s5, $0xb8;
	[tilespmem:$0x4080] =	vst v63  }
0x18: {  	_ =	swait.ge [sflag:s6], $0x4000  }
0x19: {  	[sflag:s6] =	ssyncset.done $0x0  }
0x1a: {  	s7 =	rddreg [dreg:$0x5];
	[sflag:s6] =	ssyncadd.s32 $0xFFFFC000  }
0x1b: {  	[hbm4b:s7+s3] =	stream.linear.scatter [tilespmem:s5], [sflag:$0x2], $0x4000, $0x38;
	[tilespmem:$0x4080] =	vst v63  }
0x1c: {  	_ =	swait.ge [sflag:s4], $0x4000  }
0x1d: {  	[sflag:s4] =	ssyncset.done $0x0  }
0x1e: {  	s18 =	rddreg [dreg:$0x6];
	[sflag:s4] =	ssyncadd.s32 $0xFFFFC000  }
0x1f: {  	[tilespmem:s3], [sflag:$0x2] =	stream.linear.gather [hbm4b:s18+s3], $0x80, $0x38;
	[tilespmem:$0x4080] =	vst v63  }
0x20: {  	_ =	swait.ge [sflag:s4], $0x80  }
0x21: {  	[sflag:s4] =	ssyncset.done $0x0  }
0x22: {  	[sflag:s4] =	ssyncadd.s32 $0xFFFFFF80  }
0x23: {  	[tilespmem:s5], [sflag:$0x1] =	stream.indirect.gather [hbm4b:s2+s5], $0x80, s3, s5, $0xb8;
	[tilespmem:$0x4080] =	vst v63  }
0x24: {  	_ =	swait.ge [sflag:s6], $0x4000  }
0x25: {  	[sflag:s6] =	ssyncset.done $0x0  }
0x26: {  	s19 =	rddreg [dreg:$0x7];
	[sflag:s6] =	ssyncadd.s32 $0xFFFFC000  }
0x27: {  	[hbm4b:s19+s3] =	stream.linear.scatter [tilespmem:s5], [sflag:$0x2], $0x4000, $0x38;
	[tilespmem:$0x4080] =	vst v63  }
0x28: {  	_ =	swait.ge [sflag:s4], $0x4000  }
0x29: {  	[sflag:s4] =	ssyncset.done $0x0  }
0x2a: {  	s20 =	rddreg [dreg:$0x8];
	[sflag:s4] =	ssyncadd.s32 $0xFFFFC000  }
0x2b: {  	[tilespmem:s3], [sflag:$0x2] =	stream.linear.gather [hbm4b:s20+s3], $0x80, $0x38;
	[tilespmem:$0x4080] =	vst v63  }
0x2c: {  	_ =	swait.ge [sflag:s4], $0x80  }
0x2d: {  	[sflag:s4] =	ssyncset.done $0x0  }
0x2e: {  	[sflag:s4] =	ssyncadd.s32 $0xFFFFFF80  }
0x2f: {  	[tilespmem:s5], [sflag:$0x1] =	stream.indirect.gather [hbm4b:s2+s5], $0x80, s3, s5, $0xb8;
	[tilespmem:$0x4080] =	vst v63  }
0x30: {  	_ =	swait.ge [sflag:s6], $0x4000  }
0x31: {  	[sflag:s6] =	ssyncset.done $0x0  }
0x32: {  	s21 =	rddreg [dreg:$0x9];
	[sflag:s6] =	ssyncadd.s32 $0xFFFFC000  }
0x33: {  	[hbm4b:s21+s3] =	stream.linear.scatter [tilespmem:s5], [sflag:$0x2], $0x4000, $0x38;
	[tilespmem:$0x4080] =	vst v63  }
0x34: {  	_ =	swait.ge [sflag:s4], $0x4000  }
0x35: {  	[sflag:s4] =	ssyncset.done $0x0  }
0x36: {  	s22 =	rddreg [dreg:$0xa];
	[sflag:s4] =	ssyncadd.s32 $0xFFFFC000  }
0x37: {  	[tilespmem:s3], [sflag:$0x2] =	stream.linear.gather [hbm4b:s22+s3], $0x80, $0x38;
	[tilespmem:$0x4080] =	vst v63  }
0x38: {  	_ =	swait.ge [sflag:s4], $0x80  }
0x39: {  	[sflag:s4] =	ssyncset.done $0x0  }
0x3a: {  	[sflag:s4] =	ssyncadd.s32 $0xFFFFFF80  }
0x3b: {  	[tilespmem:s5], [sflag:$0x1] =	stream.indirect.gather [hbm4b:s2+s5], $0x80, s3, s5, $0xb8;
	[tilespmem:$0x4080] =	vst v63  }
0x3c: {  	_ =	swait.ge [sflag:s6], $0x4000  }
0x3d: {  	[sflag:s6] =	ssyncset.done $0x0  }
0x3e: {  	s23 =	rddreg [dreg:$0xb];
	[sflag:s6] =	ssyncadd.s32 $0xFFFFC000  }
0x3f: {  	[hbm4b:s23+s3] =	stream.linear.scatter [tilespmem:s5], [sflag:$0x2], $0x4000, $0x38;
	[tilespmem:$0x4080] =	vst v63  }
0x40: {  	_ =	swait.ge [sflag:s4], $0x4000  }
0x41: {  	[sflag:s4] =	ssyncset.done $0x0  }
0x42: {  	s24 =	rddreg [dreg:$0xc];
	[sflag:s4] =	ssyncadd.s32 $0xFFFFC000  }
0x43: {  	[tilespmem:s3], [sflag:$0x2] =	stream.linear.gather [hbm4b:s24+s3], $0x80, $0x38;
	[tilespmem:$0x4080] =	vst v63  }
0x44: {  	_ =	swait.ge [sflag:s4], $0x80  }
0x45: {  	[sflag:s4] =	ssyncset.done $0x0  }
0x46: {  	[sflag:s4] =	ssyncadd.s32 $0xFFFFFF80  }
0x47: {  	[tilespmem:s5], [sflag:$0x1] =	stream.indirect.gather [hbm4b:s2+s5], $0x80, s3, s5, $0xb8;
	[tilespmem:$0x4080] =	vst v63  }
0x48: {  	_ =	swait.ge [sflag:s6], $0x4000  }
0x49: {  	[sflag:s6] =	ssyncset.done $0x0  }
0x4a: {  	s25 =	rddreg [dreg:$0xd];
	[sflag:s6] =	ssyncadd.s32 $0xFFFFC000  }
0x4b: {  	[hbm4b:s25+s3] =	stream.linear.scatter [tilespmem:s5], [sflag:$0x2], $0x4000, $0x38;
	[tilespmem:$0x4080] =	vst v63  }
0x4c: {  	s8 =	sadd.s32 $0x280, s0;
	_ =	swait.ge [sflag:s4], $0x4000  }
0x4d: {  	s26 =	sshrl.u32 s8, $0x3;
	[sflag:s4] =	ssyncset.done $0x0  }
0x4e: {  	s7 =	sadd.s32 s30, s26;
	[sflag:s4] =	ssyncadd.s32 $0xFFFFC000  }
0x4f: {  	[tilespmem:s3], [sflag:$0x2] =	stream.linear.gather [hbm4b:s7+s3], $0x80, $0x38;
	[tilespmem:$0x4080] =	vst v63  }
0x50: {  	_ =	swait.ge [sflag:s4], $0x80  }
0x51: {  	[sflag:s4] =	ssyncset.done $0x0  }
0x52: {  	[sflag:s4] =	ssyncadd.s32 $0xFFFFFF80  }
0x53: {  	[tilespmem:s5], [sflag:$0x1] =	stream.indirect.gather [hbm4b:s2+s5], $0x80, s3, s5, $0xb8;
	[tilespmem:$0x4080] =	vst v63  }
0x54: {  	_ =	swait.ge [sflag:s6], $0x4000  }
0x55: {  	s8 =	sshll.u32 s8, $0x4;
	[sflag:s6] =	ssyncset.done $0x0  }
0x56: {  	s8 =	sadd.s32 s1, s8;
	[sflag:s6] =	ssyncadd.s32 $0xFFFFC000  }
0x57: {  	[hbm4b:s8+s3] =	stream.linear.scatter [tilespmem:s5], [sflag:$0x2], $0x4000, $0x38;
	[tilespmem:$0x4080] =	vst v63  }
0x58: {  	s10 =	sadd.s32 $0x300, s0;
	_ =	swait.ge [sflag:s4], $0x4000  }
0x59: {  	s9 =	sshrl.u32 s10, $0x3;
	[sflag:s4] =	ssyncset.done $0x0  }
0x5a: {  	s9 =	sadd.s32 s30, s9;
	[sflag:s4] =	ssyncadd.s32 $0xFFFFC000  }
0x5b: {  	[tilespmem:s3], [sflag:$0x2] =	stream.linear.gather [hbm4b:s9+s3], $0x80, $0x38;
	[tilespmem:$0x4080] =	vst v63  }
0x5c: {  	_ =	swait.ge [sflag:s4], $0x80  }
0x5d: {  	[sflag:s4] =	ssyncset.done $0x0  }
0x5e: {  	[sflag:s4] =	ssyncadd.s32 $0xFFFFFF80  }
0x5f: {  	[tilespmem:s5], [sflag:$0x1] =	stream.indirect.gather [hbm4b:s2+s5], $0x80, s3, s5, $0xb8;
	[tilespmem:$0x4080] =	vst v63  }
0x60: {  	_ =	swait.ge [sflag:s6], $0x4000  }
0x61: {  	s10 =	sshll.u32 s10, $0x4;
	[sflag:s6] =	ssyncset.done $0x0  }
0x62: {  	s10 =	sadd.s32 s1, s10;
	[sflag:s6] =	ssyncadd.s32 $0xFFFFC000  }
0x63: {  	[hbm4b:s10+s3] =	stream.linear.scatter [tilespmem:s5], [sflag:$0x2], $0x4000, $0x38;
	[tilespmem:$0x4080] =	vst v63  }
0x64: {  	s12 =	sadd.s32 $0x380, s0;
	_ =	swait.ge [sflag:s4], $0x4000  }
0x65: {  	s11 =	sshrl.u32 s12, $0x3;
	[sflag:s4] =	ssyncset.done $0x0  }
0x66: {  	s11 =	sadd.s32 s30, s11;
	[sflag:s4] =	ssyncadd.s32 $0xFFFFC000  }
0x67: {  	[tilespmem:s3], [sflag:$0x2] =	stream.linear.gather [hbm4b:s11+s3], $0x80, $0x38;
	[tilespmem:$0x4080] =	vst v63  }
0x68: {  	_ =	swait.ge [sflag:s4], $0x80  }
0x69: {  	[sflag:s4] =	ssyncset.done $0x0  }
0x6a: {  	[sflag:s4] =	ssyncadd.s32 $0xFFFFFF80  }
0x6b: {  	[tilespmem:s5], [sflag:$0x1] =	stream.indirect.gather [hbm4b:s2+s5], $0x80, s3, s5, $0xb8;
	[tilespmem:$0x4080] =	vst v63  }
0x6c: {  	_ =	swait.ge [sflag:s6], $0x4000  }
0x6d: {  	s12 =	sshll.u32 s12, $0x4;
	[sflag:s6] =	ssyncset.done $0x0  }
0x6e: {  	s12 =	sadd.s32 s1, s12;
	[sflag:s6] =	ssyncadd.s32 $0xFFFFC000  }
0x6f: {  	[hbm4b:s12+s3] =	stream.linear.scatter [tilespmem:s5], [sflag:$0x2], $0x4000, $0x38;
	[tilespmem:$0x4080] =	vst v63  }
0x70: {  	s14 =	sadd.s32 $0x400, s0;
	_ =	swait.ge [sflag:s4], $0x4000  }
0x71: {  	s13 =	sshrl.u32 s14, $0x3;
	[sflag:s4] =	ssyncset.done $0x0  }
0x72: {  	s13 =	sadd.s32 s30, s13;
	[sflag:s4] =	ssyncadd.s32 $0xFFFFC000  }
0x73: {  	[tilespmem:s3], [sflag:$0x2] =	stream.linear.gather [hbm4b:s13+s3], $0x80, $0x38;
	[tilespmem:$0x4080] =	vst v63  }
0x74: {  	_ =	swait.ge [sflag:s4], $0x80  }
0x75: {  	[sflag:s4] =	ssyncset.done $0x0  }
0x76: {  	[sflag:s4] =	ssyncadd.s32 $0xFFFFFF80  }
0x77: {  	[tilespmem:s5], [sflag:$0x1] =	stream.indirect.gather [hbm4b:s2+s5], $0x80, s3, s5, $0xb8;
	[tilespmem:$0x4080] =	vst v63  }
0x78: {  	_ =	swait.ge [sflag:s6], $0x4000  }
0x79: {  	s14 =	sshll.u32 s14, $0x4;
	[sflag:s6] =	ssyncset.done $0x0  }
0x7a: {  	s14 =	sadd.s32 s1, s14;
	[sflag:s6] =	ssyncadd.s32 $0xFFFFC000  }
0x7b: {  	[hbm4b:s14+s3] =	stream.linear.scatter [tilespmem:s5], [sflag:$0x2], $0x4000, $0x38;
	[tilespmem:$0x4080] =	vst v63  }
0x7c: {  	s16 =	sadd.s32 $0x480, s0;
	_ =	swait.ge [sflag:s4], $0x4000  }
0x7d: {  	s15 =	sshrl.u32 s16, $0x3;
	[sflag:s4] =	ssyncset.done $0x0  }
0x7e: {  	s15 =	sadd.s32 s30, s15;
	[sflag:s4] =	ssyncadd.s32 $0xFFFFC000  }
0x7f: {  	[tilespmem:s3], [sflag:$0x2] =	stream.linear.gather [hbm4b:s15+s3], $0x80, $0x38;
	[tilespmem:$0x4080] =	vst v63  }
0x80: {  	_ =	swait.ge [sflag:s4], $0x80  }
0x81: {  	[sflag:s4] =	ssyncset.done $0x0  }
0x82: {  	[sflag:s4] =	ssyncadd.s32 $0xFFFFFF80  }
0x83: {  	[tilespmem:s5], [sflag:$0x1] =	stream.indirect.gather [hbm4b:s2+s5], $0x80, s3, s5, $0xb8;
	[tilespmem:$0x4080] =	vst v63  }
0x84: {  	_ =	swait.ge [sflag:s6], $0x4000  }
0x85: {  	s16 =	sshll.u32 s16, $0x4;
	[sflag:s6] =	ssyncset.done $0x0  }
0x86: {  	s16 =	sadd.s32 s1, s16;
	[sflag:s6] =	ssyncadd.s32 $0xFFFFC000  }
0x87: {  	[hbm4b:s16+s3] =	stream.linear.scatter [tilespmem:s5], [sflag:$0x2], $0x4000, $0x38;
	[tilespmem:$0x4080] =	vst v63  }
0x88: {  	s18 =	sadd.s32 $0x500, s0;
	_ =	swait.ge [sflag:s4], $0x4000  }
0x89: {  	s17 =	sshrl.u32 s18, $0x3;
	[sflag:s4] =	ssyncset.done $0x0  }
0x8a: {  	s17 =	sadd.s32 s30, s17;
	[sflag:s4] =	ssyncadd.s32 $0xFFFFC000  }
0x8b: {  	[tilespmem:s3], [sflag:$0x2] =	stream.linear.gather [hbm4b:s17+s3], $0x80, $0x38;
	[tilespmem:$0x4080] =	vst v63  }
0x8c: {  	_ =	swait.ge [sflag:s4], $0x80  }
0x8d: {  	[sflag:s4] =	ssyncset.done $0x0  }
0x8e: {  	[sflag:s4] =	ssyncadd.s32 $0xFFFFFF80  }
0x8f: {  	[tilespmem:s5], [sflag:$0x1] =	stream.indirect.gather [hbm4b:s2+s5], $0x80, s3, s5, $0xb8;
	[tilespmem:$0x4080] =	vst v63  }
0x90: {  	_ =	swait.ge [sflag:s6], $0x4000  }
0x91: {  	s18 =	sshll.u32 s18, $0x4;
	[sflag:s6] =	ssyncset.done $0x0  }
0x92: {  	s18 =	sadd.s32 s1, s18;
	[sflag:s6] =	ssyncadd.s32 $0xFFFFC000  }
0x93: {  	[hbm4b:s18+s3] =	stream.linear.scatter [tilespmem:s5], [sflag:$0x2], $0x4000, $0x38;
	[tilespmem:$0x4080] =	vst v63  }
0x94: {  	s20 =	sadd.s32 $0x580, s0;
	_ =	swait.ge [sflag:s4], $0x4000  }
0x95: {  	s19 =	sshrl.u32 s20, $0x3;
	[sflag:s4] =	ssyncset.done $0x0  }
0x96: {  	s19 =	sadd.s32 s30, s19;
	[sflag:s4] =	ssyncadd.s32 $0xFFFFC000  }
0x97: {  	[tilespmem:s3], [sflag:$0x2] =	stream.linear.gather [hbm4b:s19+s3], $0x80, $0x38;
	[tilespmem:$0x4080] =	vst v63  }
0x98: {  	_ =	swait.ge [sflag:s4], $0x80  }
0x99: {  	[sflag:s4] =	ssyncset.done $0x0  }
0x9a: {  	[sflag:s4] =	ssyncadd.s32 $0xFFFFFF80  }
0x9b: {  	[tilespmem:s5], [sflag:$0x1] =	stream.indirect.gather [hbm4b:s2+s5], $0x80, s3, s5, $0xb8;
	[tilespmem:$0x4080] =	vst v63  }
0x9c: {  	_ =	swait.ge [sflag:s6], $0x4000  }
0x9d: {  	s20 =	sshll.u32 s20, $0x4;
	[sflag:s6] =	ssyncset.done $0x0  }
0x9e: {  	s20 =	sadd.s32 s1, s20;
	[sflag:s6] =	ssyncadd.s32 $0xFFFFC000  }
0x9f: {  	[hbm4b:s20+s3] =	stream.linear.scatter [tilespmem:s5], [sflag:$0x2], $0x4000, $0x38;
	[tilespmem:$0x4080] =	vst v63  }
0xa0: {  	s22 =	sadd.s32 $0x600, s0;
	_ =	swait.ge [sflag:s4], $0x4000  }
0xa1: {  	s21 =	sshrl.u32 s22, $0x3;
	[sflag:s4] =	ssyncset.done $0x0  }
0xa2: {  	s21 =	sadd.s32 s30, s21;
	[sflag:s4] =	ssyncadd.s32 $0xFFFFC000  }
0xa3: {  	[tilespmem:s3], [sflag:$0x2] =	stream.linear.gather [hbm4b:s21+s3], $0x80, $0x38;
	[tilespmem:$0x4080] =	vst v63  }
0xa4: {  	_ =	swait.ge [sflag:s4], $0x80  }
0xa5: {  	[sflag:s4] =	ssyncset.done $0x0  }
0xa6: {  	[sflag:s4] =	ssyncadd.s32 $0xFFFFFF80  }
0xa7: {  	[tilespmem:s5], [sflag:$0x1] =	stream.indirect.gather [hbm4b:s2+s5], $0x80, s3, s5, $0xb8;
	[tilespmem:$0x4080] =	vst v63  }
0xa8: {  	_ =	swait.ge [sflag:s6], $0x4000  }
0xa9: {  	s22 =	sshll.u32 s22, $0x4;
	[sflag:s6] =	ssyncset.done $0x0  }
0xaa: {  	s22 =	sadd.s32 s1, s22;
	[sflag:s6] =	ssyncadd.s32 $0xFFFFC000  }
0xab: {  	[hbm4b:s22+s3] =	stream.linear.scatter [tilespmem:s5], [sflag:$0x2], $0x4000, $0x38;
	[tilespmem:$0x4080] =	vst v63  }
0xac: {  	s24 =	sadd.s32 $0x680, s0;
	_ =	swait.ge [sflag:s4], $0x4000  }
0xad: {  	s23 =	sshrl.u32 s24, $0x3;
	[sflag:s4] =	ssyncset.done $0x0  }
0xae: {  	s23 =	sadd.s32 s30, s23;
	[sflag:s4] =	ssyncadd.s32 $0xFFFFC000  }
0xaf: {  	[tilespmem:s3], [sflag:$0x2] =	stream.linear.gather [hbm4b:s23+s3], $0x80, $0x38;
	[tilespmem:$0x4080] =	vst v63  }
0xb0: {  	_ =	swait.ge [sflag:s4], $0x80  }
0xb1: {  	[sflag:s4] =	ssyncset.done $0x0  }
0xb2: {  	[sflag:s4] =	ssyncadd.s32 $0xFFFFFF80  }
0xb3: {  	[tilespmem:s5], [sflag:$0x1] =	stream.indirect.gather [hbm4b:s2+s5], $0x80, s3, s5, $0xb8;
	[tilespmem:$0x4080] =	vst v63  }
0xb4: {  	_ =	swait.ge [sflag:s6], $0x4000  }
0xb5: {  	s24 =	sshll.u32 s24, $0x4;
	[sflag:s6] =	ssyncset.done $0x0  }
0xb6: {  	s24 =	sadd.s32 s1, s24;
	[sflag:s6] =	ssyncadd.s32 $0xFFFFC000  }
0xb7: {  	[hbm4b:s24+s3] =	stream.linear.scatter [tilespmem:s5], [sflag:$0x2], $0x4000, $0x38;
	[tilespmem:$0x4080] =	vst v63  }
0xb8: {  	s26 =	sadd.s32 $0x700, s0;
	_ =	swait.ge [sflag:s4], $0x4000  }
0xb9: {  	s25 =	sshrl.u32 s26, $0x3;
	[sflag:s4] =	ssyncset.done $0x0  }
0xba: {  	s25 =	sadd.s32 s30, s25;
	[sflag:s4] =	ssyncadd.s32 $0xFFFFC000  }
0xbb: {  	[tilespmem:s3], [sflag:$0x2] =	stream.linear.gather [hbm4b:s25+s3], $0x80, $0x38;
	[tilespmem:$0x4080] =	vst v63  }
0xbc: {  	_ =	swait.ge [sflag:s4], $0x80  }
0xbd: {  	[sflag:s4] =	ssyncset.done $0x0  }
0xbe: {  	[sflag:s4] =	ssyncadd.s32 $0xFFFFFF80  }
0xbf: {  	[tilespmem:s5], [sflag:$0x1] =	stream.indirect.gather [hbm4b:s2+s5], $0x80, s3, s5, $0xb8;
	[tilespmem:$0x4080] =	vst v63  }
0xc0: {  	_ =	swait.ge [sflag:s6], $0x4000  }
0xc1: {  	s26 =	sshll.u32 s26, $0x4;
	[sflag:s6] =	ssyncset.done $0x0  }
0xc2: {  	s26 =	sadd.s32 s1, s26;
	[dreg:$0xe] =	wrdreg s1;
	[sflag:s6] =	ssyncadd.s32 $0xFFFFC000  }
0xc3: {  	[hbm4b:s26+s3] =	stream.linear.scatter [tilespmem:s5], [sflag:$0x2], $0x4000, $0x38;
	[tilespmem:$0x4080] =	vst v63  }
0xc4: {  	s29 =	sadd.s32 $0x780, s0;
	_ =	swait.ge [sflag:s4], $0x4000  }
0xc5: {  	s28 =	sshrl.u32 s29, $0x3;
	[sflag:s4] =	ssyncset.done $0x0  }
0xc6: {  	s28 =	sadd.s32 s30, s28;
	[sflag:s4] =	ssyncadd.s32 $0xFFFFC000  }
0xc7: {  	[tilespmem:s3], [sflag:$0x2] =	stream.linear.gather [hbm4b:s28+s3], $0x80, $0x38;
	[tilespmem:$0x4080] =	vst v63  }
0xc8: {  	_ =	swait.ge [sflag:s4], $0x80  }
0xc9: {  	[sflag:s4] =	ssyncset.done $0x0  }
0xca: {  	[sflag:s4] =	ssyncadd.s32 $0xFFFFFF80  }
0xcb: {  	[tilespmem:s5], [sflag:$0x1] =	stream.indirect.gather [hbm4b:s2+s5], $0x80, s3, s5, $0xb8;
	[tilespmem:$0x4080] =	vst v63  }
0xcc: {  	_ =	swait.ge [sflag:s6], $0x4000  }
0xcd: {  	s29 =	sshll.u32 s29, $0x4;
	[sflag:s6] =	ssyncset.done $0x0  }
0xce: {  	s29 =	sadd.s32 s1, s29;
	s0 =	sadd.s32 $0x800, s0;
	[sflag:s6] =	ssyncadd.s32 $0xFFFFC000  }
0xcf: {  	[hbm4b:s29+s3] =	stream.linear.scatter [tilespmem:s5], [sflag:$0x2], $0x4000, $0x38;
	[tilespmem:$0x4080] =	vst v63  }
0xd0: {  	s1 =	sshrl.u32 s0, $0x3;
	_ =	swait.ge [sflag:s4], $0x4000  }
0xd1: {  	s30 =	sadd.s32 s30, s1;
	s1 =	ssub.s32 $0x2, s31;
	[sflag:s4] =	ssyncset.done $0x0  }
0xd2: {  	s31 =	sshrl.u32 s1, $0x1;
	[sflag:s4] =	ssyncadd.s32 $0xFFFFC000  }
0xd3: {  	[tilespmem:s3], [sflag:$0x2] =	stream.linear.gather [hbm4b:s30+s3], $0x80, $0x38;
	[tilespmem:$0x4080] =	vst v63  }
0xd4: {  	s1 =	ssub.s32 s1, s31;
	_ =	swait.ge [sflag:s4], $0x80  }
0xd5: {  	s1 =	smax.u32 s1, $0x1;
	[sflag:s4] =	ssyncset.done $0x0  }
0xd6: {  	p0 =	sne.s32 s1, $0x1;
	[sflag:s4] =	ssyncadd.s32 $0xFFFFFF80  }
0xd7: {  	[tilespmem:s5], [sflag:$0x1] =	stream.indirect.gather [hbm4b:s2+s5], $0x80, s3, s5, $0xb8;
	[tilespmem:$0x4080] =	vst v63  }
.Ltmp0:
0xd8: {  	_ =	swait.ge [sflag:s6], $0x4000;
	(pc) =	sbr.rel @!p0 .LBB2_2-.Ltmp0, $4  }
0xd9: {  	s0 =	sshll.u32 s0, $0x4;
	[sflag:s6] =	ssyncset.done $0x0;
	s31 =	rddreg [dreg:$0xe]  }
0xda: {  	s31 =	sadd.s32 s31, s0;
	[sflag:s6] =	ssyncadd.s32 $0xFFFFC000  }
0xdb: {  	[hbm4b:s31+s3] =	stream.linear.scatter [tilespmem:s5], [sflag:$0x2], $0x4000, $0x38;
	[tilespmem:$0x4080] =	vst v63  }
0xdc: {  	s1 =	sadd.s32 $0xFFFFFFFF, s1;
	_ =	swait.ge [sflag:s4], $0x4000  }
.LBB2_1:
0xdd: {  	[sflag:s4] =	ssyncset.done $0x0  }
0xde: {  	s0 =	rddreg [dreg:$0x4];
	[sflag:s4] =	ssyncadd.s32 $0xFFFFC000  }
0xdf: {  	[tilespmem:s3], [sflag:$0x2] =	stream.linear.gather [hbm4b:s0+s3], $0x80, $0x38;
	[tilespmem:$0x4080] =	vst v63  }
0xe0: {  	_ =	swait.ge [sflag:s4], $0x80  }
0xe1: {  	[sflag:s4] =	ssyncset.done $0x0  }
0xe2: {  	[sflag:s4] =	ssyncadd.s32 $0xFFFFFF80  }
0xe3: {  	[tilespmem:s5], [sflag:$0x1] =	stream.indirect.gather [hbm4b:s2+s5], $0x80, s3, s5, $0xb8;
	[tilespmem:$0x4080] =	vst v63  }
0xe4: {  	_ =	swait.ge [sflag:s6], $0x4000  }
0xe5: {  	[sflag:s6] =	ssyncset.done $0x0  }
0xe6: {  	s0 =	rddreg [dreg:$0x5];
	[sflag:s6] =	ssyncadd.s32 $0xFFFFC000  }
0xe7: {  	[hbm4b:s0+s3] =	stream.linear.scatter [tilespmem:s5], [sflag:$0x2], $0x4000, $0x38;
	[tilespmem:$0x4080] =	vst v63  }
0xe8: {  	_ =	swait.ge [sflag:s4], $0x4000  }
0xe9: {  	[sflag:s4] =	ssyncset.done $0x0  }
0xea: {  	s0 =	rddreg [dreg:$0x6];
	[sflag:s4] =	ssyncadd.s32 $0xFFFFC000  }
0xeb: {  	[tilespmem:s3], [sflag:$0x2] =	stream.linear.gather [hbm4b:s0+s3], $0x80, $0x38;
	[tilespmem:$0x4080] =	vst v63  }
0xec: {  	_ =	swait.ge [sflag:s4], $0x80  }
0xed: {  	[sflag:s4] =	ssyncset.done $0x0  }
0xee: {  	[sflag:s4] =	ssyncadd.s32 $0xFFFFFF80  }
0xef: {  	[tilespmem:s5], [sflag:$0x1] =	stream.indirect.gather [hbm4b:s2+s5], $0x80, s3, s5, $0xb8;
	[tilespmem:$0x4080] =	vst v63  }
0xf0: {  	_ =	swait.ge [sflag:s6], $0x4000  }
0xf1: {  	[sflag:s6] =	ssyncset.done $0x0  }
0xf2: {  	s0 =	rddreg [dreg:$0x7];
	[sflag:s6] =	ssyncadd.s32 $0xFFFFC000  }
0xf3: {  	[hbm4b:s0+s3] =	stream.linear.scatter [tilespmem:s5], [sflag:$0x2], $0x4000, $0x38;
	[tilespmem:$0x4080] =	vst v63  }
0xf4: {  	_ =	swait.ge [sflag:s4], $0x4000  }
0xf5: {  	[sflag:s4] =	ssyncset.done $0x0  }
0xf6: {  	s0 =	rddreg [dreg:$0x8];
	[sflag:s4] =	ssyncadd.s32 $0xFFFFC000  }
0xf7: {  	[tilespmem:s3], [sflag:$0x2] =	stream.linear.gather [hbm4b:s0+s3], $0x80, $0x38;
	[tilespmem:$0x4080] =	vst v63  }
0xf8: {  	_ =	swait.ge [sflag:s4], $0x80  }
0xf9: {  	[sflag:s4] =	ssyncset.done $0x0  }
0xfa: {  	[sflag:s4] =	ssyncadd.s32 $0xFFFFFF80  }
0xfb: {  	[tilespmem:s5], [sflag:$0x1] =	stream.indirect.gather [hbm4b:s2+s5], $0x80, s3, s5, $0xb8;
	[tilespmem:$0x4080] =	vst v63  }
0xfc: {  	_ =	swait.ge [sflag:s6], $0x4000  }
0xfd: {  	[sflag:s6] =	ssyncset.done $0x0  }
0xfe: {  	s0 =	rddreg [dreg:$0x9];
	[sflag:s6] =	ssyncadd.s32 $0xFFFFC000  }
0xff: {  	[hbm4b:s0+s3] =	stream.linear.scatter [tilespmem:s5], [sflag:$0x2], $0x4000, $0x38;
	[tilespmem:$0x4080] =	vst v63  }
0x100: {  	_ =	swait.ge [sflag:s4], $0x4000  }
0x101: {  	[sflag:s4] =	ssyncset.done $0x0  }
0x102: {  	s0 =	rddreg [dreg:$0xa];
	[sflag:s4] =	ssyncadd.s32 $0xFFFFC000  }
0x103: {  	[tilespmem:s3], [sflag:$0x2] =	stream.linear.gather [hbm4b:s0+s3], $0x80, $0x38;
	[tilespmem:$0x4080] =	vst v63  }
0x104: {  	_ =	swait.ge [sflag:s4], $0x80  }
0x105: {  	[sflag:s4] =	ssyncset.done $0x0  }
0x106: {  	[sflag:s4] =	ssyncadd.s32 $0xFFFFFF80  }
0x107: {  	[tilespmem:s5], [sflag:$0x1] =	stream.indirect.gather [hbm4b:s2+s5], $0x80, s3, s5, $0xb8;
	[tilespmem:$0x4080] =	vst v63  }
0x108: {  	_ =	swait.ge [sflag:s6], $0x4000  }
0x109: {  	[sflag:s6] =	ssyncset.done $0x0  }
0x10a: {  	s0 =	rddreg [dreg:$0xb];
	[sflag:s6] =	ssyncadd.s32 $0xFFFFC000  }
0x10b: {  	[hbm4b:s0+s3] =	stream.linear.scatter [tilespmem:s5], [sflag:$0x2], $0x4000, $0x38;
	[tilespmem:$0x4080] =	vst v63  }
0x10c: {  	_ =	swait.ge [sflag:s4], $0x4000  }
0x10d: {  	[sflag:s4] =	ssyncset.done $0x0  }
0x10e: {  	s0 =	rddreg [dreg:$0xc];
	[sflag:s4] =	ssyncadd.s32 $0xFFFFC000  }
0x10f: {  	[tilespmem:s3], [sflag:$0x2] =	stream.linear.gather [hbm4b:s0+s3], $0x80, $0x38;
	[tilespmem:$0x4080] =	vst v63  }
0x110: {  	_ =	swait.ge [sflag:s4], $0x80  }
0x111: {  	[sflag:s4] =	ssyncset.done $0x0  }
0x112: {  	[sflag:s4] =	ssyncadd.s32 $0xFFFFFF80  }
0x113: {  	[tilespmem:s5], [sflag:$0x1] =	stream.indirect.gather [hbm4b:s2+s5], $0x80, s3, s5, $0xb8;
	[tilespmem:$0x4080] =	vst v63  }
0x114: {  	_ =	swait.ge [sflag:s6], $0x4000  }
0x115: {  	[sflag:s6] =	ssyncset.done $0x0  }
0x116: {  	s0 =	rddreg [dreg:$0xd];
	[sflag:s6] =	ssyncadd.s32 $0xFFFFC000  }
0x117: {  	[hbm4b:s0+s3] =	stream.linear.scatter [tilespmem:s5], [sflag:$0x2], $0x4000, $0x38;
	[tilespmem:$0x4080] =	vst v63  }
0x118: {  	_ =	swait.ge [sflag:s4], $0x4000  }
0x119: {  	[sflag:s4] =	ssyncset.done $0x0  }
0x11a: {  	[sflag:s4] =	ssyncadd.s32 $0xFFFFC000  }
0x11b: {  	[tilespmem:s3], [sflag:$0x2] =	stream.linear.gather [hbm4b:s7+s3], $0x80, $0x38;
	[tilespmem:$0x4080] =	vst v63  }
0x11c: {  	_ =	swait.ge [sflag:s4], $0x80  }
0x11d: {  	[sflag:s4] =	ssyncset.done $0x0  }
0x11e: {  	[sflag:s4] =	ssyncadd.s32 $0xFFFFFF80  }
0x11f: {  	[tilespmem:s5], [sflag:$0x1] =	stream.indirect.gather [hbm4b:s2+s5], $0x80, s3, s5, $0xb8;
	[tilespmem:$0x4080] =	vst v63  }
0x120: {  	_ =	swait.ge [sflag:s6], $0x4000  }
0x121: {  	[sflag:s6] =	ssyncset.done $0x0  }
0x122: {  	[sflag:s6] =	ssyncadd.s32 $0xFFFFC000  }
0x123: {  	[hbm4b:s8+s3] =	stream.linear.scatter [tilespmem:s5], [sflag:$0x2], $0x4000, $0x38;
	[tilespmem:$0x4080] =	vst v63  }
0x124: {  	_ =	swait.ge [sflag:s4], $0x4000  }
0x125: {  	[sflag:s4] =	ssyncset.done $0x0  }
0x126: {  	[sflag:s4] =	ssyncadd.s32 $0xFFFFC000  }
0x127: {  	[tilespmem:s3], [sflag:$0x2] =	stream.linear.gather [hbm4b:s9+s3], $0x80, $0x38;
	[tilespmem:$0x4080] =	vst v63  }
0x128: {  	_ =	swait.ge [sflag:s4], $0x80  }
0x129: {  	[sflag:s4] =	ssyncset.done $0x0  }
0x12a: {  	[sflag:s4] =	ssyncadd.s32 $0xFFFFFF80  }
0x12b: {  	[tilespmem:s5], [sflag:$0x1] =	stream.indirect.gather [hbm4b:s2+s5], $0x80, s3, s5, $0xb8;
	[tilespmem:$0x4080] =	vst v63  }
0x12c: {  	_ =	swait.ge [sflag:s6], $0x4000  }
0x12d: {  	[sflag:s6] =	ssyncset.done $0x0  }
0x12e: {  	[sflag:s6] =	ssyncadd.s32 $0xFFFFC000  }
0x12f: {  	[hbm4b:s10+s3] =	stream.linear.scatter [tilespmem:s5], [sflag:$0x2], $0x4000, $0x38;
	[tilespmem:$0x4080] =	vst v63  }
0x130: {  	_ =	swait.ge [sflag:s4], $0x4000  }
0x131: {  	[sflag:s4] =	ssyncset.done $0x0  }
0x132: {  	[sflag:s4] =	ssyncadd.s32 $0xFFFFC000  }
0x133: {  	[tilespmem:s3], [sflag:$0x2] =	stream.linear.gather [hbm4b:s11+s3], $0x80, $0x38;
	[tilespmem:$0x4080] =	vst v63  }
0x134: {  	_ =	swait.ge [sflag:s4], $0x80  }
0x135: {  	[sflag:s4] =	ssyncset.done $0x0  }
0x136: {  	[sflag:s4] =	ssyncadd.s32 $0xFFFFFF80  }
0x137: {  	[tilespmem:s5], [sflag:$0x1] =	stream.indirect.gather [hbm4b:s2+s5], $0x80, s3, s5, $0xb8;
	[tilespmem:$0x4080] =	vst v63  }
0x138: {  	_ =	swait.ge [sflag:s6], $0x4000  }
0x139: {  	[sflag:s6] =	ssyncset.done $0x0  }
0x13a: {  	[sflag:s6] =	ssyncadd.s32 $0xFFFFC000  }
0x13b: {  	[hbm4b:s12+s3] =	stream.linear.scatter [tilespmem:s5], [sflag:$0x2], $0x4000, $0x38;
	[tilespmem:$0x4080] =	vst v63  }
0x13c: {  	_ =	swait.ge [sflag:s4], $0x4000  }
0x13d: {  	[sflag:s4] =	ssyncset.done $0x0  }
0x13e: {  	[sflag:s4] =	ssyncadd.s32 $0xFFFFC000  }
0x13f: {  	[tilespmem:s3], [sflag:$0x2] =	stream.linear.gather [hbm4b:s13+s3], $0x80, $0x38;
	[tilespmem:$0x4080] =	vst v63  }
0x140: {  	_ =	swait.ge [sflag:s4], $0x80  }
0x141: {  	[sflag:s4] =	ssyncset.done $0x0  }
0x142: {  	[sflag:s4] =	ssyncadd.s32 $0xFFFFFF80  }
0x143: {  	[tilespmem:s5], [sflag:$0x1] =	stream.indirect.gather [hbm4b:s2+s5], $0x80, s3, s5, $0xb8;
	[tilespmem:$0x4080] =	vst v63  }
0x144: {  	_ =	swait.ge [sflag:s6], $0x4000  }
0x145: {  	[sflag:s6] =	ssyncset.done $0x0  }
0x146: {  	[sflag:s6] =	ssyncadd.s32 $0xFFFFC000  }
0x147: {  	[hbm4b:s14+s3] =	stream.linear.scatter [tilespmem:s5], [sflag:$0x2], $0x4000, $0x38;
	[tilespmem:$0x4080] =	vst v63  }
0x148: {  	_ =	swait.ge [sflag:s4], $0x4000  }
0x149: {  	[sflag:s4] =	ssyncset.done $0x0  }
0x14a: {  	[sflag:s4] =	ssyncadd.s32 $0xFFFFC000  }
0x14b: {  	[tilespmem:s3], [sflag:$0x2] =	stream.linear.gather [hbm4b:s15+s3], $0x80, $0x38;
	[tilespmem:$0x4080] =	vst v63  }
0x14c: {  	_ =	swait.ge [sflag:s4], $0x80  }
0x14d: {  	[sflag:s4] =	ssyncset.done $0x0  }
0x14e: {  	[sflag:s4] =	ssyncadd.s32 $0xFFFFFF80  }
0x14f: {  	[tilespmem:s5], [sflag:$0x1] =	stream.indirect.gather [hbm4b:s2+s5], $0x80, s3, s5, $0xb8;
	[tilespmem:$0x4080] =	vst v63  }
0x150: {  	_ =	swait.ge [sflag:s6], $0x4000  }
0x151: {  	[sflag:s6] =	ssyncset.done $0x0  }
0x152: {  	[sflag:s6] =	ssyncadd.s32 $0xFFFFC000  }
0x153: {  	[hbm4b:s16+s3] =	stream.linear.scatter [tilespmem:s5], [sflag:$0x2], $0x4000, $0x38;
	[tilespmem:$0x4080] =	vst v63  }
0x154: {  	_ =	swait.ge [sflag:s4], $0x4000  }
0x155: {  	[sflag:s4] =	ssyncset.done $0x0  }
0x156: {  	[sflag:s4] =	ssyncadd.s32 $0xFFFFC000  }
0x157: {  	[tilespmem:s3], [sflag:$0x2] =	stream.linear.gather [hbm4b:s17+s3], $0x80, $0x38;
	[tilespmem:$0x4080] =	vst v63  }
0x158: {  	_ =	swait.ge [sflag:s4], $0x80  }
0x159: {  	[sflag:s4] =	ssyncset.done $0x0  }
0x15a: {  	[sflag:s4] =	ssyncadd.s32 $0xFFFFFF80  }
0x15b: {  	[tilespmem:s5], [sflag:$0x1] =	stream.indirect.gather [hbm4b:s2+s5], $0x80, s3, s5, $0xb8;
	[tilespmem:$0x4080] =	vst v63  }
0x15c: {  	_ =	swait.ge [sflag:s6], $0x4000  }
0x15d: {  	[sflag:s6] =	ssyncset.done $0x0  }
0x15e: {  	[sflag:s6] =	ssyncadd.s32 $0xFFFFC000  }
0x15f: {  	[hbm4b:s18+s3] =	stream.linear.scatter [tilespmem:s5], [sflag:$0x2], $0x4000, $0x38;
	[tilespmem:$0x4080] =	vst v63  }
0x160: {  	_ =	swait.ge [sflag:s4], $0x4000  }
0x161: {  	[sflag:s4] =	ssyncset.done $0x0  }
0x162: {  	[sflag:s4] =	ssyncadd.s32 $0xFFFFC000  }
0x163: {  	[tilespmem:s3], [sflag:$0x2] =	stream.linear.gather [hbm4b:s19+s3], $0x80, $0x38;
	[tilespmem:$0x4080] =	vst v63  }
0x164: {  	_ =	swait.ge [sflag:s4], $0x80  }
0x165: {  	[sflag:s4] =	ssyncset.done $0x0  }
0x166: {  	[sflag:s4] =	ssyncadd.s32 $0xFFFFFF80  }
0x167: {  	[tilespmem:s5], [sflag:$0x1] =	stream.indirect.gather [hbm4b:s2+s5], $0x80, s3, s5, $0xb8;
	[tilespmem:$0x4080] =	vst v63  }
0x168: {  	_ =	swait.ge [sflag:s6], $0x4000  }
0x169: {  	[sflag:s6] =	ssyncset.done $0x0  }
0x16a: {  	[sflag:s6] =	ssyncadd.s32 $0xFFFFC000  }
0x16b: {  	[hbm4b:s20+s3] =	stream.linear.scatter [tilespmem:s5], [sflag:$0x2], $0x4000, $0x38;
	[tilespmem:$0x4080] =	vst v63  }
0x16c: {  	_ =	swait.ge [sflag:s4], $0x4000  }
0x16d: {  	[sflag:s4] =	ssyncset.done $0x0  }
0x16e: {  	[sflag:s4] =	ssyncadd.s32 $0xFFFFC000  }
0x16f: {  	[tilespmem:s3], [sflag:$0x2] =	stream.linear.gather [hbm4b:s21+s3], $0x80, $0x38;
	[tilespmem:$0x4080] =	vst v63  }
0x170: {  	_ =	swait.ge [sflag:s4], $0x80  }
0x171: {  	[sflag:s4] =	ssyncset.done $0x0  }
0x172: {  	[sflag:s4] =	ssyncadd.s32 $0xFFFFFF80  }
0x173: {  	[tilespmem:s5], [sflag:$0x1] =	stream.indirect.gather [hbm4b:s2+s5], $0x80, s3, s5, $0xb8;
	[tilespmem:$0x4080] =	vst v63  }
0x174: {  	_ =	swait.ge [sflag:s6], $0x4000  }
0x175: {  	[sflag:s6] =	ssyncset.done $0x0  }
0x176: {  	[sflag:s6] =	ssyncadd.s32 $0xFFFFC000  }
0x177: {  	[hbm4b:s22+s3] =	stream.linear.scatter [tilespmem:s5], [sflag:$0x2], $0x4000, $0x38;
	[tilespmem:$0x4080] =	vst v63  }
0x178: {  	_ =	swait.ge [sflag:s4], $0x4000  }
0x179: {  	[sflag:s4] =	ssyncset.done $0x0  }
0x17a: {  	[sflag:s4] =	ssyncadd.s32 $0xFFFFC000  }
0x17b: {  	[tilespmem:s3], [sflag:$0x2] =	stream.linear.gather [hbm4b:s23+s3], $0x80, $0x38;
	[tilespmem:$0x4080] =	vst v63  }
0x17c: {  	_ =	swait.ge [sflag:s4], $0x80  }
0x17d: {  	[sflag:s4] =	ssyncset.done $0x0  }
0x17e: {  	[sflag:s4] =	ssyncadd.s32 $0xFFFFFF80  }
0x17f: {  	[tilespmem:s5], [sflag:$0x1] =	stream.indirect.gather [hbm4b:s2+s5], $0x80, s3, s5, $0xb8;
	[tilespmem:$0x4080] =	vst v63  }
0x180: {  	_ =	swait.ge [sflag:s6], $0x4000  }
0x181: {  	[sflag:s6] =	ssyncset.done $0x0  }
0x182: {  	[sflag:s6] =	ssyncadd.s32 $0xFFFFC000  }
0x183: {  	[hbm4b:s24+s3] =	stream.linear.scatter [tilespmem:s5], [sflag:$0x2], $0x4000, $0x38;
	[tilespmem:$0x4080] =	vst v63  }
0x184: {  	_ =	swait.ge [sflag:s4], $0x4000  }
0x185: {  	[sflag:s4] =	ssyncset.done $0x0  }
0x186: {  	[sflag:s4] =	ssyncadd.s32 $0xFFFFC000  }
0x187: {  	[tilespmem:s3], [sflag:$0x2] =	stream.linear.gather [hbm4b:s25+s3], $0x80, $0x38;
	[tilespmem:$0x4080] =	vst v63  }
0x188: {  	_ =	swait.ge [sflag:s4], $0x80  }
0x189: {  	[sflag:s4] =	ssyncset.done $0x0  }
0x18a: {  	[sflag:s4] =	ssyncadd.s32 $0xFFFFFF80  }
0x18b: {  	[tilespmem:s5], [sflag:$0x1] =	stream.indirect.gather [hbm4b:s2+s5], $0x80, s3, s5, $0xb8;
	[tilespmem:$0x4080] =	vst v63  }
0x18c: {  	_ =	swait.ge [sflag:s6], $0x4000  }
0x18d: {  	[sflag:s6] =	ssyncset.done $0x0  }
0x18e: {  	[sflag:s6] =	ssyncadd.s32 $0xFFFFC000  }
0x18f: {  	[hbm4b:s26+s3] =	stream.linear.scatter [tilespmem:s5], [sflag:$0x2], $0x4000, $0x38;
	[tilespmem:$0x4080] =	vst v63  }
0x190: {  	_ =	swait.ge [sflag:s4], $0x4000  }
0x191: {  	[sflag:s4] =	ssyncset.done $0x0  }
0x192: {  	[sflag:s4] =	ssyncadd.s32 $0xFFFFC000  }
0x193: {  	[tilespmem:s3], [sflag:$0x2] =	stream.linear.gather [hbm4b:s28+s3], $0x80, $0x38;
	[tilespmem:$0x4080] =	vst v63  }
0x194: {  	_ =	swait.ge [sflag:s4], $0x80  }
0x195: {  	[sflag:s4] =	ssyncset.done $0x0  }
0x196: {  	[sflag:s4] =	ssyncadd.s32 $0xFFFFFF80  }
0x197: {  	[tilespmem:s5], [sflag:$0x1] =	stream.indirect.gather [hbm4b:s2+s5], $0x80, s3, s5, $0xb8;
	[tilespmem:$0x4080] =	vst v63  }
0x198: {  	_ =	swait.ge [sflag:s6], $0x4000  }
0x199: {  	[sflag:s6] =	ssyncset.done $0x0  }
0x19a: {  	[sflag:s6] =	ssyncadd.s32 $0xFFFFC000  }
0x19b: {  	[hbm4b:s29+s3] =	stream.linear.scatter [tilespmem:s5], [sflag:$0x2], $0x4000, $0x38;
	[tilespmem:$0x4080] =	vst v63  }
0x19c: {  	_ =	swait.ge [sflag:s4], $0x4000  }
0x19d: {  	[sflag:s4] =	ssyncset.done $0x0  }
0x19e: {  	[sflag:s4] =	ssyncadd.s32 $0xFFFFC000  }
0x19f: {  	[tilespmem:s3], [sflag:$0x2] =	stream.linear.gather [hbm4b:s30+s3], $0x80, $0x38;
	[tilespmem:$0x4080] =	vst v63  }
0x1a0: {  	_ =	swait.ge [sflag:s4], $0x80  }
0x1a1: {  	[sflag:s4] =	ssyncset.done $0x0  }
0x1a2: {  	p0 =	sne.s32 s1, $0x1;
	[sflag:s4] =	ssyncadd.s32 $0xFFFFFF80  }
0x1a3: {  	[tilespmem:s5], [sflag:$0x1] =	stream.indirect.gather [hbm4b:s2+s5], $0x80, s3, s5, $0xb8;
	[tilespmem:$0x4080] =	vst v63  }
.Ltmp1:
0x1a4: {  	_ =	swait.ge [sflag:s6], $0x4000;
	(pc) =	sbr.rel @p0 .LBB2_1-.Ltmp1, $4  }
0x1a5: {  	[sflag:s6] =	ssyncset.done $0x0  }
0x1a6: {  	[sflag:s6] =	ssyncadd.s32 $0xFFFFC000  }
0x1a7: {  	[hbm4b:s31+s3] =	stream.linear.scatter [tilespmem:s5], [sflag:$0x2], $0x4000, $0x38;
	[tilespmem:$0x4080] =	vst v63  }
0x1a8: {  	s1 =	sadd.s32 $0xFFFFFFFF, s1;
	_ =	swait.ge [sflag:s4], $0x4000  }
.LBB2_2:
0x1a9: {  	[sflag:s4] =	ssyncset.done $0x0  }
0x1aa: {  	[sflag:s4] =	ssyncadd.s32 $0xFFFFC000  }
0x1ab: {  	_ =	sfence.sel $0x180000  }
0x1ac: {  	[bflag:$0x0] =	sbarrier.arrive $0xFFFF  }
0x1ad: {  	_ =	strace $0x9000004A  }
0x1ae: {  	s0 =	stileid.u32;
	[bflag:$0x2] =	sbarrier.arrive $0xFFFF  }
0x1af: {  	p0 =	sne.s32 s0, $0x0;
	s0 =	rddreg [dreg:$0x3]  }
0x1b0: {  	s0 =	sadd.s32 @!p0 $0x100000, s0  }
0x1b1: {  	[sflag:s0] =	ssyncadd.tile.s32 @!p0 $0x1;
	_ =	shalt  }
.Lfunc_end2:
_tile_overlayer_lowered:
.L_overlay_start_2:
0x1b2: {  	(tag) =	ssettag $0x2  }
0x1b3: {  	s0 =	rddreg [dreg:$0x0];
	s2 =	stileid.u32  }
0x1b4: {  	s1 =	rddreg [dreg:$0x1];
	p0 =	sne.s32 s2, $0x0  }
0x1b5: {  	s3 =	rddreg [dreg:$0x2];
	[bflag:$0x3] =	sbarrier.arrive $0xFFFF;
	s2 =	simm.s32 @!p0 $0x1C02  }
0x1b6: {  	[timem:s3], [sflag:s2] =	dma.local @!p0 [hbm:s0], s1  }
0x1b7: {  	s0 =	simm.s32 @!p0 $0x2  }
0x1b8: {  	_ =	swait.ge @!p0 [sflag:s0], s1  }
0x1b9: {  	s1 =	ssub.s32 @!p0 $0x0, s1;
	[sflag:s0] =	ssyncset.done @!p0 $0x0  }
0x1ba: {  	[sflag:s0] =	ssyncadd.s32 @!p0 s1  }
0x1bb: {  	[bflag:$0x3] =	sbarrier.arrive $0xFFFF  }
0x1bc: {  	_ =	shalt  }

</sc_bundles>
